<compile_context>
chip_gen: v7x
topology: tpu7x:2x2x1
jax: 0.10.2.dev20260603
libtpu: 0.0.44.dev20260713+nightly
codegen_flags: <defaults>
</compile_context>

<pallas_src>
import dataclasses
import functools

import jax
import jax.numpy as jnp
from jax import lax
from jax.experimental import pallas as pl
from jax.experimental.pallas import tpu as pltpu
from jax.experimental.pallas import tpu_sc as plsc

_cp = pltpu.CompilerParams()
if "needs_layout_passes" in pltpu.CompilerParams.__dataclass_fields__:
    _cp = dataclasses.replace(_cp, needs_layout_passes=False)

N = 10000
E = 320000
D = 128

NC = 2
NS = 16
NW = NC * NS
L = 16

NP = 10240
EPW = E // NW
C = 125
NCHUNK = EPW // C
RPS = NP // NS

_mesh = plsc.VectorSubcoreMesh(core_axis_name="c", subcore_axis_name="s")


def _zero_fill(buf, nrows, ncols):
    z16 = jnp.zeros((16,), jnp.float32)

    @pl.loop(0, nrows)
    def _(r):
        @pl.loop(0, ncols, step=16)
        def _(c0):
            buf[r, pl.ds(c0, 16)] = z16


def _sc_degrees(src, dst):

    @functools.partial(
        pl.kernel,
        out_type=(
            jax.ShapeDtypeStruct((NC, NP), jnp.float32),
            jax.ShapeDtypeStruct((NC, NP), jnp.float32),
        ),
        mesh=_mesh,
        scratch_types=[
            pltpu.VMEM_SHARED((NS, NP), jnp.float32),
            pltpu.VMEM_SHARED((NS, NP), jnp.float32),
            pltpu.VMEM((NP,), jnp.float32),
            pltpu.VMEM((NP,), jnp.float32),
            pltpu.VMEM((EPW,), jnp.int32),
            pltpu.VMEM((EPW,), jnp.int32),
            pltpu.VMEM((NS, RPS), jnp.float32),
            pltpu.VMEM((RPS,), jnp.float32),
        ],
        compiler_params=_cp,
    )
    def deg_kernel(src_hbm, dst_hbm, do_hbm, di_hbm, sh2o, sh2i, ho, hi,
                   sidx, didx, red, outv):
        cid = lax.axis_index("c")
        sid = lax.axis_index("s")
        wid = sid * NC + cid
        z16 = jnp.zeros((16,), jnp.float32)
        o16 = jnp.ones((16,), jnp.float32)

        @pl.loop(0, NP, step=16)
        def _(i):
            ho[pl.ds(i, 16)] = z16
            hi[pl.ds(i, 16)] = z16

        pltpu.sync_copy(src_hbm.at[pl.ds(wid * EPW, EPW)], sidx)
        pltpu.sync_copy(dst_hbm.at[pl.ds(wid * EPW, EPW)], didx)

        @pl.loop(0, EPW, step=16)
        def _(j):
            plsc.addupdate_scatter(ho, [sidx[pl.ds(j, 16)]], o16)
            plsc.addupdate_scatter(hi, [didx[pl.ds(j, 16)]], o16)

        pltpu.sync_copy(ho, sh2o.at[sid])
        pltpu.sync_copy(hi, sh2i.at[sid])
        plsc.subcore_barrier()

        for sh2, out_hbm in ((sh2o, do_hbm), (sh2i, di_hbm)):
            @pl.loop(0, NS)
            def _(t):
                pltpu.sync_copy(sh2.at[t, pl.ds(sid * RPS, RPS)], red.at[t])

            @pl.loop(0, RPS, step=16)
            def _(c0):
                acc = red[0, pl.ds(c0, 16)]
                for t in range(1, NS):
                    acc = acc + red[t, pl.ds(c0, 16)]
                outv[pl.ds(c0, 16)] = acc

            pltpu.sync_copy(outv, out_hbm.at[cid, pl.ds(sid * RPS, RPS)])

    return deg_kernel(src, dst)


def _sc_aggregate(h, src, dst):

    @functools.partial(
        pl.kernel,
        out_type=jax.ShapeDtypeStruct((NC, NP, D), jnp.float32),
        mesh=_mesh,
        scratch_types=[
            pltpu.VMEM_SHARED((NP, D), jnp.float32),
            pltpu.VMEM((C, D), jnp.float32),
            pltpu.VMEM((C, D), jnp.float32),
            pltpu.VMEM((NCHUNK, C), jnp.int32),
            pltpu.VMEM((2, C), jnp.int32),
            pltpu.SemaphoreType.DMA,
            pltpu.SemaphoreType.DMA,
            pltpu.SemaphoreType.DMA,
            pltpu.SemaphoreType.DMA,
        ],
    )
    def agg_kernel(h_hbm, src_hbm, dst_hbm, out_hbm, sh_agg, rows0, rows1,
                   sidx2, didx, gsem0, gsem1, dsem0, dsem1):
        cid = lax.axis_index("c")
        sid = lax.axis_index("s")
        wid = sid * NC + cid

        pltpu.sync_copy(src_hbm.at[wid], sidx2)
        pltpu.async_copy(h_hbm.at[sidx2.at[0]], rows0, gsem0)
        pltpu.async_copy(dst_hbm.at[wid, 0], didx.at[0], dsem0)
        pltpu.async_copy(dst_hbm.at[wid, 1], didx.at[1], dsem1)

        _zero_fill(rows1, C, D)

        @pl.loop(0, 600, step=120)
        def _(j):
            pltpu.sync_copy(rows1.at[pl.ds(0, 120)],
                            sh_agg.at[pl.ds(sid * RPS + j, 120)])

        pltpu.sync_copy(rows1.at[pl.ds(0, 40)],
                        sh_agg.at[pl.ds(sid * RPS + 600, 40)])

        pltpu.async_copy(h_hbm.at[sidx2.at[1]], rows1, gsem1)
        plsc.subcore_barrier()

        @pl.loop(0, NCHUNK, step=2)
        def _(k):
            pltpu.make_async_copy(h_hbm.at[sidx2.at[k]], rows0, gsem0).wait()
            pltpu.make_async_copy(dst_hbm.at[wid, k], didx.at[0],
                                  dsem0).wait()
            pltpu.sync_copy(rows0, sh_agg.at[didx.at[0]], add=True)

            @pl.when(k + 2 < NCHUNK)
            def _():
                pltpu.async_copy(h_hbm.at[sidx2.at[k + 2]], rows0, gsem0)
                pltpu.async_copy(dst_hbm.at[wid, k + 2], didx.at[0], dsem0)

            pltpu.make_async_copy(h_hbm.at[sidx2.at[k + 1]], rows1,
                                  gsem1).wait()
            pltpu.make_async_copy(dst_hbm.at[wid, k + 1], didx.at[1],
                                  dsem1).wait()
            pltpu.sync_copy(rows1, sh_agg.at[didx.at[1]], add=True)

            @pl.when(k + 3 < NCHUNK)
            def _():
                pltpu.async_copy(h_hbm.at[sidx2.at[k + 3]], rows1, gsem1)
                pltpu.async_copy(dst_hbm.at[wid, k + 3], didx.at[1], dsem1)

        plsc.subcore_barrier()

        sl = pl.ds(sid * RPS, RPS)
        pltpu.sync_copy(sh_agg.at[sl], out_hbm.at[cid, sl])

    return agg_kernel(h, src.reshape(NW, NCHUNK, C),
                      dst.reshape(NW, NCHUNK, C))


_R = 1000


def _tc_norms(deg_out, deg_in, x):

    def body(co_ref, ci_ref, x_ref, xs_ref, ns_ref, nd_ref):
        deg_o = co_ref[0] + co_ref[1]
        deg_i = ci_ref[0] + ci_ref[1]
        ns = jnp.where(deg_o > 0, lax.rsqrt(jnp.maximum(deg_o, 1e-12)), 0.0)
        nd = jnp.where(deg_i > 0, lax.rsqrt(jnp.maximum(deg_i, 1e-12)), 0.0)
        ns_ref[...] = ns
        nd_ref[...] = nd
        xs_ref[...] = x_ref[...] * ns

    return pl.pallas_call(
        body,
        grid=(N // _R,),
        in_specs=[
            pl.BlockSpec((NC, _R, 1), lambda i: (0, i, 0)),
            pl.BlockSpec((NC, _R, 1), lambda i: (0, i, 0)),
            pl.BlockSpec((_R, D), lambda i: (i, 0)),
        ],
        out_specs=[
            pl.BlockSpec((_R, D), lambda i: (i, 0)),
            pl.BlockSpec((_R, 1), lambda i: (i, 0)),
            pl.BlockSpec((_R, 1), lambda i: (i, 0)),
        ],
        out_shape=[
            jax.ShapeDtypeStruct((N, D), jnp.float32),
            jax.ShapeDtypeStruct((N, 1), jnp.float32),
            jax.ShapeDtypeStruct((N, 1), jnp.float32),
        ],
    )(deg_out.reshape(NC, NP, 1), deg_in.reshape(NC, NP, 1), x)


def _tc_layer(agg, nd, ns, w, b, scale_out):

    def body(a_ref, nd_ref, ns_ref, w_ref, b_ref, o_ref):
        a = (a_ref[0] + a_ref[1]) * nd_ref[...]
        h = jnp.dot(a, w_ref[...], preferred_element_type=jnp.float32)
        h = jnp.maximum(h + b_ref[...], 0.0)
        if scale_out:
            h = h * ns_ref[...]
        o_ref[...] = h

    return pl.pallas_call(
        body,
        grid=(N // _R,),
        in_specs=[
            pl.BlockSpec((NC, _R, D), lambda i: (0, i, 0)),
            pl.BlockSpec((_R, 1), lambda i: (i, 0)),
            pl.BlockSpec((_R, 1), lambda i: (i, 0)),
            pl.BlockSpec((D, D), lambda i: (0, 0)),
            pl.BlockSpec((1, D), lambda i: (0, 0)),
        ],
        out_specs=pl.BlockSpec((_R, D), lambda i: (i, 0)),
        out_shape=jax.ShapeDtypeStruct((N, D), jnp.float32),
    )(agg, nd, ns, w, b)


def kernel(x, edge_index, W1, b1, W2, b2):
    src = edge_index[0].astype(jnp.int32)
    dst = edge_index[1].astype(jnp.int32)

    deg_out, deg_in = _sc_degrees(src, dst)
    xs, nsrc, ndst = _tc_norms(deg_out, deg_in, x)

    agg1 = _sc_aggregate(xs, src, dst)
    h1 = _tc_layer(agg1, ndst, nsrc, W1, b1.reshape(1, D), scale_out=True)

    agg2 = _sc_aggregate(h1, src, dst)
    out = _tc_layer(agg2, ndst, nsrc, W2, b2.reshape(1, D), scale_out=False)
    return out

# --- scband reference (transcript-rebuilt; emitter-appended) ---
"""Pipeline reference for scband-stochastic-two-layer-gcn-79285096284697 (READ-ONLY COPY).

The authoritative reference and input builder live on the scoring server;
editing this copy changes nothing except your own understanding.
"""

import jax, jax.numpy as jnp
import numpy as np

N = 10000
E = 320000
D_IN = 128
D_HID = 128
D_OUT = 128


def setup_inputs(seed: int = 0) -> dict:
    key = jax.random.key(seed)
    k1, k2, k3, k4 = jax.random.split(key, 4)
    x = jax.random.normal(k1, (N, D_IN), dtype=jnp.float32)
    edge_index = jax.random.randint(k2, (2, E), 0, N)
    W1 = jax.random.normal(k3, (D_IN, D_HID), dtype=jnp.float32) * (1.0 / np.sqrt(D_IN))
    b1 = jnp.zeros((D_HID,), dtype=jnp.float32)
    W2 = jax.random.normal(k4, (D_HID, D_OUT), dtype=jnp.float32) * (1.0 / np.sqrt(D_HID))
    b2 = jnp.zeros((D_OUT,), dtype=jnp.float32)
    return {"x": x, "edge_index": edge_index, "W1": W1, "b1": b1, "W2": W2, "b2": b2}


def _graph_conv_both(h, src, dst, norm_src, norm_dst, W, b):
    # DGL GraphConv with norm='both': D_out^{-1/2} applied to src feats,
    # copy-src sum aggregation, D_in^{-1/2} applied to dst, then linear.
    h = h * norm_src[:, None]
    msgs = jnp.take(h, src, axis=0)                       # gather (SparseCore)
    agg = jax.ops.segment_sum(msgs, dst, num_segments=N)  # scatter-add
    agg = agg * norm_dst[:, None]
    return agg @ W + b


def reference(x, edge_index, W1, b1, W2, b2):
    src = edge_index[0]
    dst = edge_index[1]
    ones = jnp.ones((E,), dtype=jnp.float32)
    deg_out = jax.ops.segment_sum(ones, src, num_segments=N)
    deg_in = jax.ops.segment_sum(ones, dst, num_segments=N)
    norm_src = jnp.where(deg_out > 0, jax.lax.rsqrt(jnp.maximum(deg_out, 1e-12)), 0.0)
    norm_dst = jnp.where(deg_in > 0, jax.lax.rsqrt(jnp.maximum(deg_in, 1e-12)), 0.0)

    h = _graph_conv_both(x, src, dst, norm_src, norm_dst, W1, b1)
    h = jax.nn.relu(h)
    h = _graph_conv_both(h, src, dst, norm_src, norm_dst, W2, b2)
    h = jax.nn.relu(h)
    return h

if __name__ == "__main__":
    import jax
    _d = setup_inputs()
    print(jax.jit(kernel)(*tuple(_d.values())))

</pallas_src>

<mosaic_0001>
#map = affine_map<(d0, d1) -> (0)>
#map1 = affine_map<(d0, d1) -> (0, 0)>
module attributes {stable_mosaic.version = 14 : i64} {
  func.func @deg_kernel(%arg0: i32, %arg1: i32, %arg2: memref<320000xi32, #tpu.memory_space<hbm>>, %arg3: memref<320000xi32, #tpu.memory_space<hbm>>, %arg4: memref<2x10240xf32, #tpu.memory_space<hbm>>, %arg5: memref<2x10240xf32, #tpu.memory_space<hbm>>, %arg6: memref<16x10240xf32, #tpu.memory_space<vmem_shared>>, %arg7: memref<16x10240xf32, #tpu.memory_space<vmem_shared>>, %arg8: memref<10240xf32, #tpu.memory_space<vmem>>, %arg9: memref<10240xf32, #tpu.memory_space<vmem>>, %arg10: memref<10000xi32, #tpu.memory_space<vmem>>, %arg11: memref<10000xi32, #tpu.memory_space<vmem>>, %arg12: memref<16x640xf32, #tpu.memory_space<vmem>>, %arg13: memref<640xf32, #tpu.memory_space<vmem>>) attributes {dimension_semantics = [#tpu.dimension_semantics<core_parallel>, #tpu.dimension_semantics<subcore_parallel>], iteration_bounds = array<i64: 2, 16>, scalar_prefetch = 0 : i64, scratch_operands = 8 : i64, tpu.core_type = #tpu.core_type<sc_vector_subcore>, window_params = [{transform_indices = #map}, {transform_indices = #map}, {transform_indices = #map1}, {transform_indices = #map1}]} {
    %mul3A = arith.constant 2 : i32
    %mul3A_0 = arith.muli %arg1, %mul3A : i32
    %add3A = arith.addi %mul3A_0, %arg0 : i32
    %broadcast_in_dim3A = arith.constant 0.000000e+00 : f32
    %broadcast_in_dim3A_1 = vector.broadcast %broadcast_in_dim3A : f32 to vector<16xf32>
    %broadcast_in_dim3A_2 = arith.constant 1.000000e+00 : f32
    %broadcast_in_dim3A_3 = vector.broadcast %broadcast_in_dim3A_2 : f32 to vector<16xf32>
    %scan3A = arith.constant 0 : i32
    %scan3A_4 = arith.constant 640 : i32
    %scan3A_5 = arith.addi %scan3A, %scan3A_4 : i32
    %scan3A_6 = arith.constant 1 : i32
    scf.for %scan3A_41 = %scan3A to %scan3A_5 step %scan3A_6  : i32 {
      %mul3A_42 = arith.constant 16 : i32
      %mul3A_43 = arith.muli %scan3A_41, %mul3A_42 : i32
      %add3A_44 = arith.constant 0 : i32
      %add3A_45 = arith.addi %add3A_44, %mul3A_43 : i32
      %swap3A = arith.index_cast %add3A_45 : i32 to index
      %swap3A_46 = tpu.vector_load %arg8[%swap3A] {strides = array<i32>} : memref<10240xf32, #tpu.memory_space<vmem>>, vector<16xf32>,
      tpu.vector_store %arg8[%swap3A], %broadcast_in_dim3A_1 {strides = array<i32>} : memref<10240xf32, #tpu.memory_space<vmem>>, vector<16xf32>,
      %swap3A_47 = arith.index_cast %add3A_45 : i32 to index
      %swap3A_48 = tpu.vector_load %arg9[%swap3A_47] {strides = array<i32>} : memref<10240xf32, #tpu.memory_space<vmem>>, vector<16xf32>,
      tpu.vector_store %arg9[%swap3A_47], %broadcast_in_dim3A_1 {strides = array<i32>} : memref<10240xf32, #tpu.memory_space<vmem>>, vector<16xf32>,
    }
    %scan3A_7 = arith.constant 640 : i32
    %mul3A_8 = arith.constant 10000 : i32
    %mul3A_9 = arith.muli %add3A, %mul3A_8 : i32
    "tpu.region"() ({
      %run_scoped3A = tpu.sem_alloc : memref<!tpu.dma_semaphore, #tpu.memory_space<semaphore_mem>>
      %dma_start3A = tpu.memref_slice %arg2[%mul3A_9] : memref<320000xi32, #tpu.memory_space<hbm>> -> memref<10000xi32, #tpu.memory_space<hbm>>
      %dma_start3A_41 = tpu.memref_slice %arg2[%mul3A_9] : memref<320000xi32, #tpu.memory_space<hbm>> -> memref<10000xi32, #tpu.memory_space<hbm>>
      tpu.enqueue_dma source(%dma_start3A_41 : memref<10000xi32, #tpu.memory_space<hbm>>) target(%arg10 : memref<10000xi32, #tpu.memory_space<vmem>>) target_semaphore(%run_scoped3A : memref<!tpu.dma_semaphore, #tpu.memory_space<semaphore_mem>>)
      %dma_wait3A = tpu.memref_slice %arg2[%mul3A_9] : memref<320000xi32, #tpu.memory_space<hbm>> -> memref<10000xi32, #tpu.memory_space<hbm>>
      %dma_wait3A_42 = tpu.memref_slice %arg2[%mul3A_9] : memref<320000xi32, #tpu.memory_space<hbm>> -> memref<10000xi32, #tpu.memory_space<hbm>>
      tpu.wait_dma2 semaphore(%run_scoped3A : memref<!tpu.dma_semaphore, #tpu.memory_space<semaphore_mem>>) src(%dma_wait3A_42 : memref<10000xi32, #tpu.memory_space<hbm>>) dst(%arg10 : memref<10000xi32, #tpu.memory_space<vmem>>)
      tpu.yield
    }) : () -> ()
    %mul3A_10 = arith.constant 10000 : i32
    %mul3A_11 = arith.muli %add3A, %mul3A_10 : i32
    "tpu.region"() ({
      %run_scoped3A = tpu.sem_alloc : memref<!tpu.dma_semaphore, #tpu.memory_space<semaphore_mem>>
      %dma_start3A = tpu.memref_slice %arg3[%mul3A_11] : memref<320000xi32, #tpu.memory_space<hbm>> -> memref<10000xi32, #tpu.memory_space<hbm>>
      %dma_start3A_41 = tpu.memref_slice %arg3[%mul3A_11] : memref<320000xi32, #tpu.memory_space<hbm>> -> memref<10000xi32, #tpu.memory_space<hbm>>
      tpu.enqueue_dma source(%dma_start3A_41 : memref<10000xi32, #tpu.memory_space<hbm>>) target(%arg11 : memref<10000xi32, #tpu.memory_space<vmem>>) target_semaphore(%run_scoped3A : memref<!tpu.dma_semaphore, #tpu.memory_space<semaphore_mem>>)
      %dma_wait3A = tpu.memref_slice %arg3[%mul3A_11] : memref<320000xi32, #tpu.memory_space<hbm>> -> memref<10000xi32, #tpu.memory_space<hbm>>
      %dma_wait3A_42 = tpu.memref_slice %arg3[%mul3A_11] : memref<320000xi32, #tpu.memory_space<hbm>> -> memref<10000xi32, #tpu.memory_space<hbm>>
      tpu.wait_dma2 semaphore(%run_scoped3A : memref<!tpu.dma_semaphore, #tpu.memory_space<semaphore_mem>>) src(%dma_wait3A_42 : memref<10000xi32, #tpu.memory_space<hbm>>) dst(%arg11 : memref<10000xi32, #tpu.memory_space<vmem>>)
      tpu.yield
    }) : () -> ()
    %scan3A_12 = arith.constant 0 : i32
    %scan3A_13 = arith.constant 625 : i32
    %scan3A_14 = arith.addi %scan3A_12, %scan3A_13 : i32
    %scan3A_15 = arith.constant 1 : i32
    scf.for %scan3A_41 = %scan3A_12 to %scan3A_14 step %scan3A_15  : i32 {
      %mul3A_42 = arith.constant 16 : i32
      %mul3A_43 = arith.muli %scan3A_41, %mul3A_42 : i32
      %add3A_44 = arith.constant 0 : i32
      %add3A_45 = arith.addi %add3A_44, %mul3A_43 : i32
      %get3A = arith.index_cast %add3A_45 : i32 to index
      %get3A_46 = tpu.vector_load %arg10[%get3A] {strides = array<i32>} : memref<10000xi32, #tpu.memory_space<vmem>>, vector<16xi32>,
      tpu.vector_store_idx %arg8[%get3A_46], %broadcast_in_dim3A_3 {add = true} : memref<10240xf32, #tpu.memory_space<vmem>>[vector<16xi32>], vector<16xf32>,
      %get3A_47 = arith.index_cast %add3A_45 : i32 to index
      %get3A_48 = tpu.vector_load %arg11[%get3A_47] {strides = array<i32>} : memref<10000xi32, #tpu.memory_space<vmem>>, vector<16xi32>,
      tpu.vector_store_idx %arg9[%get3A_48], %broadcast_in_dim3A_3 {add = true} : memref<10240xf32, #tpu.memory_space<vmem>>[vector<16xi32>], vector<16xf32>,
    }
    %scan3A_16 = arith.constant 625 : i32
    "tpu.region"() ({
      %run_scoped3A = tpu.sem_alloc : memref<!tpu.dma_semaphore, #tpu.memory_space<semaphore_mem>>
      %dma_start3A = arith.constant 0 : i32
      %dma_start3A_41 = tpu.memref_slice %arg6[%arg1, %dma_start3A] : memref<16x10240xf32, #tpu.memory_space<vmem_shared>> -> memref<1x10240xf32, #tpu.memory_space<vmem_shared>>
      %dma_start3A_42 = tpu.memref_squeeze %dma_start3A_41 : memref<1x10240xf32, #tpu.memory_space<vmem_shared>> -> memref<10240xf32, #tpu.memory_space<vmem_shared>>
      %dma_start3A_43 = arith.constant 0 : i32
      %dma_start3A_44 = tpu.memref_slice %arg6[%arg1, %dma_start3A_43] : memref<16x10240xf32, #tpu.memory_space<vmem_shared>> -> memref<1x10240xf32, #tpu.memory_space<vmem_shared>>
      %dma_start3A_45 = tpu.memref_squeeze %dma_start3A_44 : memref<1x10240xf32, #tpu.memory_space<vmem_shared>> -> memref<10240xf32, #tpu.memory_space<vmem_shared>>
      tpu.enqueue_dma source(%arg8 : memref<10240xf32, #tpu.memory_space<vmem>>) target(%dma_start3A_45 : memref<10240xf32, #tpu.memory_space<vmem_shared>>) target_semaphore(%run_scoped3A : memref<!tpu.dma_semaphore, #tpu.memory_space<semaphore_mem>>)
      %dma_wait3A = arith.constant 0 : i32
      %dma_wait3A_46 = tpu.memref_slice %arg6[%arg1, %dma_wait3A] : memref<16x10240xf32, #tpu.memory_space<vmem_shared>> -> memref<1x10240xf32, #tpu.memory_space<vmem_shared>>
      %dma_wait3A_47 = tpu.memref_squeeze %dma_wait3A_46 : memref<1x10240xf32, #tpu.memory_space<vmem_shared>> -> memref<10240xf32, #tpu.memory_space<vmem_shared>>
      %dma_wait3A_48 = arith.constant 0 : i32
      %dma_wait3A_49 = tpu.memref_slice %arg6[%arg1, %dma_wait3A_48] : memref<16x10240xf32, #tpu.memory_space<vmem_shared>> -> memref<1x10240xf32, #tpu.memory_space<vmem_shared>>
      %dma_wait3A_50 = tpu.memref_squeeze %dma_wait3A_49 : memref<1x10240xf32, #tpu.memory_space<vmem_shared>> -> memref<10240xf32, #tpu.memory_space<vmem_shared>>
      tpu.wait_dma2 semaphore(%run_scoped3A : memref<!tpu.dma_semaphore, #tpu.memory_space<semaphore_mem>>) src(%arg8 : memref<10240xf32, #tpu.memory_space<vmem>>) dst(%dma_wait3A_50 : memref<10240xf32, #tpu.memory_space<vmem_shared>>)
      tpu.yield
    }) : () -> ()
    "tpu.region"() ({
      %run_scoped3A = tpu.sem_alloc : memref<!tpu.dma_semaphore, #tpu.memory_space<semaphore_mem>>
      %dma_start3A = arith.constant 0 : i32
      %dma_start3A_41 = tpu.memref_slice %arg7[%arg1, %dma_start3A] : memref<16x10240xf32, #tpu.memory_space<vmem_shared>> -> memref<1x10240xf32, #tpu.memory_space<vmem_shared>>
      %dma_start3A_42 = tpu.memref_squeeze %dma_start3A_41 : memref<1x10240xf32, #tpu.memory_space<vmem_shared>> -> memref<10240xf32, #tpu.memory_space<vmem_shared>>
      %dma_start3A_43 = arith.constant 0 : i32
      %dma_start3A_44 = tpu.memref_slice %arg7[%arg1, %dma_start3A_43] : memref<16x10240xf32, #tpu.memory_space<vmem_shared>> -> memref<1x10240xf32, #tpu.memory_space<vmem_shared>>
      %dma_start3A_45 = tpu.memref_squeeze %dma_start3A_44 : memref<1x10240xf32, #tpu.memory_space<vmem_shared>> -> memref<10240xf32, #tpu.memory_space<vmem_shared>>
      tpu.enqueue_dma source(%arg9 : memref<10240xf32, #tpu.memory_space<vmem>>) target(%dma_start3A_45 : memref<10240xf32, #tpu.memory_space<vmem_shared>>) target_semaphore(%run_scoped3A : memref<!tpu.dma_semaphore, #tpu.memory_space<semaphore_mem>>)
      %dma_wait3A = arith.constant 0 : i32
      %dma_wait3A_46 = tpu.memref_slice %arg7[%arg1, %dma_wait3A] : memref<16x10240xf32, #tpu.memory_space<vmem_shared>> -> memref<1x10240xf32, #tpu.memory_space<vmem_shared>>
      %dma_wait3A_47 = tpu.memref_squeeze %dma_wait3A_46 : memref<1x10240xf32, #tpu.memory_space<vmem_shared>> -> memref<10240xf32, #tpu.memory_space<vmem_shared>>
      %dma_wait3A_48 = arith.constant 0 : i32
      %dma_wait3A_49 = tpu.memref_slice %arg7[%arg1, %dma_wait3A_48] : memref<16x10240xf32, #tpu.memory_space<vmem_shared>> -> memref<1x10240xf32, #tpu.memory_space<vmem_shared>>
      %dma_wait3A_50 = tpu.memref_squeeze %dma_wait3A_49 : memref<1x10240xf32, #tpu.memory_space<vmem_shared>> -> memref<10240xf32, #tpu.memory_space<vmem_shared>>
      tpu.wait_dma2 semaphore(%run_scoped3A : memref<!tpu.dma_semaphore, #tpu.memory_space<semaphore_mem>>) src(%arg9 : memref<10240xf32, #tpu.memory_space<vmem>>) dst(%dma_wait3A_50 : memref<10240xf32, #tpu.memory_space<vmem_shared>>)
      tpu.yield
    }) : () -> ()
    %barrier3A = arith.constant 0 : index
    tpu.barrier barrier_id(%barrier3A)
    %scan3A_17 = arith.constant 0 : i32
    %scan3A_18 = arith.constant 16 : i32
    %scan3A_19 = arith.addi %scan3A_17, %scan3A_18 : i32
    %scan3A_20 = arith.constant 1 : i32
    scf.for %scan3A_41 = %scan3A_17 to %scan3A_19 step %scan3A_20  : i32 {
      %mul3A_42 = arith.constant 1 : i32
      %mul3A_43 = arith.muli %scan3A_41, %mul3A_42 : i32
      %add3A_44 = arith.constant 0 : i32
      %add3A_45 = arith.addi %add3A_44, %mul3A_43 : i32
      %mul3A_46 = arith.constant 640 : i32
      %mul3A_47 = arith.muli %arg1, %mul3A_46 : i32
      "tpu.region"() ({
        %run_scoped3A = tpu.sem_alloc : memref<!tpu.dma_semaphore, #tpu.memory_space<semaphore_mem>>
        %dma_start3A = arith.constant 0 : i32
        %dma_start3A_48 = tpu.memref_slice %arg12[%add3A_45, %dma_start3A] : memref<16x640xf32, #tpu.memory_space<vmem>> -> memref<1x640xf32, #tpu.memory_space<vmem>>
        %dma_start3A_49 = tpu.memref_squeeze %dma_start3A_48 : memref<1x640xf32, #tpu.memory_space<vmem>> -> memref<640xf32, #tpu.memory_space<vmem>>
        %dma_start3A_50 = tpu.memref_slice %arg6[%add3A_45, %mul3A_47] : memref<16x10240xf32, #tpu.memory_space<vmem_shared>> -> memref<1x640xf32, #tpu.memory_space<vmem_shared>>
        %dma_start3A_51 = tpu.memref_squeeze %dma_start3A_50 : memref<1x640xf32, #tpu.memory_space<vmem_shared>> -> memref<640xf32, #tpu.memory_space<vmem_shared>>
        %dma_start3A_52 = arith.constant 0 : i32
        %dma_start3A_53 = tpu.memref_slice %arg12[%add3A_45, %dma_start3A_52] : memref<16x640xf32, #tpu.memory_space<vmem>> -> memref<1x640xf32, #tpu.memory_space<vmem>>
        %dma_start3A_54 = tpu.memref_squeeze %dma_start3A_53 : memref<1x640xf32, #tpu.memory_space<vmem>> -> memref<640xf32, #tpu.memory_space<vmem>>
        %dma_start3A_55 = tpu.memref_slice %arg6[%add3A_45, %mul3A_47] : memref<16x10240xf32, #tpu.memory_space<vmem_shared>> -> memref<1x640xf32, #tpu.memory_space<vmem_shared>>
        %dma_start3A_56 = tpu.memref_squeeze %dma_start3A_55 : memref<1x640xf32, #tpu.memory_space<vmem_shared>> -> memref<640xf32, #tpu.memory_space<vmem_shared>>
        tpu.enqueue_dma source(%dma_start3A_56 : memref<640xf32, #tpu.memory_space<vmem_shared>>) target(%dma_start3A_54 : memref<640xf32, #tpu.memory_space<vmem>>) target_semaphore(%run_scoped3A : memref<!tpu.dma_semaphore, #tpu.memory_space<semaphore_mem>>)
        %dma_wait3A = arith.constant 0 : i32
        %dma_wait3A_57 = tpu.memref_slice %arg12[%add3A_45, %dma_wait3A] : memref<16x640xf32, #tpu.memory_space<vmem>> -> memref<1x640xf32, #tpu.memory_space<vmem>>
        %dma_wait3A_58 = tpu.memref_squeeze %dma_wait3A_57 : memref<1x640xf32, #tpu.memory_space<vmem>> -> memref<640xf32, #tpu.memory_space<vmem>>
        %dma_wait3A_59 = tpu.memref_slice %arg6[%add3A_45, %mul3A_47] : memref<16x10240xf32, #tpu.memory_space<vmem_shared>> -> memref<1x640xf32, #tpu.memory_space<vmem_shared>>
        %dma_wait3A_60 = tpu.memref_squeeze %dma_wait3A_59 : memref<1x640xf32, #tpu.memory_space<vmem_shared>> -> memref<640xf32, #tpu.memory_space<vmem_shared>>
        %dma_wait3A_61 = arith.constant 0 : i32
        %dma_wait3A_62 = tpu.memref_slice %arg12[%add3A_45, %dma_wait3A_61] : memref<16x640xf32, #tpu.memory_space<vmem>> -> memref<1x640xf32, #tpu.memory_space<vmem>>
        %dma_wait3A_63 = tpu.memref_squeeze %dma_wait3A_62 : memref<1x640xf32, #tpu.memory_space<vmem>> -> memref<640xf32, #tpu.memory_space<vmem>>
        %dma_wait3A_64 = tpu.memref_slice %arg6[%add3A_45, %mul3A_47] : memref<16x10240xf32, #tpu.memory_space<vmem_shared>> -> memref<1x640xf32, #tpu.memory_space<vmem_shared>>
        %dma_wait3A_65 = tpu.memref_squeeze %dma_wait3A_64 : memref<1x640xf32, #tpu.memory_space<vmem_shared>> -> memref<640xf32, #tpu.memory_space<vmem_shared>>
        tpu.wait_dma2 semaphore(%run_scoped3A : memref<!tpu.dma_semaphore, #tpu.memory_space<semaphore_mem>>) src(%dma_wait3A_65 : memref<640xf32, #tpu.memory_space<vmem_shared>>) dst(%dma_wait3A_63 : memref<640xf32, #tpu.memory_space<vmem>>)
        tpu.yield
      }) : () -> ()
    }
    %scan3A_21 = arith.constant 16 : i32
    %scan3A_22 = arith.constant 0 : i32
    %scan3A_23 = arith.constant 40 : i32
    %scan3A_24 = arith.addi %scan3A_22, %scan3A_23 : i32
    %scan3A_25 = arith.constant 1 : i32
    scf.for %scan3A_41 = %scan3A_22 to %scan3A_24 step %scan3A_25  : i32 {
      %mul3A_42 = arith.constant 16 : i32
      %mul3A_43 = arith.muli %scan3A_41, %mul3A_42 : i32
      %add3A_44 = arith.constant 0 : i32
      %add3A_45 = arith.addi %add3A_44, %mul3A_43 : i32
      %get3A = arith.constant 0 : i32
      %get3A_46 = arith.index_cast %get3A : i32 to index
      %get3A_47 = arith.index_cast %add3A_45 : i32 to index
      %get3A_48 = tpu.vector_load %arg12[%get3A_46, %get3A_47] {strides = array<i32>} : memref<16x640xf32, #tpu.memory_space<vmem>>, vector<16xf32>,
      %get3A_49 = arith.constant 1 : i32
      %get3A_50 = arith.index_cast %get3A_49 : i32 to index
      %get3A_51 = arith.index_cast %add3A_45 : i32 to index
      %get3A_52 = tpu.vector_load %arg12[%get3A_50, %get3A_51] {strides = array<i32>} : memref<16x640xf32, #tpu.memory_space<vmem>>, vector<16xf32>,
      %add3A_53 = arith.addf %get3A_48, %get3A_52 : vector<16xf32>
      %get3A_54 = arith.constant 2 : i32
      %get3A_55 = arith.index_cast %get3A_54 : i32 to index
      %get3A_56 = arith.index_cast %add3A_45 : i32 to index
      %get3A_57 = tpu.vector_load %arg12[%get3A_55, %get3A_56] {strides = array<i32>} : memref<16x640xf32, #tpu.memory_space<vmem>>, vector<16xf32>,
      %add3A_58 = arith.addf %add3A_53, %get3A_57 : vector<16xf32>
      %get3A_59 = arith.constant 3 : i32
      %get3A_60 = arith.index_cast %get3A_59 : i32 to index
      %get3A_61 = arith.index_cast %add3A_45 : i32 to index
      %get3A_62 = tpu.vector_load %arg12[%get3A_60, %get3A_61] {strides = array<i32>} : memref<16x640xf32, #tpu.memory_space<vmem>>, vector<16xf32>,
      %add3A_63 = arith.addf %add3A_58, %get3A_62 : vector<16xf32>
      %get3A_64 = arith.constant 4 : i32
      %get3A_65 = arith.index_cast %get3A_64 : i32 to index
      %get3A_66 = arith.index_cast %add3A_45 : i32 to index
      %get3A_67 = tpu.vector_load %arg12[%get3A_65, %get3A_66] {strides = array<i32>} : memref<16x640xf32, #tpu.memory_space<vmem>>, vector<16xf32>,
      %add3A_68 = arith.addf %add3A_63, %get3A_67 : vector<16xf32>
      %get3A_69 = arith.constant 5 : i32
      %get3A_70 = arith.index_cast %get3A_69 : i32 to index
      %get3A_71 = arith.index_cast %add3A_45 : i32 to index
      %get3A_72 = tpu.vector_load %arg12[%get3A_70, %get3A_71] {strides = array<i32>} : memref<16x640xf32, #tpu.memory_space<vmem>>, vector<16xf32>,
      %add3A_73 = arith.addf %add3A_68, %get3A_72 : vector<16xf32>
      %get3A_74 = arith.constant 6 : i32
      %get3A_75 = arith.index_cast %get3A_74 : i32 to index
      %get3A_76 = arith.index_cast %add3A_45 : i32 to index
      %get3A_77 = tpu.vector_load %arg12[%get3A_75, %get3A_76] {strides = array<i32>} : memref<16x640xf32, #tpu.memory_space<vmem>>, vector<16xf32>,
      %add3A_78 = arith.addf %add3A_73, %get3A_77 : vector<16xf32>
      %get3A_79 = arith.constant 7 : i32
      %get3A_80 = arith.index_cast %get3A_79 : i32 to index
      %get3A_81 = arith.index_cast %add3A_45 : i32 to index
      %get3A_82 = tpu.vector_load %arg12[%get3A_80, %get3A_81] {strides = array<i32>} : memref<16x640xf32, #tpu.memory_space<vmem>>, vector<16xf32>,
      %add3A_83 = arith.addf %add3A_78, %get3A_82 : vector<16xf32>
      %get3A_84 = arith.constant 8 : i32
      %get3A_85 = arith.index_cast %get3A_84 : i32 to index
      %get3A_86 = arith.index_cast %add3A_45 : i32 to index
      %get3A_87 = tpu.vector_load %arg12[%get3A_85, %get3A_86] {strides = array<i32>} : memref<16x640xf32, #tpu.memory_space<vmem>>, vector<16xf32>,
      %add3A_88 = arith.addf %add3A_83, %get3A_87 : vector<16xf32>
      %get3A_89 = arith.constant 9 : i32
      %get3A_90 = arith.index_cast %get3A_89 : i32 to index
      %get3A_91 = arith.index_cast %add3A_45 : i32 to index
      %get3A_92 = tpu.vector_load %arg12[%get3A_90, %get3A_91] {strides = array<i32>} : memref<16x640xf32, #tpu.memory_space<vmem>>, vector<16xf32>,
      %add3A_93 = arith.addf %add3A_88, %get3A_92 : vector<16xf32>
      %get3A_94 = arith.constant 10 : i32
      %get3A_95 = arith.index_cast %get3A_94 : i32 to index
      %get3A_96 = arith.index_cast %add3A_45 : i32 to index
      %get3A_97 = tpu.vector_load %arg12[%get3A_95, %get3A_96] {strides = array<i32>} : memref<16x640xf32, #tpu.memory_space<vmem>>, vector<16xf32>,
      %add3A_98 = arith.addf %add3A_93, %get3A_97 : vector<16xf32>
      %get3A_99 = arith.constant 11 : i32
      %get3A_100 = arith.index_cast %get3A_99 : i32 to index
      %get3A_101 = arith.index_cast %add3A_45 : i32 to index
      %get3A_102 = tpu.vector_load %arg12[%get3A_100, %get3A_101] {strides = array<i32>} : memref<16x640xf32, #tpu.memory_space<vmem>>, vector<16xf32>,
      %add3A_103 = arith.addf %add3A_98, %get3A_102 : vector<16xf32>
      %get3A_104 = arith.constant 12 : i32
      %get3A_105 = arith.index_cast %get3A_104 : i32 to index
      %get3A_106 = arith.index_cast %add3A_45 : i32 to index
      %get3A_107 = tpu.vector_load %arg12[%get3A_105, %get3A_106] {strides = array<i32>} : memref<16x640xf32, #tpu.memory_space<vmem>>, vector<16xf32>,
      %add3A_108 = arith.addf %add3A_103, %get3A_107 : vector<16xf32>
      %get3A_109 = arith.constant 13 : i32
      %get3A_110 = arith.index_cast %get3A_109 : i32 to index
      %get3A_111 = arith.index_cast %add3A_45 : i32 to index
      %get3A_112 = tpu.vector_load %arg12[%get3A_110, %get3A_111] {strides = array<i32>} : memref<16x640xf32, #tpu.memory_space<vmem>>, vector<16xf32>,
      %add3A_113 = arith.addf %add3A_108, %get3A_112 : vector<16xf32>
      %get3A_114 = arith.constant 14 : i32
      %get3A_115 = arith.index_cast %get3A_114 : i32 to index
      %get3A_116 = arith.index_cast %add3A_45 : i32 to index
      %get3A_117 = tpu.vector_load %arg12[%get3A_115, %get3A_116] {strides = array<i32>} : memref<16x640xf32, #tpu.memory_space<vmem>>, vector<16xf32>,
      %add3A_118 = arith.addf %add3A_113, %get3A_117 : vector<16xf32>
      %get3A_119 = arith.constant 15 : i32
      %get3A_120 = arith.index_cast %get3A_119 : i32 to index
      %get3A_121 = arith.index_cast %add3A_45 : i32 to index
      %get3A_122 = tpu.vector_load %arg12[%get3A_120, %get3A_121] {strides = array<i32>} : memref<16x640xf32, #tpu.memory_space<vmem>>, vector<16xf32>,
      %add3A_123 = arith.addf %add3A_118, %get3A_122 : vector<16xf32>
      %swap3A = arith.index_cast %add3A_45 : i32 to index
      %swap3A_124 = tpu.vector_load %arg13[%swap3A] {strides = array<i32>} : memref<640xf32, #tpu.memory_space<vmem>>, vector<16xf32>,
      tpu.vector_store %arg13[%swap3A], %add3A_123 {strides = array<i32>} : memref<640xf32, #tpu.memory_space<vmem>>, vector<16xf32>,
    }
    %scan3A_26 = arith.constant 40 : i32
    %mul3A_27 = arith.constant 640 : i32
    %mul3A_28 = arith.muli %arg1, %mul3A_27 : i32
    "tpu.region"() ({
      %run_scoped3A = tpu.sem_alloc : memref<!tpu.dma_semaphore, #tpu.memory_space<semaphore_mem>>
      %dma_start3A = tpu.memref_slice %arg4[%arg0, %mul3A_28] : memref<2x10240xf32, #tpu.memory_space<hbm>> -> memref<1x640xf32, #tpu.memory_space<hbm>>
      %dma_start3A_41 = tpu.memref_squeeze %dma_start3A : memref<1x640xf32, #tpu.memory_space<hbm>> -> memref<640xf32, #tpu.memory_space<hbm>>
      %dma_start3A_42 = tpu.memref_slice %arg4[%arg0, %mul3A_28] : memref<2x10240xf32, #tpu.memory_space<hbm>> -> memref<1x640xf32, #tpu.memory_space<hbm>>
      %dma_start3A_43 = tpu.memref_squeeze %dma_start3A_42 : memref<1x640xf32, #tpu.memory_space<hbm>> -> memref<640xf32, #tpu.memory_space<hbm>>
      tpu.enqueue_dma source(%arg13 : memref<640xf32, #tpu.memory_space<vmem>>) target(%dma_start3A_43 : memref<640xf32, #tpu.memory_space<hbm>>) target_semaphore(%run_scoped3A : memref<!tpu.dma_semaphore, #tpu.memory_space<semaphore_mem>>)
      %dma_wait3A = tpu.memref_slice %arg4[%arg0, %mul3A_28] : memref<2x10240xf32, #tpu.memory_space<hbm>> -> memref<1x640xf32, #tpu.memory_space<hbm>>
      %dma_wait3A_44 = tpu.memref_squeeze %dma_wait3A : memref<1x640xf32, #tpu.memory_space<hbm>> -> memref<640xf32, #tpu.memory_space<hbm>>
      %dma_wait3A_45 = tpu.memref_slice %arg4[%arg0, %mul3A_28] : memref<2x10240xf32, #tpu.memory_space<hbm>> -> memref<1x640xf32, #tpu.memory_space<hbm>>
      %dma_wait3A_46 = tpu.memref_squeeze %dma_wait3A_45 : memref<1x640xf32, #tpu.memory_space<hbm>> -> memref<640xf32, #tpu.memory_space<hbm>>
      tpu.wait_dma2 semaphore(%run_scoped3A : memref<!tpu.dma_semaphore, #tpu.memory_space<semaphore_mem>>) src(%arg13 : memref<640xf32, #tpu.memory_space<vmem>>) dst(%dma_wait3A_46 : memref<640xf32, #tpu.memory_space<hbm>>)
      tpu.yield
    }) : () -> ()
    %scan3A_29 = arith.constant 0 : i32
    %scan3A_30 = arith.constant 16 : i32
    %scan3A_31 = arith.addi %scan3A_29, %scan3A_30 : i32
    %scan3A_32 = arith.constant 1 : i32
    scf.for %scan3A_41 = %scan3A_29 to %scan3A_31 step %scan3A_32  : i32 {
      %mul3A_42 = arith.constant 1 : i32
      %mul3A_43 = arith.muli %scan3A_41, %mul3A_42 : i32
      %add3A_44 = arith.constant 0 : i32
      %add3A_45 = arith.addi %add3A_44, %mul3A_43 : i32
      %mul3A_46 = arith.constant 640 : i32
      %mul3A_47 = arith.muli %arg1, %mul3A_46 : i32
      "tpu.region"() ({
        %run_scoped3A = tpu.sem_alloc : memref<!tpu.dma_semaphore, #tpu.memory_space<semaphore_mem>>
        %dma_start3A = arith.constant 0 : i32
        %dma_start3A_48 = tpu.memref_slice %arg12[%add3A_45, %dma_start3A] : memref<16x640xf32, #tpu.memory_space<vmem>> -> memref<1x640xf32, #tpu.memory_space<vmem>>
        %dma_start3A_49 = tpu.memref_squeeze %dma_start3A_48 : memref<1x640xf32, #tpu.memory_space<vmem>> -> memref<640xf32, #tpu.memory_space<vmem>>
        %dma_start3A_50 = tpu.memref_slice %arg7[%add3A_45, %mul3A_47] : memref<16x10240xf32, #tpu.memory_space<vmem_shared>> -> memref<1x640xf32, #tpu.memory_space<vmem_shared>>
        %dma_start3A_51 = tpu.memref_squeeze %dma_start3A_50 : memref<1x640xf32, #tpu.memory_space<vmem_shared>> -> memref<640xf32, #tpu.memory_space<vmem_shared>>
        %dma_start3A_52 = arith.constant 0 : i32
        %dma_start3A_53 = tpu.memref_slice %arg12[%add3A_45, %dma_start3A_52] : memref<16x640xf32, #tpu.memory_space<vmem>> -> memref<1x640xf32, #tpu.memory_space<vmem>>
        %dma_start3A_54 = tpu.memref_squeeze %dma_start3A_53 : memref<1x640xf32, #tpu.memory_space<vmem>> -> memref<640xf32, #tpu.memory_space<vmem>>
        %dma_start3A_55 = tpu.memref_slice %arg7[%add3A_45, %mul3A_47] : memref<16x10240xf32, #tpu.memory_space<vmem_shared>> -> memref<1x640xf32, #tpu.memory_space<vmem_shared>>
        %dma_start3A_56 = tpu.memref_squeeze %dma_start3A_55 : memref<1x640xf32, #tpu.memory_space<vmem_shared>> -> memref<640xf32, #tpu.memory_space<vmem_shared>>
        tpu.enqueue_dma source(%dma_start3A_56 : memref<640xf32, #tpu.memory_space<vmem_shared>>) target(%dma_start3A_54 : memref<640xf32, #tpu.memory_space<vmem>>) target_semaphore(%run_scoped3A : memref<!tpu.dma_semaphore, #tpu.memory_space<semaphore_mem>>)
        %dma_wait3A = arith.constant 0 : i32
        %dma_wait3A_57 = tpu.memref_slice %arg12[%add3A_45, %dma_wait3A] : memref<16x640xf32, #tpu.memory_space<vmem>> -> memref<1x640xf32, #tpu.memory_space<vmem>>
        %dma_wait3A_58 = tpu.memref_squeeze %dma_wait3A_57 : memref<1x640xf32, #tpu.memory_space<vmem>> -> memref<640xf32, #tpu.memory_space<vmem>>
        %dma_wait3A_59 = tpu.memref_slice %arg7[%add3A_45, %mul3A_47] : memref<16x10240xf32, #tpu.memory_space<vmem_shared>> -> memref<1x640xf32, #tpu.memory_space<vmem_shared>>
        %dma_wait3A_60 = tpu.memref_squeeze %dma_wait3A_59 : memref<1x640xf32, #tpu.memory_space<vmem_shared>> -> memref<640xf32, #tpu.memory_space<vmem_shared>>
        %dma_wait3A_61 = arith.constant 0 : i32
        %dma_wait3A_62 = tpu.memref_slice %arg12[%add3A_45, %dma_wait3A_61] : memref<16x640xf32, #tpu.memory_space<vmem>> -> memref<1x640xf32, #tpu.memory_space<vmem>>
        %dma_wait3A_63 = tpu.memref_squeeze %dma_wait3A_62 : memref<1x640xf32, #tpu.memory_space<vmem>> -> memref<640xf32, #tpu.memory_space<vmem>>
        %dma_wait3A_64 = tpu.memref_slice %arg7[%add3A_45, %mul3A_47] : memref<16x10240xf32, #tpu.memory_space<vmem_shared>> -> memref<1x640xf32, #tpu.memory_space<vmem_shared>>
        %dma_wait3A_65 = tpu.memref_squeeze %dma_wait3A_64 : memref<1x640xf32, #tpu.memory_space<vmem_shared>> -> memref<640xf32, #tpu.memory_space<vmem_shared>>
        tpu.wait_dma2 semaphore(%run_scoped3A : memref<!tpu.dma_semaphore, #tpu.memory_space<semaphore_mem>>) src(%dma_wait3A_65 : memref<640xf32, #tpu.memory_space<vmem_shared>>) dst(%dma_wait3A_63 : memref<640xf32, #tpu.memory_space<vmem>>)
        tpu.yield
      }) : () -> ()
    }
    %scan3A_33 = arith.constant 16 : i32
    %scan3A_34 = arith.constant 0 : i32
    %scan3A_35 = arith.constant 40 : i32
    %scan3A_36 = arith.addi %scan3A_34, %scan3A_35 : i32
    %scan3A_37 = arith.constant 1 : i32
    scf.for %scan3A_41 = %scan3A_34 to %scan3A_36 step %scan3A_37  : i32 {
      %mul3A_42 = arith.constant 16 : i32
      %mul3A_43 = arith.muli %scan3A_41, %mul3A_42 : i32
      %add3A_44 = arith.constant 0 : i32
      %add3A_45 = arith.addi %add3A_44, %mul3A_43 : i32
      %get3A = arith.constant 0 : i32
      %get3A_46 = arith.index_cast %get3A : i32 to index
      %get3A_47 = arith.index_cast %add3A_45 : i32 to index
      %get3A_48 = tpu.vector_load %arg12[%get3A_46, %get3A_47] {strides = array<i32>} : memref<16x640xf32, #tpu.memory_space<vmem>>, vector<16xf32>,
      %get3A_49 = arith.constant 1 : i32
      %get3A_50 = arith.index_cast %get3A_49 : i32 to index
      %get3A_51 = arith.index_cast %add3A_45 : i32 to index
      %get3A_52 = tpu.vector_load %arg12[%get3A_50, %get3A_51] {strides = array<i32>} : memref<16x640xf32, #tpu.memory_space<vmem>>, vector<16xf32>,
      %add3A_53 = arith.addf %get3A_48, %get3A_52 : vector<16xf32>
      %get3A_54 = arith.constant 2 : i32
      %get3A_55 = arith.index_cast %get3A_54 : i32 to index
      %get3A_56 = arith.index_cast %add3A_45 : i32 to index
      %get3A_57 = tpu.vector_load %arg12[%get3A_55, %get3A_56] {strides = array<i32>} : memref<16x640xf32, #tpu.memory_space<vmem>>, vector<16xf32>,
      %add3A_58 = arith.addf %add3A_53, %get3A_57 : vector<16xf32>
      %get3A_59 = arith.constant 3 : i32
      %get3A_60 = arith.index_cast %get3A_59 : i32 to index
      %get3A_61 = arith.index_cast %add3A_45 : i32 to index
      %get3A_62 = tpu.vector_load %arg12[%get3A_60, %get3A_61] {strides = array<i32>} : memref<16x640xf32, #tpu.memory_space<vmem>>, vector<16xf32>,
      %add3A_63 = arith.addf %add3A_58, %get3A_62 : vector<16xf32>
      %get3A_64 = arith.constant 4 : i32
      %get3A_65 = arith.index_cast %get3A_64 : i32 to index
      %get3A_66 = arith.index_cast %add3A_45 : i32 to index
      %get3A_67 = tpu.vector_load %arg12[%get3A_65, %get3A_66] {strides = array<i32>} : memref<16x640xf32, #tpu.memory_space<vmem>>, vector<16xf32>,
      %add3A_68 = arith.addf %add3A_63, %get3A_67 : vector<16xf32>
      %get3A_69 = arith.constant 5 : i32
      %get3A_70 = arith.index_cast %get3A_69 : i32 to index
      %get3A_71 = arith.index_cast %add3A_45 : i32 to index
      %get3A_72 = tpu.vector_load %arg12[%get3A_70, %get3A_71] {strides = array<i32>} : memref<16x640xf32, #tpu.memory_space<vmem>>, vector<16xf32>,
      %add3A_73 = arith.addf %add3A_68, %get3A_72 : vector<16xf32>
      %get3A_74 = arith.constant 6 : i32
      %get3A_75 = arith.index_cast %get3A_74 : i32 to index
      %get3A_76 = arith.index_cast %add3A_45 : i32 to index
      %get3A_77 = tpu.vector_load %arg12[%get3A_75, %get3A_76] {strides = array<i32>} : memref<16x640xf32, #tpu.memory_space<vmem>>, vector<16xf32>,
      %add3A_78 = arith.addf %add3A_73, %get3A_77 : vector<16xf32>
      %get3A_79 = arith.constant 7 : i32
      %get3A_80 = arith.index_cast %get3A_79 : i32 to index
      %get3A_81 = arith.index_cast %add3A_45 : i32 to index
      %get3A_82 = tpu.vector_load %arg12[%get3A_80, %get3A_81] {strides = array<i32>} : memref<16x640xf32, #tpu.memory_space<vmem>>, vector<16xf32>,
      %add3A_83 = arith.addf %add3A_78, %get3A_82 : vector<16xf32>
      %get3A_84 = arith.constant 8 : i32
      %get3A_85 = arith.index_cast %get3A_84 : i32 to index
      %get3A_86 = arith.index_cast %add3A_45 : i32 to index
      %get3A_87 = tpu.vector_load %arg12[%get3A_85, %get3A_86] {strides = array<i32>} : memref<16x640xf32, #tpu.memory_space<vmem>>, vector<16xf32>,
      %add3A_88 = arith.addf %add3A_83, %get3A_87 : vector<16xf32>
      %get3A_89 = arith.constant 9 : i32
      %get3A_90 = arith.index_cast %get3A_89 : i32 to index
      %get3A_91 = arith.index_cast %add3A_45 : i32 to index
      %get3A_92 = tpu.vector_load %arg12[%get3A_90, %get3A_91] {strides = array<i32>} : memref<16x640xf32, #tpu.memory_space<vmem>>, vector<16xf32>,
      %add3A_93 = arith.addf %add3A_88, %get3A_92 : vector<16xf32>
      %get3A_94 = arith.constant 10 : i32
      %get3A_95 = arith.index_cast %get3A_94 : i32 to index
      %get3A_96 = arith.index_cast %add3A_45 : i32 to index
      %get3A_97 = tpu.vector_load %arg12[%get3A_95, %get3A_96] {strides = array<i32>} : memref<16x640xf32, #tpu.memory_space<vmem>>, vector<16xf32>,
      %add3A_98 = arith.addf %add3A_93, %get3A_97 : vector<16xf32>
      %get3A_99 = arith.constant 11 : i32
      %get3A_100 = arith.index_cast %get3A_99 : i32 to index
      %get3A_101 = arith.index_cast %add3A_45 : i32 to index
      %get3A_102 = tpu.vector_load %arg12[%get3A_100, %get3A_101] {strides = array<i32>} : memref<16x640xf32, #tpu.memory_space<vmem>>, vector<16xf32>,
      %add3A_103 = arith.addf %add3A_98, %get3A_102 : vector<16xf32>
      %get3A_104 = arith.constant 12 : i32
      %get3A_105 = arith.index_cast %get3A_104 : i32 to index
      %get3A_106 = arith.index_cast %add3A_45 : i32 to index
      %get3A_107 = tpu.vector_load %arg12[%get3A_105, %get3A_106] {strides = array<i32>} : memref<16x640xf32, #tpu.memory_space<vmem>>, vector<16xf32>,
      %add3A_108 = arith.addf %add3A_103, %get3A_107 : vector<16xf32>
      %get3A_109 = arith.constant 13 : i32
      %get3A_110 = arith.index_cast %get3A_109 : i32 to index
      %get3A_111 = arith.index_cast %add3A_45 : i32 to index
      %get3A_112 = tpu.vector_load %arg12[%get3A_110, %get3A_111] {strides = array<i32>} : memref<16x640xf32, #tpu.memory_space<vmem>>, vector<16xf32>,
      %add3A_113 = arith.addf %add3A_108, %get3A_112 : vector<16xf32>
      %get3A_114 = arith.constant 14 : i32
      %get3A_115 = arith.index_cast %get3A_114 : i32 to index
      %get3A_116 = arith.index_cast %add3A_45 : i32 to index
      %get3A_117 = tpu.vector_load %arg12[%get3A_115, %get3A_116] {strides = array<i32>} : memref<16x640xf32, #tpu.memory_space<vmem>>, vector<16xf32>,
      %add3A_118 = arith.addf %add3A_113, %get3A_117 : vector<16xf32>
      %get3A_119 = arith.constant 15 : i32
      %get3A_120 = arith.index_cast %get3A_119 : i32 to index
      %get3A_121 = arith.index_cast %add3A_45 : i32 to index
      %get3A_122 = tpu.vector_load %arg12[%get3A_120, %get3A_121] {strides = array<i32>} : memref<16x640xf32, #tpu.memory_space<vmem>>, vector<16xf32>,
      %add3A_123 = arith.addf %add3A_118, %get3A_122 : vector<16xf32>
      %swap3A = arith.index_cast %add3A_45 : i32 to index
      %swap3A_124 = tpu.vector_load %arg13[%swap3A] {strides = array<i32>} : memref<640xf32, #tpu.memory_space<vmem>>, vector<16xf32>,
      tpu.vector_store %arg13[%swap3A], %add3A_123 {strides = array<i32>} : memref<640xf32, #tpu.memory_space<vmem>>, vector<16xf32>,
    }
    %scan3A_38 = arith.constant 40 : i32
    %mul3A_39 = arith.constant 640 : i32
    %mul3A_40 = arith.muli %arg1, %mul3A_39 : i32
    "tpu.region"() ({
      %run_scoped3A = tpu.sem_alloc : memref<!tpu.dma_semaphore, #tpu.memory_space<semaphore_mem>>
      %dma_start3A = tpu.memref_slice %arg5[%arg0, %mul3A_40] : memref<2x10240xf32, #tpu.memory_space<hbm>> -> memref<1x640xf32, #tpu.memory_space<hbm>>
      %dma_start3A_41 = tpu.memref_squeeze %dma_start3A : memref<1x640xf32, #tpu.memory_space<hbm>> -> memref<640xf32, #tpu.memory_space<hbm>>
      %dma_start3A_42 = tpu.memref_slice %arg5[%arg0, %mul3A_40] : memref<2x10240xf32, #tpu.memory_space<hbm>> -> memref<1x640xf32, #tpu.memory_space<hbm>>
      %dma_start3A_43 = tpu.memref_squeeze %dma_start3A_42 : memref<1x640xf32, #tpu.memory_space<hbm>> -> memref<640xf32, #tpu.memory_space<hbm>>
      tpu.enqueue_dma source(%arg13 : memref<640xf32, #tpu.memory_space<vmem>>) target(%dma_start3A_43 : memref<640xf32, #tpu.memory_space<hbm>>) target_semaphore(%run_scoped3A : memref<!tpu.dma_semaphore, #tpu.memory_space<semaphore_mem>>)
      %dma_wait3A = tpu.memref_slice %arg5[%arg0, %mul3A_40] : memref<2x10240xf32, #tpu.memory_space<hbm>> -> memref<1x640xf32, #tpu.memory_space<hbm>>
      %dma_wait3A_44 = tpu.memref_squeeze %dma_wait3A : memref<1x640xf32, #tpu.memory_space<hbm>> -> memref<640xf32, #tpu.memory_space<hbm>>
      %dma_wait3A_45 = tpu.memref_slice %arg5[%arg0, %mul3A_40] : memref<2x10240xf32, #tpu.memory_space<hbm>> -> memref<1x640xf32, #tpu.memory_space<hbm>>
      %dma_wait3A_46 = tpu.memref_squeeze %dma_wait3A_45 : memref<1x640xf32, #tpu.memory_space<hbm>> -> memref<640xf32, #tpu.memory_space<hbm>>
      tpu.wait_dma2 semaphore(%run_scoped3A : memref<!tpu.dma_semaphore, #tpu.memory_space<semaphore_mem>>) src(%arg13 : memref<640xf32, #tpu.memory_space<vmem>>) dst(%dma_wait3A_46 : memref<640xf32, #tpu.memory_space<hbm>>)
      tpu.yield
    }) : () -> ()
    return
  }
}

#map = affine_map<(d0, d1) -> (0, 0)>
#map1 = affine_map<(d0, d1) -> (0, 0, 0)>
module attributes {stable_mosaic.version = 14 : i64} {
  func.func @agg_kernel(%arg0: i32, %arg1: i32, %arg2: memref<10000x128xf32, #tpu.memory_space<hbm>>, %arg3: memref<32x80x125xi32, #tpu.memory_space<hbm>>, %arg4: memref<32x80x125xi32, #tpu.memory_space<hbm>>, %arg5: memref<2x10240x128xf32, #tpu.memory_space<hbm>>, %arg6: memref<10240x128xf32, #tpu.memory_space<vmem_shared>>, %arg7: memref<125x128xf32, #tpu.memory_space<vmem>>, %arg8: memref<125x128xf32, #tpu.memory_space<vmem>>, %arg9: memref<80x125xi32, #tpu.memory_space<vmem>>, %arg10: memref<2x125xi32, #tpu.memory_space<vmem>>, %arg11: memref<!tpu.dma_semaphore, #tpu.memory_space<semaphore_mem>>, %arg12: memref<!tpu.dma_semaphore, #tpu.memory_space<semaphore_mem>>, %arg13: memref<!tpu.dma_semaphore, #tpu.memory_space<semaphore_mem>>, %arg14: memref<!tpu.dma_semaphore, #tpu.memory_space<semaphore_mem>>) attributes {dimension_semantics = [#tpu.dimension_semantics<core_parallel>, #tpu.dimension_semantics<subcore_parallel>], iteration_bounds = array<i64: 2, 16>, scalar_prefetch = 0 : i64, scratch_operands = 9 : i64, tpu.core_type = #tpu.core_type<sc_vector_subcore>, window_params = [{transform_indices = #map}, {transform_indices = #map1}, {transform_indices = #map1}, {transform_indices = #map1}]} {
    %mul3A = arith.constant 2 : i32
    %mul3A_0 = arith.muli %arg1, %mul3A : i32
    %add3A = arith.addi %mul3A_0, %arg0 : i32
    "tpu.region"() ({
      %run_scoped3A = tpu.sem_alloc : memref<!tpu.dma_semaphore, #tpu.memory_space<semaphore_mem>>
      %dma_start3A_64 = arith.constant 0 : i32
      %dma_start3A_65 = arith.constant 0 : i32
      %dma_start3A_66 = tpu.memref_slice %arg3[%add3A, %dma_start3A_64, %dma_start3A_65] : memref<32x80x125xi32, #tpu.memory_space<hbm>> -> memref<1x80x125xi32, #tpu.memory_space<hbm>>
      %dma_start3A_67 = tpu.memref_squeeze %dma_start3A_66 : memref<1x80x125xi32, #tpu.memory_space<hbm>> -> memref<80x125xi32, #tpu.memory_space<hbm>>
      %dma_start3A_68 = arith.constant 0 : i32
      %dma_start3A_69 = arith.constant 0 : i32
      %dma_start3A_70 = tpu.memref_slice %arg3[%add3A, %dma_start3A_68, %dma_start3A_69] : memref<32x80x125xi32, #tpu.memory_space<hbm>> -> memref<1x80x125xi32, #tpu.memory_space<hbm>>
      %dma_start3A_71 = tpu.memref_squeeze %dma_start3A_70 : memref<1x80x125xi32, #tpu.memory_space<hbm>> -> memref<80x125xi32, #tpu.memory_space<hbm>>
      tpu.enqueue_dma source(%dma_start3A_71 : memref<80x125xi32, #tpu.memory_space<hbm>>) target(%arg9 : memref<80x125xi32, #tpu.memory_space<vmem>>) target_semaphore(%run_scoped3A : memref<!tpu.dma_semaphore, #tpu.memory_space<semaphore_mem>>)
      %dma_wait3A = arith.constant 0 : i32
      %dma_wait3A_72 = arith.constant 0 : i32
      %dma_wait3A_73 = tpu.memref_slice %arg3[%add3A, %dma_wait3A, %dma_wait3A_72] : memref<32x80x125xi32, #tpu.memory_space<hbm>> -> memref<1x80x125xi32, #tpu.memory_space<hbm>>
      %dma_wait3A_74 = tpu.memref_squeeze %dma_wait3A_73 : memref<1x80x125xi32, #tpu.memory_space<hbm>> -> memref<80x125xi32, #tpu.memory_space<hbm>>
      %dma_wait3A_75 = arith.constant 0 : i32
      %dma_wait3A_76 = arith.constant 0 : i32
      %dma_wait3A_77 = tpu.memref_slice %arg3[%add3A, %dma_wait3A_75, %dma_wait3A_76] : memref<32x80x125xi32, #tpu.memory_space<hbm>> -> memref<1x80x125xi32, #tpu.memory_space<hbm>>
      %dma_wait3A_78 = tpu.memref_squeeze %dma_wait3A_77 : memref<1x80x125xi32, #tpu.memory_space<hbm>> -> memref<80x125xi32, #tpu.memory_space<hbm>>
      tpu.wait_dma2 semaphore(%run_scoped3A : memref<!tpu.dma_semaphore, #tpu.memory_space<semaphore_mem>>) src(%dma_wait3A_78 : memref<80x125xi32, #tpu.memory_space<hbm>>) dst(%arg9 : memref<80x125xi32, #tpu.memory_space<vmem>>)
      tpu.yield
    }) : () -> ()
    %dma_start3A = arith.constant 0 : i32
    %dma_start3A_1 = arith.constant 0 : i32
    %dma_start3A_2 = tpu.memref_slice %arg9[%dma_start3A, %dma_start3A_1] : memref<80x125xi32, #tpu.memory_space<vmem>> -> memref<1x125xi32, #tpu.memory_space<vmem>>
    %dma_start3A_3 = tpu.memref_squeeze %dma_start3A_2 : memref<1x125xi32, #tpu.memory_space<vmem>> -> memref<125xi32, #tpu.memory_space<vmem>>
    %dma_start3A_4 = arith.constant 0 : i32
    %dma_start3A_5 = arith.constant 0 : i32
    %dma_start3A_6 = tpu.memref_slice %arg2[%dma_start3A_4, %dma_start3A_5] : memref<10000x128xf32, #tpu.memory_space<hbm>> -> memref<10000x128xf32, #tpu.memory_space<hbm>>
    tpu.enqueue_indirect_dma source(%dma_start3A_6 : memref<10000x128xf32, #tpu.memory_space<hbm>>) target(%arg7 : memref<125x128xf32, #tpu.memory_space<vmem>>) offsets(%dma_start3A_3 : memref<125xi32, #tpu.memory_space<vmem>>) semaphore(%arg11 : memref<!tpu.dma_semaphore, #tpu.memory_space<semaphore_mem>>)
    %dma_start3A_7 = arith.constant 0 : i32
    %dma_start3A_8 = arith.constant 0 : i32
    %dma_start3A_9 = arith.constant 0 : i32
    %dma_start3A_10 = tpu.memref_slice %arg10[%dma_start3A_8, %dma_start3A_9] : memref<2x125xi32, #tpu.memory_space<vmem>> -> memref<1x125xi32, #tpu.memory_space<vmem>>
    %dma_start3A_11 = tpu.memref_squeeze %dma_start3A_10 : memref<1x125xi32, #tpu.memory_space<vmem>> -> memref<125xi32, #tpu.memory_space<vmem>>
    %dma_start3A_12 = arith.constant 0 : i32
    %dma_start3A_13 = tpu.memref_slice %arg4[%add3A, %dma_start3A_7, %dma_start3A_12] : memref<32x80x125xi32, #tpu.memory_space<hbm>> -> memref<1x1x125xi32, #tpu.memory_space<hbm>>
    %dma_start3A_14 = tpu.memref_squeeze %dma_start3A_13 : memref<1x1x125xi32, #tpu.memory_space<hbm>> -> memref<125xi32, #tpu.memory_space<hbm>>
    %dma_start3A_15 = arith.constant 0 : i32
    %dma_start3A_16 = tpu.memref_slice %arg10[%dma_start3A_8, %dma_start3A_15] : memref<2x125xi32, #tpu.memory_space<vmem>> -> memref<1x125xi32, #tpu.memory_space<vmem>>
    %dma_start3A_17 = tpu.memref_squeeze %dma_start3A_16 : memref<1x125xi32, #tpu.memory_space<vmem>> -> memref<125xi32, #tpu.memory_space<vmem>>
    %dma_start3A_18 = arith.constant 0 : i32
    %dma_start3A_19 = tpu.memref_slice %arg4[%add3A, %dma_start3A_7, %dma_start3A_18] : memref<32x80x125xi32, #tpu.memory_space<hbm>> -> memref<1x1x125xi32, #tpu.memory_space<hbm>>
    %dma_start3A_20 = tpu.memref_squeeze %dma_start3A_19 : memref<1x1x125xi32, #tpu.memory_space<hbm>> -> memref<125xi32, #tpu.memory_space<hbm>>
    tpu.enqueue_dma source(%dma_start3A_20 : memref<125xi32, #tpu.memory_space<hbm>>) target(%dma_start3A_17 : memref<125xi32, #tpu.memory_space<vmem>>) target_semaphore(%arg13 : memref<!tpu.dma_semaphore, #tpu.memory_space<semaphore_mem>>)
    %dma_start3A_21 = arith.constant 1 : i32
    %dma_start3A_22 = arith.constant 1 : i32
    %dma_start3A_23 = arith.constant 0 : i32
    %dma_start3A_24 = tpu.memref_slice %arg10[%dma_start3A_22, %dma_start3A_23] : memref<2x125xi32, #tpu.memory_space<vmem>> -> memref<1x125xi32, #tpu.memory_space<vmem>>
    %dma_start3A_25 = tpu.memref_squeeze %dma_start3A_24 : memref<1x125xi32, #tpu.memory_space<vmem>> -> memref<125xi32, #tpu.memory_space<vmem>>
    %dma_start3A_26 = arith.constant 0 : i32
    %dma_start3A_27 = tpu.memref_slice %arg4[%add3A, %dma_start3A_21, %dma_start3A_26] : memref<32x80x125xi32, #tpu.memory_space<hbm>> -> memref<1x1x125xi32, #tpu.memory_space<hbm>>
    %dma_start3A_28 = tpu.memref_squeeze %dma_start3A_27 : memref<1x1x125xi32, #tpu.memory_space<hbm>> -> memref<125xi32, #tpu.memory_space<hbm>>
    %dma_start3A_29 = arith.constant 0 : i32
    %dma_start3A_30 = tpu.memref_slice %arg10[%dma_start3A_22, %dma_start3A_29] : memref<2x125xi32, #tpu.memory_space<vmem>> -> memref<1x125xi32, #tpu.memory_space<vmem>>
    %dma_start3A_31 = tpu.memref_squeeze %dma_start3A_30 : memref<1x125xi32, #tpu.memory_space<vmem>> -> memref<125xi32, #tpu.memory_space<vmem>>
    %dma_start3A_32 = arith.constant 0 : i32
    %dma_start3A_33 = tpu.memref_slice %arg4[%add3A, %dma_start3A_21, %dma_start3A_32] : memref<32x80x125xi32, #tpu.memory_space<hbm>> -> memref<1x1x125xi32, #tpu.memory_space<hbm>>
    %dma_start3A_34 = tpu.memref_squeeze %dma_start3A_33 : memref<1x1x125xi32, #tpu.memory_space<hbm>> -> memref<125xi32, #tpu.memory_space<hbm>>
    tpu.enqueue_dma source(%dma_start3A_34 : memref<125xi32, #tpu.memory_space<hbm>>) target(%dma_start3A_31 : memref<125xi32, #tpu.memory_space<vmem>>) target_semaphore(%arg14 : memref<!tpu.dma_semaphore, #tpu.memory_space<semaphore_mem>>)
    %broadcast_in_dim3A = arith.constant 0.000000e+00 : f32
    %broadcast_in_dim3A_35 = vector.broadcast %broadcast_in_dim3A : f32 to vector<16xf32>
    %scan3A = arith.constant 0 : i32
    %scan3A_36 = arith.constant 125 : i32
    %scan3A_37 = arith.addi %scan3A, %scan3A_36 : i32
    %scan3A_38 = arith.constant 1 : i32
    scf.for %scan3A_64 = %scan3A to %scan3A_37 step %scan3A_38  : i32 {
      %mul3A_65 = arith.constant 1 : i32
      %mul3A_66 = arith.muli %scan3A_64, %mul3A_65 : i32
      %add3A_67 = arith.constant 0 : i32
      %add3A_68 = arith.addi %add3A_67, %mul3A_66 : i32
      %scan3A_69 = arith.constant 0 : i32
      %scan3A_70 = arith.constant 8 : i32
      %scan3A_71 = arith.addi %scan3A_69, %scan3A_70 : i32
      %scan3A_72 = arith.constant 1 : i32
      scf.for %scan3A_74 = %scan3A_69 to %scan3A_71 step %scan3A_72  : i32 {
        %mul3A_75 = arith.constant 16 : i32
        %mul3A_76 = arith.muli %scan3A_74, %mul3A_75 : i32
        %add3A_77 = arith.constant 0 : i32
        %add3A_78 = arith.addi %add3A_77, %mul3A_76 : i32
        %swap3A = arith.index_cast %add3A_68 : i32 to index
        %swap3A_79 = arith.index_cast %add3A_78 : i32 to index
        %swap3A_80 = tpu.vector_load %arg8[%swap3A, %swap3A_79] {strides = array<i32>} : memref<125x128xf32, #tpu.memory_space<vmem>>, vector<1x16xf32>,
        %swap3A_81 = vector.shape_cast %swap3A_80 : vector<1x16xf32> to vector<16xf32>
        %swap3A_82 = vector.shape_cast %broadcast_in_dim3A_35 : vector<16xf32> to vector<1x16xf32>
        tpu.vector_store %arg8[%swap3A, %swap3A_79], %swap3A_82 {strides = array<i32>} : memref<125x128xf32, #tpu.memory_space<vmem>>, vector<1x16xf32>,
      }
      %scan3A_73 = arith.constant 8 : i32
    }
    %scan3A_39 = arith.constant 125 : i32
    %scan3A_40 = arith.constant 0 : i32
    %scan3A_41 = arith.constant 5 : i32
    %scan3A_42 = arith.addi %scan3A_40, %scan3A_41 : i32
    %scan3A_43 = arith.constant 1 : i32
    scf.for %scan3A_64 = %scan3A_40 to %scan3A_42 step %scan3A_43  : i32 {
      %mul3A_65 = arith.constant 120 : i32
      %mul3A_66 = arith.muli %scan3A_64, %mul3A_65 : i32
      %add3A_67 = arith.constant 0 : i32
      %add3A_68 = arith.addi %add3A_67, %mul3A_66 : i32
      %mul3A_69 = arith.constant 640 : i32
      %mul3A_70 = arith.muli %arg1, %mul3A_69 : i32
      %add3A_71 = arith.addi %mul3A_70, %add3A_68 : i32
      "tpu.region"() ({
        %run_scoped3A = tpu.sem_alloc : memref<!tpu.dma_semaphore, #tpu.memory_space<semaphore_mem>>
        %dma_start3A_72 = arith.constant 0 : i32
        %dma_start3A_73 = arith.constant 0 : i32
        %dma_start3A_74 = tpu.memref_slice %arg8[%dma_start3A_72, %dma_start3A_73] : memref<125x128xf32, #tpu.memory_space<vmem>> -> memref<120x128xf32, #tpu.memory_space<vmem>>
        %dma_start3A_75 = arith.constant 0 : i32
        %dma_start3A_76 = tpu.memref_slice %arg6[%add3A_71, %dma_start3A_75] : memref<10240x128xf32, #tpu.memory_space<vmem_shared>> -> memref<120x128xf32, #tpu.memory_space<vmem_shared>>
        %dma_start3A_77 = arith.constant 0 : i32
        %dma_start3A_78 = tpu.memref_slice %arg6[%add3A_71, %dma_start3A_77] : memref<10240x128xf32, #tpu.memory_space<vmem_shared>> -> memref<120x128xf32, #tpu.memory_space<vmem_shared>>
        %dma_start3A_79 = arith.constant 0 : i32
        %dma_start3A_80 = arith.constant 0 : i32
        %dma_start3A_81 = tpu.memref_slice %arg8[%dma_start3A_79, %dma_start3A_80] : memref<125x128xf32, #tpu.memory_space<vmem>> -> memref<120x128xf32, #tpu.memory_space<vmem>>
        tpu.enqueue_dma source(%dma_start3A_81 : memref<120x128xf32, #tpu.memory_space<vmem>>) target(%dma_start3A_78 : memref<120x128xf32, #tpu.memory_space<vmem_shared>>) target_semaphore(%run_scoped3A : memref<!tpu.dma_semaphore, #tpu.memory_space<semaphore_mem>>)
        %dma_wait3A = arith.constant 0 : i32
        %dma_wait3A_82 = arith.constant 0 : i32
        %dma_wait3A_83 = tpu.memref_slice %arg8[%dma_wait3A, %dma_wait3A_82] : memref<125x128xf32, #tpu.memory_space<vmem>> -> memref<120x128xf32, #tpu.memory_space<vmem>>
        %dma_wait3A_84 = arith.constant 0 : i32
        %dma_wait3A_85 = tpu.memref_slice %arg6[%add3A_71, %dma_wait3A_84] : memref<10240x128xf32, #tpu.memory_space<vmem_shared>> -> memref<120x128xf32, #tpu.memory_space<vmem_shared>>
        %dma_wait3A_86 = arith.constant 0 : i32
        %dma_wait3A_87 = tpu.memref_slice %arg6[%add3A_71, %dma_wait3A_86] : memref<10240x128xf32, #tpu.memory_space<vmem_shared>> -> memref<120x128xf32, #tpu.memory_space<vmem_shared>>
        %dma_wait3A_88 = arith.constant 0 : i32
        %dma_wait3A_89 = arith.constant 0 : i32
        %dma_wait3A_90 = tpu.memref_slice %arg8[%dma_wait3A_88, %dma_wait3A_89] : memref<125x128xf32, #tpu.memory_space<vmem>> -> memref<120x128xf32, #tpu.memory_space<vmem>>
        tpu.wait_dma2 semaphore(%run_scoped3A : memref<!tpu.dma_semaphore, #tpu.memory_space<semaphore_mem>>) src(%dma_wait3A_90 : memref<120x128xf32, #tpu.memory_space<vmem>>) dst(%dma_wait3A_87 : memref<120x128xf32, #tpu.memory_space<vmem_shared>>)
        tpu.yield
      }) : () -> ()
    }
    %scan3A_44 = arith.constant 5 : i32
    %mul3A_45 = arith.constant 640 : i32
    %mul3A_46 = arith.muli %arg1, %mul3A_45 : i32
    %add3A_47 = arith.constant 600 : i32
    %add3A_48 = arith.addi %mul3A_46, %add3A_47 : i32
    "tpu.region"() ({
      %run_scoped3A = tpu.sem_alloc : memref<!tpu.dma_semaphore, #tpu.memory_space<semaphore_mem>>
      %dma_start3A_64 = arith.constant 0 : i32
      %dma_start3A_65 = arith.constant 0 : i32
      %dma_start3A_66 = tpu.memref_slice %arg8[%dma_start3A_64, %dma_start3A_65] : memref<125x128xf32, #tpu.memory_space<vmem>> -> memref<40x128xf32, #tpu.memory_space<vmem>>
      %dma_start3A_67 = arith.constant 0 : i32
      %dma_start3A_68 = tpu.memref_slice %arg6[%add3A_48, %dma_start3A_67] : memref<10240x128xf32, #tpu.memory_space<vmem_shared>> -> memref<40x128xf32, #tpu.memory_space<vmem_shared>>
      %dma_start3A_69 = arith.constant 0 : i32
      %dma_start3A_70 = tpu.memref_slice %arg6[%add3A_48, %dma_start3A_69] : memref<10240x128xf32, #tpu.memory_space<vmem_shared>> -> memref<40x128xf32, #tpu.memory_space<vmem_shared>>
      %dma_start3A_71 = arith.constant 0 : i32
      %dma_start3A_72 = arith.constant 0 : i32
      %dma_start3A_73 = tpu.memref_slice %arg8[%dma_start3A_71, %dma_start3A_72] : memref<125x128xf32, #tpu.memory_space<vmem>> -> memref<40x128xf32, #tpu.memory_space<vmem>>
      tpu.enqueue_dma source(%dma_start3A_73 : memref<40x128xf32, #tpu.memory_space<vmem>>) target(%dma_start3A_70 : memref<40x128xf32, #tpu.memory_space<vmem_shared>>) target_semaphore(%run_scoped3A : memref<!tpu.dma_semaphore, #tpu.memory_space<semaphore_mem>>)
      %dma_wait3A = arith.constant 0 : i32
      %dma_wait3A_74 = arith.constant 0 : i32
      %dma_wait3A_75 = tpu.memref_slice %arg8[%dma_wait3A, %dma_wait3A_74] : memref<125x128xf32, #tpu.memory_space<vmem>> -> memref<40x128xf32, #tpu.memory_space<vmem>>
      %dma_wait3A_76 = arith.constant 0 : i32
      %dma_wait3A_77 = tpu.memref_slice %arg6[%add3A_48, %dma_wait3A_76] : memref<10240x128xf32, #tpu.memory_space<vmem_shared>> -> memref<40x128xf32, #tpu.memory_space<vmem_shared>>
      %dma_wait3A_78 = arith.constant 0 : i32
      %dma_wait3A_79 = tpu.memref_slice %arg6[%add3A_48, %dma_wait3A_78] : memref<10240x128xf32, #tpu.memory_space<vmem_shared>> -> memref<40x128xf32, #tpu.memory_space<vmem_shared>>
      %dma_wait3A_80 = arith.constant 0 : i32
      %dma_wait3A_81 = arith.constant 0 : i32
      %dma_wait3A_82 = tpu.memref_slice %arg8[%dma_wait3A_80, %dma_wait3A_81] : memref<125x128xf32, #tpu.memory_space<vmem>> -> memref<40x128xf32, #tpu.memory_space<vmem>>
      tpu.wait_dma2 semaphore(%run_scoped3A : memref<!tpu.dma_semaphore, #tpu.memory_space<semaphore_mem>>) src(%dma_wait3A_82 : memref<40x128xf32, #tpu.memory_space<vmem>>) dst(%dma_wait3A_79 : memref<40x128xf32, #tpu.memory_space<vmem_shared>>)
      tpu.yield
    }) : () -> ()
    %dma_start3A_49 = arith.constant 1 : i32
    %dma_start3A_50 = arith.constant 0 : i32
    %dma_start3A_51 = tpu.memref_slice %arg9[%dma_start3A_49, %dma_start3A_50] : memref<80x125xi32, #tpu.memory_space<vmem>> -> memref<1x125xi32, #tpu.memory_space<vmem>>
    %dma_start3A_52 = tpu.memref_squeeze %dma_start3A_51 : memref<1x125xi32, #tpu.memory_space<vmem>> -> memref<125xi32, #tpu.memory_space<vmem>>
    %dma_start3A_53 = arith.constant 0 : i32
    %dma_start3A_54 = arith.constant 0 : i32
    %dma_start3A_55 = tpu.memref_slice %arg2[%dma_start3A_53, %dma_start3A_54] : memref<10000x128xf32, #tpu.memory_space<hbm>> -> memref<10000x128xf32, #tpu.memory_space<hbm>>
    tpu.enqueue_indirect_dma source(%dma_start3A_55 : memref<10000x128xf32, #tpu.memory_space<hbm>>) target(%arg8 : memref<125x128xf32, #tpu.memory_space<vmem>>) offsets(%dma_start3A_52 : memref<125xi32, #tpu.memory_space<vmem>>) semaphore(%arg12 : memref<!tpu.dma_semaphore, #tpu.memory_space<semaphore_mem>>)
    %barrier3A = arith.constant 0 : index
    tpu.barrier barrier_id(%barrier3A)
    %scan3A_56 = arith.constant 0 : i32
    %scan3A_57 = arith.constant 40 : i32
    %scan3A_58 = arith.addi %scan3A_56, %scan3A_57 : i32
    %scan3A_59 = arith.constant 1 : i32
    scf.for %scan3A_64 = %scan3A_56 to %scan3A_58 step %scan3A_59  : i32 {
      %mul3A_65 = arith.constant 2 : i32
      %mul3A_66 = arith.muli %scan3A_64, %mul3A_65 : i32
      %add3A_67 = arith.constant 0 : i32
      %add3A_68 = arith.addi %add3A_67, %mul3A_66 : i32
      %dma_wait3A = arith.constant 0 : i32
      %dma_wait3A_69 = tpu.memref_slice %arg9[%add3A_68, %dma_wait3A] : memref<80x125xi32, #tpu.memory_space<vmem>> -> memref<1x125xi32, #tpu.memory_space<vmem>>
      %dma_wait3A_70 = tpu.memref_squeeze %dma_wait3A_69 : memref<1x125xi32, #tpu.memory_space<vmem>> -> memref<125xi32, #tpu.memory_space<vmem>>
      %dma_wait3A_71 = arith.constant 0 : i32
      %dma_wait3A_72 = arith.constant 0 : i32
      %dma_wait3A_73 = tpu.memref_slice %arg2[%dma_wait3A_71, %dma_wait3A_72] : memref<10000x128xf32, #tpu.memory_space<hbm>> -> memref<10000x128xf32, #tpu.memory_space<hbm>>
      tpu.wait_indirect_dma semaphore(%arg11 : memref<!tpu.dma_semaphore, #tpu.memory_space<semaphore_mem>>) src(%dma_wait3A_73 : memref<10000x128xf32, #tpu.memory_space<hbm>>) dst(%arg7 : memref<125x128xf32, #tpu.memory_space<vmem>>)
      %dma_wait3A_74 = arith.constant 0 : i32
      %dma_wait3A_75 = arith.constant 0 : i32
      %dma_wait3A_76 = tpu.memref_slice %arg10[%dma_wait3A_74, %dma_wait3A_75] : memref<2x125xi32, #tpu.memory_space<vmem>> -> memref<1x125xi32, #tpu.memory_space<vmem>>
      %dma_wait3A_77 = tpu.memref_squeeze %dma_wait3A_76 : memref<1x125xi32, #tpu.memory_space<vmem>> -> memref<125xi32, #tpu.memory_space<vmem>>
      %dma_wait3A_78 = arith.constant 0 : i32
      %dma_wait3A_79 = tpu.memref_slice %arg4[%add3A, %add3A_68, %dma_wait3A_78] : memref<32x80x125xi32, #tpu.memory_space<hbm>> -> memref<1x1x125xi32, #tpu.memory_space<hbm>>
      %dma_wait3A_80 = tpu.memref_squeeze %dma_wait3A_79 : memref<1x1x125xi32, #tpu.memory_space<hbm>> -> memref<125xi32, #tpu.memory_space<hbm>>
      %dma_wait3A_81 = arith.constant 0 : i32
      %dma_wait3A_82 = tpu.memref_slice %arg10[%dma_wait3A_74, %dma_wait3A_81] : memref<2x125xi32, #tpu.memory_space<vmem>> -> memref<1x125xi32, #tpu.memory_space<vmem>>
      %dma_wait3A_83 = tpu.memref_squeeze %dma_wait3A_82 : memref<1x125xi32, #tpu.memory_space<vmem>> -> memref<125xi32, #tpu.memory_space<vmem>>
      %dma_wait3A_84 = arith.constant 0 : i32
      %dma_wait3A_85 = tpu.memref_slice %arg4[%add3A, %add3A_68, %dma_wait3A_84] : memref<32x80x125xi32, #tpu.memory_space<hbm>> -> memref<1x1x125xi32, #tpu.memory_space<hbm>>
      %dma_wait3A_86 = tpu.memref_squeeze %dma_wait3A_85 : memref<1x1x125xi32, #tpu.memory_space<hbm>> -> memref<125xi32, #tpu.memory_space<hbm>>
      tpu.wait_dma2 semaphore(%arg13 : memref<!tpu.dma_semaphore, #tpu.memory_space<semaphore_mem>>) src(%dma_wait3A_86 : memref<125xi32, #tpu.memory_space<hbm>>) dst(%dma_wait3A_83 : memref<125xi32, #tpu.memory_space<vmem>>)
      %run_scoped3A = arith.constant 0 : i32
      "tpu.region"() ({
        %run_scoped3A_122 = tpu.sem_alloc : memref<!tpu.dma_semaphore, #tpu.memory_space<semaphore_mem>>
        %dma_start3A_123 = arith.constant 0 : i32
        %dma_start3A_124 = tpu.memref_slice %arg10[%run_scoped3A, %dma_start3A_123] : memref<2x125xi32, #tpu.memory_space<vmem>> -> memref<1x125xi32, #tpu.memory_space<vmem>>
        %dma_start3A_125 = tpu.memref_squeeze %dma_start3A_124 : memref<1x125xi32, #tpu.memory_space<vmem>> -> memref<125xi32, #tpu.memory_space<vmem>>
        %dma_start3A_126 = arith.constant 0 : i32
        %dma_start3A_127 = arith.constant 0 : i32
        %dma_start3A_128 = tpu.memref_slice %arg6[%dma_start3A_126, %dma_start3A_127] : memref<10240x128xf32, #tpu.memory_space<vmem_shared>> -> memref<10240x128xf32, #tpu.memory_space<vmem_shared>>
        tpu.enqueue_indirect_dma source(%arg7 : memref<125x128xf32, #tpu.memory_space<vmem>>) target(%dma_start3A_128 : memref<10240x128xf32, #tpu.memory_space<vmem_shared>>) offsets(%dma_start3A_125 : memref<125xi32, #tpu.memory_space<vmem>>) semaphore(%run_scoped3A_122 : memref<!tpu.dma_semaphore, #tpu.memory_space<semaphore_mem>>) {add = true}
        %dma_wait3A_129 = arith.constant 0 : i32
        %dma_wait3A_130 = tpu.memref_slice %arg10[%run_scoped3A, %dma_wait3A_129] : memref<2x125xi32, #tpu.memory_space<vmem>> -> memref<1x125xi32, #tpu.memory_space<vmem>>
        %dma_wait3A_131 = tpu.memref_squeeze %dma_wait3A_130 : memref<1x125xi32, #tpu.memory_space<vmem>> -> memref<125xi32, #tpu.memory_space<vmem>>
        %dma_wait3A_132 = arith.constant 0 : i32
        %dma_wait3A_133 = arith.constant 0 : i32
        %dma_wait3A_134 = tpu.memref_slice %arg6[%dma_wait3A_132, %dma_wait3A_133] : memref<10240x128xf32, #tpu.memory_space<vmem_shared>> -> memref<10240x128xf32, #tpu.memory_space<vmem_shared>>
        tpu.wait_indirect_dma semaphore(%run_scoped3A_122 : memref<!tpu.dma_semaphore, #tpu.memory_space<semaphore_mem>>) src(%arg7 : memref<125x128xf32, #tpu.memory_space<vmem>>) dst(%dma_wait3A_134 : memref<10240x128xf32, #tpu.memory_space<vmem_shared>>)
        tpu.yield
      }) : () -> ()
      %add3A_87 = arith.constant 2 : i32
      %add3A_88 = arith.addi %add3A_68, %add3A_87 : i32
      %lt3A = arith.constant 80 : i32
      %lt3A_89 = arith.cmpi slt, %add3A_88, %lt3A : i32
      %convert_element_type3A = arith.extui %lt3A_89 : i1 to i32
      %cond3A = arith.constant 0 : i32
      %cond3A_90 = arith.cmpi ne, %convert_element_type3A, %cond3A : i32
      scf.if %cond3A_90 {
        %add3A_122 = arith.constant 2 : i32
        %add3A_123 = arith.addi %add3A_68, %add3A_122 : i32
        %dma_start3A_124 = arith.constant 0 : i32
        %dma_start3A_125 = tpu.memref_slice %arg9[%add3A_123, %dma_start3A_124] : memref<80x125xi32, #tpu.memory_space<vmem>> -> memref<1x125xi32, #tpu.memory_space<vmem>>
        %dma_start3A_126 = tpu.memref_squeeze %dma_start3A_125 : memref<1x125xi32, #tpu.memory_space<vmem>> -> memref<125xi32, #tpu.memory_space<vmem>>
        %dma_start3A_127 = arith.constant 0 : i32
        %dma_start3A_128 = arith.constant 0 : i32
        %dma_start3A_129 = tpu.memref_slice %arg2[%dma_start3A_127, %dma_start3A_128] : memref<10000x128xf32, #tpu.memory_space<hbm>> -> memref<10000x128xf32, #tpu.memory_space<hbm>>
        tpu.enqueue_indirect_dma source(%dma_start3A_129 : memref<10000x128xf32, #tpu.memory_space<hbm>>) target(%arg7 : memref<125x128xf32, #tpu.memory_space<vmem>>) offsets(%dma_start3A_126 : memref<125xi32, #tpu.memory_space<vmem>>) semaphore(%arg11 : memref<!tpu.dma_semaphore, #tpu.memory_space<semaphore_mem>>)
        %add3A_130 = arith.constant 2 : i32
        %add3A_131 = arith.addi %add3A_68, %add3A_130 : i32
        %dma_start3A_132 = arith.constant 0 : i32
        %dma_start3A_133 = arith.constant 0 : i32
        %dma_start3A_134 = tpu.memref_slice %arg10[%dma_start3A_132, %dma_start3A_133] : memref<2x125xi32, #tpu.memory_space<vmem>> -> memref<1x125xi32, #tpu.memory_space<vmem>>
        %dma_start3A_135 = tpu.memref_squeeze %dma_start3A_134 : memref<1x125xi32, #tpu.memory_space<vmem>> -> memref<125xi32, #tpu.memory_space<vmem>>
        %dma_start3A_136 = arith.constant 0 : i32
        %dma_start3A_137 = tpu.memref_slice %arg4[%add3A, %add3A_131, %dma_start3A_136] : memref<32x80x125xi32, #tpu.memory_space<hbm>> -> memref<1x1x125xi32, #tpu.memory_space<hbm>>
        %dma_start3A_138 = tpu.memref_squeeze %dma_start3A_137 : memref<1x1x125xi32, #tpu.memory_space<hbm>> -> memref<125xi32, #tpu.memory_space<hbm>>
        %dma_start3A_139 = arith.constant 0 : i32
        %dma_start3A_140 = tpu.memref_slice %arg10[%dma_start3A_132, %dma_start3A_139] : memref<2x125xi32, #tpu.memory_space<vmem>> -> memref<1x125xi32, #tpu.memory_space<vmem>>
        %dma_start3A_141 = tpu.memref_squeeze %dma_start3A_140 : memref<1x125xi32, #tpu.memory_space<vmem>> -> memref<125xi32, #tpu.memory_space<vmem>>
        %dma_start3A_142 = arith.constant 0 : i32
        %dma_start3A_143 = tpu.memref_slice %arg4[%add3A, %add3A_131, %dma_start3A_142] : memref<32x80x125xi32, #tpu.memory_space<hbm>> -> memref<1x1x125xi32, #tpu.memory_space<hbm>>
        %dma_start3A_144 = tpu.memref_squeeze %dma_start3A_143 : memref<1x1x125xi32, #tpu.memory_space<hbm>> -> memref<125xi32, #tpu.memory_space<hbm>>
        tpu.enqueue_dma source(%dma_start3A_144 : memref<125xi32, #tpu.memory_space<hbm>>) target(%dma_start3A_141 : memref<125xi32, #tpu.memory_space<vmem>>) target_semaphore(%arg13 : memref<!tpu.dma_semaphore, #tpu.memory_space<semaphore_mem>>)
      } else {
      }
      %add3A_91 = arith.constant 1 : i32
      %add3A_92 = arith.addi %add3A_68, %add3A_91 : i32
      %dma_wait3A_93 = arith.constant 0 : i32
      %dma_wait3A_94 = tpu.memref_slice %arg9[%add3A_92, %dma_wait3A_93] : memref<80x125xi32, #tpu.memory_space<vmem>> -> memref<1x125xi32, #tpu.memory_space<vmem>>
      %dma_wait3A_95 = tpu.memref_squeeze %dma_wait3A_94 : memref<1x125xi32, #tpu.memory_space<vmem>> -> memref<125xi32, #tpu.memory_space<vmem>>
      %dma_wait3A_96 = arith.constant 0 : i32
      %dma_wait3A_97 = arith.constant 0 : i32
      %dma_wait3A_98 = tpu.memref_slice %arg2[%dma_wait3A_96, %dma_wait3A_97] : memref<10000x128xf32, #tpu.memory_space<hbm>> -> memref<10000x128xf32, #tpu.memory_space<hbm>>
      tpu.wait_indirect_dma semaphore(%arg12 : memref<!tpu.dma_semaphore, #tpu.memory_space<semaphore_mem>>) src(%dma_wait3A_98 : memref<10000x128xf32, #tpu.memory_space<hbm>>) dst(%arg8 : memref<125x128xf32, #tpu.memory_space<vmem>>)
      %add3A_99 = arith.constant 1 : i32
      %add3A_100 = arith.addi %add3A_68, %add3A_99 : i32
      %dma_wait3A_101 = arith.constant 1 : i32
      %dma_wait3A_102 = arith.constant 0 : i32
      %dma_wait3A_103 = tpu.memref_slice %arg10[%dma_wait3A_101, %dma_wait3A_102] : memref<2x125xi32, #tpu.memory_space<vmem>> -> memref<1x125xi32, #tpu.memory_space<vmem>>
      %dma_wait3A_104 = tpu.memref_squeeze %dma_wait3A_103 : memref<1x125xi32, #tpu.memory_space<vmem>> -> memref<125xi32, #tpu.memory_space<vmem>>
      %dma_wait3A_105 = arith.constant 0 : i32
      %dma_wait3A_106 = tpu.memref_slice %arg4[%add3A, %add3A_100, %dma_wait3A_105] : memref<32x80x125xi32, #tpu.memory_space<hbm>> -> memref<1x1x125xi32, #tpu.memory_space<hbm>>
      %dma_wait3A_107 = tpu.memref_squeeze %dma_wait3A_106 : memref<1x1x125xi32, #tpu.memory_space<hbm>> -> memref<125xi32, #tpu.memory_space<hbm>>
      %dma_wait3A_108 = arith.constant 0 : i32
      %dma_wait3A_109 = tpu.memref_slice %arg10[%dma_wait3A_101, %dma_wait3A_108] : memref<2x125xi32, #tpu.memory_space<vmem>> -> memref<1x125xi32, #tpu.memory_space<vmem>>
      %dma_wait3A_110 = tpu.memref_squeeze %dma_wait3A_109 : memref<1x125xi32, #tpu.memory_space<vmem>> -> memref<125xi32, #tpu.memory_space<vmem>>
      %dma_wait3A_111 = arith.constant 0 : i32
      %dma_wait3A_112 = tpu.memref_slice %arg4[%add3A, %add3A_100, %dma_wait3A_111] : memref<32x80x125xi32, #tpu.memory_space<hbm>> -> memref<1x1x125xi32, #tpu.memory_space<hbm>>
      %dma_wait3A_113 = tpu.memref_squeeze %dma_wait3A_112 : memref<1x1x125xi32, #tpu.memory_space<hbm>> -> memref<125xi32, #tpu.memory_space<hbm>>
      tpu.wait_dma2 semaphore(%arg14 : memref<!tpu.dma_semaphore, #tpu.memory_space<semaphore_mem>>) src(%dma_wait3A_113 : memref<125xi32, #tpu.memory_space<hbm>>) dst(%dma_wait3A_110 : memref<125xi32, #tpu.memory_space<vmem>>)
      %run_scoped3A_114 = arith.constant 1 : i32
      "tpu.region"() ({
        %run_scoped3A_122 = tpu.sem_alloc : memref<!tpu.dma_semaphore, #tpu.memory_space<semaphore_mem>>
        %dma_start3A_123 = arith.constant 0 : i32
        %dma_start3A_124 = tpu.memref_slice %arg10[%run_scoped3A_114, %dma_start3A_123] : memref<2x125xi32, #tpu.memory_space<vmem>> -> memref<1x125xi32, #tpu.memory_space<vmem>>
        %dma_start3A_125 = tpu.memref_squeeze %dma_start3A_124 : memref<1x125xi32, #tpu.memory_space<vmem>> -> memref<125xi32, #tpu.memory_space<vmem>>
        %dma_start3A_126 = arith.constant 0 : i32
        %dma_start3A_127 = arith.constant 0 : i32
        %dma_start3A_128 = tpu.memref_slice %arg6[%dma_start3A_126, %dma_start3A_127] : memref<10240x128xf32, #tpu.memory_space<vmem_shared>> -> memref<10240x128xf32, #tpu.memory_space<vmem_shared>>
        tpu.enqueue_indirect_dma source(%arg8 : memref<125x128xf32, #tpu.memory_space<vmem>>) target(%dma_start3A_128 : memref<10240x128xf32, #tpu.memory_space<vmem_shared>>) offsets(%dma_start3A_125 : memref<125xi32, #tpu.memory_space<vmem>>) semaphore(%run_scoped3A_122 : memref<!tpu.dma_semaphore, #tpu.memory_space<semaphore_mem>>) {add = true}
        %dma_wait3A_129 = arith.constant 0 : i32
        %dma_wait3A_130 = tpu.memref_slice %arg10[%run_scoped3A_114, %dma_wait3A_129] : memref<2x125xi32, #tpu.memory_space<vmem>> -> memref<1x125xi32, #tpu.memory_space<vmem>>
        %dma_wait3A_131 = tpu.memref_squeeze %dma_wait3A_130 : memref<1x125xi32, #tpu.memory_space<vmem>> -> memref<125xi32, #tpu.memory_space<vmem>>
        %dma_wait3A_132 = arith.constant 0 : i32
        %dma_wait3A_133 = arith.constant 0 : i32
        %dma_wait3A_134 = tpu.memref_slice %arg6[%dma_wait3A_132, %dma_wait3A_133] : memref<10240x128xf32, #tpu.memory_space<vmem_shared>> -> memref<10240x128xf32, #tpu.memory_space<vmem_shared>>
        tpu.wait_indirect_dma semaphore(%run_scoped3A_122 : memref<!tpu.dma_semaphore, #tpu.memory_space<semaphore_mem>>) src(%arg8 : memref<125x128xf32, #tpu.memory_space<vmem>>) dst(%dma_wait3A_134 : memref<10240x128xf32, #tpu.memory_space<vmem_shared>>)
        tpu.yield
      }) : () -> ()
      %add3A_115 = arith.constant 3 : i32
      %add3A_116 = arith.addi %add3A_68, %add3A_115 : i32
      %lt3A_117 = arith.constant 80 : i32
      %lt3A_118 = arith.cmpi slt, %add3A_116, %lt3A_117 : i32
      %convert_element_type3A_119 = arith.extui %lt3A_118 : i1 to i32
      %cond3A_120 = arith.constant 0 : i32
      %cond3A_121 = arith.cmpi ne, %convert_element_type3A_119, %cond3A_120 : i32
      scf.if %cond3A_121 {
        %add3A_122 = arith.constant 3 : i32
        %add3A_123 = arith.addi %add3A_68, %add3A_122 : i32
        %dma_start3A_124 = arith.constant 0 : i32
        %dma_start3A_125 = tpu.memref_slice %arg9[%add3A_123, %dma_start3A_124] : memref<80x125xi32, #tpu.memory_space<vmem>> -> memref<1x125xi32, #tpu.memory_space<vmem>>
        %dma_start3A_126 = tpu.memref_squeeze %dma_start3A_125 : memref<1x125xi32, #tpu.memory_space<vmem>> -> memref<125xi32, #tpu.memory_space<vmem>>
        %dma_start3A_127 = arith.constant 0 : i32
        %dma_start3A_128 = arith.constant 0 : i32
        %dma_start3A_129 = tpu.memref_slice %arg2[%dma_start3A_127, %dma_start3A_128] : memref<10000x128xf32, #tpu.memory_space<hbm>> -> memref<10000x128xf32, #tpu.memory_space<hbm>>
        tpu.enqueue_indirect_dma source(%dma_start3A_129 : memref<10000x128xf32, #tpu.memory_space<hbm>>) target(%arg8 : memref<125x128xf32, #tpu.memory_space<vmem>>) offsets(%dma_start3A_126 : memref<125xi32, #tpu.memory_space<vmem>>) semaphore(%arg12 : memref<!tpu.dma_semaphore, #tpu.memory_space<semaphore_mem>>)
        %add3A_130 = arith.constant 3 : i32
        %add3A_131 = arith.addi %add3A_68, %add3A_130 : i32
        %dma_start3A_132 = arith.constant 1 : i32
        %dma_start3A_133 = arith.constant 0 : i32
        %dma_start3A_134 = tpu.memref_slice %arg10[%dma_start3A_132, %dma_start3A_133] : memref<2x125xi32, #tpu.memory_space<vmem>> -> memref<1x125xi32, #tpu.memory_space<vmem>>
        %dma_start3A_135 = tpu.memref_squeeze %dma_start3A_134 : memref<1x125xi32, #tpu.memory_space<vmem>> -> memref<125xi32, #tpu.memory_space<vmem>>
        %dma_start3A_136 = arith.constant 0 : i32
        %dma_start3A_137 = tpu.memref_slice %arg4[%add3A, %add3A_131, %dma_start3A_136] : memref<32x80x125xi32, #tpu.memory_space<hbm>> -> memref<1x1x125xi32, #tpu.memory_space<hbm>>
        %dma_start3A_138 = tpu.memref_squeeze %dma_start3A_137 : memref<1x1x125xi32, #tpu.memory_space<hbm>> -> memref<125xi32, #tpu.memory_space<hbm>>
        %dma_start3A_139 = arith.constant 0 : i32
        %dma_start3A_140 = tpu.memref_slice %arg10[%dma_start3A_132, %dma_start3A_139] : memref<2x125xi32, #tpu.memory_space<vmem>> -> memref<1x125xi32, #tpu.memory_space<vmem>>
        %dma_start3A_141 = tpu.memref_squeeze %dma_start3A_140 : memref<1x125xi32, #tpu.memory_space<vmem>> -> memref<125xi32, #tpu.memory_space<vmem>>
        %dma_start3A_142 = arith.constant 0 : i32
        %dma_start3A_143 = tpu.memref_slice %arg4[%add3A, %add3A_131, %dma_start3A_142] : memref<32x80x125xi32, #tpu.memory_space<hbm>> -> memref<1x1x125xi32, #tpu.memory_space<hbm>>
        %dma_start3A_144 = tpu.memref_squeeze %dma_start3A_143 : memref<1x1x125xi32, #tpu.memory_space<hbm>> -> memref<125xi32, #tpu.memory_space<hbm>>
        tpu.enqueue_dma source(%dma_start3A_144 : memref<125xi32, #tpu.memory_space<hbm>>) target(%dma_start3A_141 : memref<125xi32, #tpu.memory_space<vmem>>) target_semaphore(%arg14 : memref<!tpu.dma_semaphore, #tpu.memory_space<semaphore_mem>>)
      } else {
      }
    }
    %scan3A_60 = arith.constant 40 : i32
    %barrier3A_61 = arith.constant 0 : index
    tpu.barrier barrier_id(%barrier3A_61)
    %mul3A_62 = arith.constant 640 : i32
    %mul3A_63 = arith.muli %arg1, %mul3A_62 : i32
    "tpu.region"() ({
      %run_scoped3A = tpu.sem_alloc : memref<!tpu.dma_semaphore, #tpu.memory_space<semaphore_mem>>
      %dma_start3A_64 = arith.constant 0 : i32
      %dma_start3A_65 = tpu.memref_slice %arg5[%arg0, %mul3A_63, %dma_start3A_64] : memref<2x10240x128xf32, #tpu.memory_space<hbm>> -> memref<1x640x128xf32, #tpu.memory_space<hbm>>
      %dma_start3A_66 = tpu.memref_squeeze %dma_start3A_65 : memref<1x640x128xf32, #tpu.memory_space<hbm>> -> memref<640x128xf32, #tpu.memory_space<hbm>>
      %dma_start3A_67 = arith.constant 0 : i32
      %dma_start3A_68 = tpu.memref_slice %arg6[%mul3A_63, %dma_start3A_67] : memref<10240x128xf32, #tpu.memory_space<vmem_shared>> -> memref<640x128xf32, #tpu.memory_space<vmem_shared>>
      tpu.enqueue_dma source(%dma_start3A_68 : memref<640x128xf32, #tpu.memory_space<vmem_shared>>) target(%dma_start3A_66 : memref<640x128xf32, #tpu.memory_space<hbm>>) target_semaphore(%run_scoped3A : memref<!tpu.dma_semaphore, #tpu.memory_space<semaphore_mem>>)
      %dma_wait3A = arith.constant 0 : i32
      %dma_wait3A_69 = tpu.memref_slice %arg5[%arg0, %mul3A_63, %dma_wait3A] : memref<2x10240x128xf32, #tpu.memory_space<hbm>> -> memref<1x640x128xf32, #tpu.memory_space<hbm>>
      %dma_wait3A_70 = tpu.memref_squeeze %dma_wait3A_69 : memref<1x640x128xf32, #tpu.memory_space<hbm>> -> memref<640x128xf32, #tpu.memory_space<hbm>>
      %dma_wait3A_71 = arith.constant 0 : i32
      %dma_wait3A_72 = tpu.memref_slice %arg6[%mul3A_63, %dma_wait3A_71] : memref<10240x128xf32, #tpu.memory_space<vmem_shared>> -> memref<640x128xf32, #tpu.memory_space<vmem_shared>>
      tpu.wait_dma2 semaphore(%run_scoped3A : memref<!tpu.dma_semaphore, #tpu.memory_space<semaphore_mem>>) src(%dma_wait3A_72 : memref<640x128xf32, #tpu.memory_space<vmem_shared>>) dst(%dma_wait3A_70 : memref<640x128xf32, #tpu.memory_space<hbm>>)
      tpu.yield
    }) : () -> ()
    return
  }
}

#map = affine_map<(d0, d1) -> (0, 0)>
#map1 = affine_map<(d0, d1) -> (0, 0, 0)>
module attributes {stable_mosaic.version = 14 : i64} {
  func.func @agg_kernel(%arg0: i32, %arg1: i32, %arg2: memref<10000x128xf32, #tpu.memory_space<hbm>>, %arg3: memref<32x80x125xi32, #tpu.memory_space<hbm>>, %arg4: memref<32x80x125xi32, #tpu.memory_space<hbm>>, %arg5: memref<2x10240x128xf32, #tpu.memory_space<hbm>>, %arg6: memref<10240x128xf32, #tpu.memory_space<vmem_shared>>, %arg7: memref<125x128xf32, #tpu.memory_space<vmem>>, %arg8: memref<125x128xf32, #tpu.memory_space<vmem>>, %arg9: memref<80x125xi32, #tpu.memory_space<vmem>>, %arg10: memref<2x125xi32, #tpu.memory_space<vmem>>, %arg11: memref<!tpu.dma_semaphore, #tpu.memory_space<semaphore_mem>>, %arg12: memref<!tpu.dma_semaphore, #tpu.memory_space<semaphore_mem>>, %arg13: memref<!tpu.dma_semaphore, #tpu.memory_space<semaphore_mem>>, %arg14: memref<!tpu.dma_semaphore, #tpu.memory_space<semaphore_mem>>) attributes {dimension_semantics = [#tpu.dimension_semantics<core_parallel>, #tpu.dimension_semantics<subcore_parallel>], iteration_bounds = array<i64: 2, 16>, scalar_prefetch = 0 : i64, scratch_operands = 9 : i64, tpu.core_type = #tpu.core_type<sc_vector_subcore>, window_params = [{transform_indices = #map}, {transform_indices = #map1}, {transform_indices = #map1}, {transform_indices = #map1}]} {
    %mul3A = arith.constant 2 : i32
    %mul3A_0 = arith.muli %arg1, %mul3A : i32
    %add3A = arith.addi %mul3A_0, %arg0 : i32
    "tpu.region"() ({
      %run_scoped3A = tpu.sem_alloc : memref<!tpu.dma_semaphore, #tpu.memory_space<semaphore_mem>>
      %dma_start3A_64 = arith.constant 0 : i32
      %dma_start3A_65 = arith.constant 0 : i32
      %dma_start3A_66 = tpu.memref_slice %arg3[%add3A, %dma_start3A_64, %dma_start3A_65] : memref<32x80x125xi32, #tpu.memory_space<hbm>> -> memref<1x80x125xi32, #tpu.memory_space<hbm>>
      %dma_start3A_67 = tpu.memref_squeeze %dma_start3A_66 : memref<1x80x125xi32, #tpu.memory_space<hbm>> -> memref<80x125xi32, #tpu.memory_space<hbm>>
      %dma_start3A_68 = arith.constant 0 : i32
      %dma_start3A_69 = arith.constant 0 : i32
      %dma_start3A_70 = tpu.memref_slice %arg3[%add3A, %dma_start3A_68, %dma_start3A_69] : memref<32x80x125xi32, #tpu.memory_space<hbm>> -> memref<1x80x125xi32, #tpu.memory_space<hbm>>
      %dma_start3A_71 = tpu.memref_squeeze %dma_start3A_70 : memref<1x80x125xi32, #tpu.memory_space<hbm>> -> memref<80x125xi32, #tpu.memory_space<hbm>>
      tpu.enqueue_dma source(%dma_start3A_71 : memref<80x125xi32, #tpu.memory_space<hbm>>) target(%arg9 : memref<80x125xi32, #tpu.memory_space<vmem>>) target_semaphore(%run_scoped3A : memref<!tpu.dma_semaphore, #tpu.memory_space<semaphore_mem>>)
      %dma_wait3A = arith.constant 0 : i32
      %dma_wait3A_72 = arith.constant 0 : i32
      %dma_wait3A_73 = tpu.memref_slice %arg3[%add3A, %dma_wait3A, %dma_wait3A_72] : memref<32x80x125xi32, #tpu.memory_space<hbm>> -> memref<1x80x125xi32, #tpu.memory_space<hbm>>
      %dma_wait3A_74 = tpu.memref_squeeze %dma_wait3A_73 : memref<1x80x125xi32, #tpu.memory_space<hbm>> -> memref<80x125xi32, #tpu.memory_space<hbm>>
      %dma_wait3A_75 = arith.constant 0 : i32
      %dma_wait3A_76 = arith.constant 0 : i32
      %dma_wait3A_77 = tpu.memref_slice %arg3[%add3A, %dma_wait3A_75, %dma_wait3A_76] : memref<32x80x125xi32, #tpu.memory_space<hbm>> -> memref<1x80x125xi32, #tpu.memory_space<hbm>>
      %dma_wait3A_78 = tpu.memref_squeeze %dma_wait3A_77 : memref<1x80x125xi32, #tpu.memory_space<hbm>> -> memref<80x125xi32, #tpu.memory_space<hbm>>
      tpu.wait_dma2 semaphore(%run_scoped3A : memref<!tpu.dma_semaphore, #tpu.memory_space<semaphore_mem>>) src(%dma_wait3A_78 : memref<80x125xi32, #tpu.memory_space<hbm>>) dst(%arg9 : memref<80x125xi32, #tpu.memory_space<vmem>>)
      tpu.yield
    }) : () -> ()
    %dma_start3A = arith.constant 0 : i32
    %dma_start3A_1 = arith.constant 0 : i32
    %dma_start3A_2 = tpu.memref_slice %arg9[%dma_start3A, %dma_start3A_1] : memref<80x125xi32, #tpu.memory_space<vmem>> -> memref<1x125xi32, #tpu.memory_space<vmem>>
    %dma_start3A_3 = tpu.memref_squeeze %dma_start3A_2 : memref<1x125xi32, #tpu.memory_space<vmem>> -> memref<125xi32, #tpu.memory_space<vmem>>
    %dma_start3A_4 = arith.constant 0 : i32
    %dma_start3A_5 = arith.constant 0 : i32
    %dma_start3A_6 = tpu.memref_slice %arg2[%dma_start3A_4, %dma_start3A_5] : memref<10000x128xf32, #tpu.memory_space<hbm>> -> memref<10000x128xf32, #tpu.memory_space<hbm>>
    tpu.enqueue_indirect_dma source(%dma_start3A_6 : memref<10000x128xf32, #tpu.memory_space<hbm>>) target(%arg7 : memref<125x128xf32, #tpu.memory_space<vmem>>) offsets(%dma_start3A_3 : memref<125xi32, #tpu.memory_space<vmem>>) semaphore(%arg11 : memref<!tpu.dma_semaphore, #tpu.memory_space<semaphore_mem>>)
    %dma_start3A_7 = arith.constant 0 : i32
    %dma_start3A_8 = arith.constant 0 : i32
    %dma_start3A_9 = arith.constant 0 : i32
    %dma_start3A_10 = tpu.memref_slice %arg10[%dma_start3A_8, %dma_start3A_9] : memref<2x125xi32, #tpu.memory_space<vmem>> -> memref<1x125xi32, #tpu.memory_space<vmem>>
    %dma_start3A_11 = tpu.memref_squeeze %dma_start3A_10 : memref<1x125xi32, #tpu.memory_space<vmem>> -> memref<125xi32, #tpu.memory_space<vmem>>
    %dma_start3A_12 = arith.constant 0 : i32
    %dma_start3A_13 = tpu.memref_slice %arg4[%add3A, %dma_start3A_7, %dma_start3A_12] : memref<32x80x125xi32, #tpu.memory_space<hbm>> -> memref<1x1x125xi32, #tpu.memory_space<hbm>>
    %dma_start3A_14 = tpu.memref_squeeze %dma_start3A_13 : memref<1x1x125xi32, #tpu.memory_space<hbm>> -> memref<125xi32, #tpu.memory_space<hbm>>
    %dma_start3A_15 = arith.constant 0 : i32
    %dma_start3A_16 = tpu.memref_slice %arg10[%dma_start3A_8, %dma_start3A_15] : memref<2x125xi32, #tpu.memory_space<vmem>> -> memref<1x125xi32, #tpu.memory_space<vmem>>
    %dma_start3A_17 = tpu.memref_squeeze %dma_start3A_16 : memref<1x125xi32, #tpu.memory_space<vmem>> -> memref<125xi32, #tpu.memory_space<vmem>>
    %dma_start3A_18 = arith.constant 0 : i32
    %dma_start3A_19 = tpu.memref_slice %arg4[%add3A, %dma_start3A_7, %dma_start3A_18] : memref<32x80x125xi32, #tpu.memory_space<hbm>> -> memref<1x1x125xi32, #tpu.memory_space<hbm>>
    %dma_start3A_20 = tpu.memref_squeeze %dma_start3A_19 : memref<1x1x125xi32, #tpu.memory_space<hbm>> -> memref<125xi32, #tpu.memory_space<hbm>>
    tpu.enqueue_dma source(%dma_start3A_20 : memref<125xi32, #tpu.memory_space<hbm>>) target(%dma_start3A_17 : memref<125xi32, #tpu.memory_space<vmem>>) target_semaphore(%arg13 : memref<!tpu.dma_semaphore, #tpu.memory_space<semaphore_mem>>)
    %dma_start3A_21 = arith.constant 1 : i32
    %dma_start3A_22 = arith.constant 1 : i32
    %dma_start3A_23 = arith.constant 0 : i32
    %dma_start3A_24 = tpu.memref_slice %arg10[%dma_start3A_22, %dma_start3A_23] : memref<2x125xi32, #tpu.memory_space<vmem>> -> memref<1x125xi32, #tpu.memory_space<vmem>>
    %dma_start3A_25 = tpu.memref_squeeze %dma_start3A_24 : memref<1x125xi32, #tpu.memory_space<vmem>> -> memref<125xi32, #tpu.memory_space<vmem>>
    %dma_start3A_26 = arith.constant 0 : i32
    %dma_start3A_27 = tpu.memref_slice %arg4[%add3A, %dma_start3A_21, %dma_start3A_26] : memref<32x80x125xi32, #tpu.memory_space<hbm>> -> memref<1x1x125xi32, #tpu.memory_space<hbm>>
    %dma_start3A_28 = tpu.memref_squeeze %dma_start3A_27 : memref<1x1x125xi32, #tpu.memory_space<hbm>> -> memref<125xi32, #tpu.memory_space<hbm>>
    %dma_start3A_29 = arith.constant 0 : i32
    %dma_start3A_30 = tpu.memref_slice %arg10[%dma_start3A_22, %dma_start3A_29] : memref<2x125xi32, #tpu.memory_space<vmem>> -> memref<1x125xi32, #tpu.memory_space<vmem>>
    %dma_start3A_31 = tpu.memref_squeeze %dma_start3A_30 : memref<1x125xi32, #tpu.memory_space<vmem>> -> memref<125xi32, #tpu.memory_space<vmem>>
    %dma_start3A_32 = arith.constant 0 : i32
    %dma_start3A_33 = tpu.memref_slice %arg4[%add3A, %dma_start3A_21, %dma_start3A_32] : memref<32x80x125xi32, #tpu.memory_space<hbm>> -> memref<1x1x125xi32, #tpu.memory_space<hbm>>
    %dma_start3A_34 = tpu.memref_squeeze %dma_start3A_33 : memref<1x1x125xi32, #tpu.memory_space<hbm>> -> memref<125xi32, #tpu.memory_space<hbm>>
    tpu.enqueue_dma source(%dma_start3A_34 : memref<125xi32, #tpu.memory_space<hbm>>) target(%dma_start3A_31 : memref<125xi32, #tpu.memory_space<vmem>>) target_semaphore(%arg14 : memref<!tpu.dma_semaphore, #tpu.memory_space<semaphore_mem>>)
    %broadcast_in_dim3A = arith.constant 0.000000e+00 : f32
    %broadcast_in_dim3A_35 = vector.broadcast %broadcast_in_dim3A : f32 to vector<16xf32>
    %scan3A = arith.constant 0 : i32
    %scan3A_36 = arith.constant 125 : i32
    %scan3A_37 = arith.addi %scan3A, %scan3A_36 : i32
    %scan3A_38 = arith.constant 1 : i32
    scf.for %scan3A_64 = %scan3A to %scan3A_37 step %scan3A_38  : i32 {
      %mul3A_65 = arith.constant 1 : i32
      %mul3A_66 = arith.muli %scan3A_64, %mul3A_65 : i32
      %add3A_67 = arith.constant 0 : i32
      %add3A_68 = arith.addi %add3A_67, %mul3A_66 : i32
      %scan3A_69 = arith.constant 0 : i32
      %scan3A_70 = arith.constant 8 : i32
      %scan3A_71 = arith.addi %scan3A_69, %scan3A_70 : i32
      %scan3A_72 = arith.constant 1 : i32
      scf.for %scan3A_74 = %scan3A_69 to %scan3A_71 step %scan3A_72  : i32 {
        %mul3A_75 = arith.constant 16 : i32
        %mul3A_76 = arith.muli %scan3A_74, %mul3A_75 : i32
        %add3A_77 = arith.constant 0 : i32
        %add3A_78 = arith.addi %add3A_77, %mul3A_76 : i32
        %swap3A = arith.index_cast %add3A_68 : i32 to index
        %swap3A_79 = arith.index_cast %add3A_78 : i32 to index
        %swap3A_80 = tpu.vector_load %arg8[%swap3A, %swap3A_79] {strides = array<i32>} : memref<125x128xf32, #tpu.memory_space<vmem>>, vector<1x16xf32>,
        %swap3A_81 = vector.shape_cast %swap3A_80 : vector<1x16xf32> to vector<16xf32>
        %swap3A_82 = vector.shape_cast %broadcast_in_dim3A_35 : vector<16xf32> to vector<1x16xf32>
        tpu.vector_store %arg8[%swap3A, %swap3A_79], %swap3A_82 {strides = array<i32>} : memref<125x128xf32, #tpu.memory_space<vmem>>, vector<1x16xf32>,
      }
      %scan3A_73 = arith.constant 8 : i32
    }
    %scan3A_39 = arith.constant 125 : i32
    %scan3A_40 = arith.constant 0 : i32
    %scan3A_41 = arith.constant 5 : i32
    %scan3A_42 = arith.addi %scan3A_40, %scan3A_41 : i32
    %scan3A_43 = arith.constant 1 : i32
    scf.for %scan3A_64 = %scan3A_40 to %scan3A_42 step %scan3A_43  : i32 {
      %mul3A_65 = arith.constant 120 : i32
      %mul3A_66 = arith.muli %scan3A_64, %mul3A_65 : i32
      %add3A_67 = arith.constant 0 : i32
      %add3A_68 = arith.addi %add3A_67, %mul3A_66 : i32
      %mul3A_69 = arith.constant 640 : i32
      %mul3A_70 = arith.muli %arg1, %mul3A_69 : i32
      %add3A_71 = arith.addi %mul3A_70, %add3A_68 : i32
      "tpu.region"() ({
        %run_scoped3A = tpu.sem_alloc : memref<!tpu.dma_semaphore, #tpu.memory_space<semaphore_mem>>
        %dma_start3A_72 = arith.constant 0 : i32
        %dma_start3A_73 = arith.constant 0 : i32
        %dma_start3A_74 = tpu.memref_slice %arg8[%dma_start3A_72, %dma_start3A_73] : memref<125x128xf32, #tpu.memory_space<vmem>> -> memref<120x128xf32, #tpu.memory_space<vmem>>
        %dma_start3A_75 = arith.constant 0 : i32
        %dma_start3A_76 = tpu.memref_slice %arg6[%add3A_71, %dma_start3A_75] : memref<10240x128xf32, #tpu.memory_space<vmem_shared>> -> memref<120x128xf32, #tpu.memory_space<vmem_shared>>
        %dma_start3A_77 = arith.constant 0 : i32
        %dma_start3A_78 = tpu.memref_slice %arg6[%add3A_71, %dma_start3A_77] : memref<10240x128xf32, #tpu.memory_space<vmem_shared>> -> memref<120x128xf32, #tpu.memory_space<vmem_shared>>
        %dma_start3A_79 = arith.constant 0 : i32
        %dma_start3A_80 = arith.constant 0 : i32
        %dma_start3A_81 = tpu.memref_slice %arg8[%dma_start3A_79, %dma_start3A_80] : memref<125x128xf32, #tpu.memory_space<vmem>> -> memref<120x128xf32, #tpu.memory_space<vmem>>
        tpu.enqueue_dma source(%dma_start3A_81 : memref<120x128xf32, #tpu.memory_space<vmem>>) target(%dma_start3A_78 : memref<120x128xf32, #tpu.memory_space<vmem_shared>>) target_semaphore(%run_scoped3A : memref<!tpu.dma_semaphore, #tpu.memory_space<semaphore_mem>>)
        %dma_wait3A = arith.constant 0 : i32
        %dma_wait3A_82 = arith.constant 0 : i32
        %dma_wait3A_83 = tpu.memref_slice %arg8[%dma_wait3A, %dma_wait3A_82] : memref<125x128xf32, #tpu.memory_space<vmem>> -> memref<120x128xf32, #tpu.memory_space<vmem>>
        %dma_wait3A_84 = arith.constant 0 : i32
        %dma_wait3A_85 = tpu.memref_slice %arg6[%add3A_71, %dma_wait3A_84] : memref<10240x128xf32, #tpu.memory_space<vmem_shared>> -> memref<120x128xf32, #tpu.memory_space<vmem_shared>>
        %dma_wait3A_86 = arith.constant 0 : i32
        %dma_wait3A_87 = tpu.memref_slice %arg6[%add3A_71, %dma_wait3A_86] : memref<10240x128xf32, #tpu.memory_space<vmem_shared>> -> memref<120x128xf32, #tpu.memory_space<vmem_shared>>
        %dma_wait3A_88 = arith.constant 0 : i32
        %dma_wait3A_89 = arith.constant 0 : i32
        %dma_wait3A_90 = tpu.memref_slice %arg8[%dma_wait3A_88, %dma_wait3A_89] : memref<125x128xf32, #tpu.memory_space<vmem>> -> memref<120x128xf32, #tpu.memory_space<vmem>>
        tpu.wait_dma2 semaphore(%run_scoped3A : memref<!tpu.dma_semaphore, #tpu.memory_space<semaphore_mem>>) src(%dma_wait3A_90 : memref<120x128xf32, #tpu.memory_space<vmem>>) dst(%dma_wait3A_87 : memref<120x128xf32, #tpu.memory_space<vmem_shared>>)
        tpu.yield
      }) : () -> ()
    }
    %scan3A_44 = arith.constant 5 : i32
    %mul3A_45 = arith.constant 640 : i32
    %mul3A_46 = arith.muli %arg1, %mul3A_45 : i32
    %add3A_47 = arith.constant 600 : i32
    %add3A_48 = arith.addi %mul3A_46, %add3A_47 : i32
    "tpu.region"() ({
      %run_scoped3A = tpu.sem_alloc : memref<!tpu.dma_semaphore, #tpu.memory_space<semaphore_mem>>
      %dma_start3A_64 = arith.constant 0 : i32
      %dma_start3A_65 = arith.constant 0 : i32
      %dma_start3A_66 = tpu.memref_slice %arg8[%dma_start3A_64, %dma_start3A_65] : memref<125x128xf32, #tpu.memory_space<vmem>> -> memref<40x128xf32, #tpu.memory_space<vmem>>
      %dma_start3A_67 = arith.constant 0 : i32
      %dma_start3A_68 = tpu.memref_slice %arg6[%add3A_48, %dma_start3A_67] : memref<10240x128xf32, #tpu.memory_space<vmem_shared>> -> memref<40x128xf32, #tpu.memory_space<vmem_shared>>
      %dma_start3A_69 = arith.constant 0 : i32
      %dma_start3A_70 = tpu.memref_slice %arg6[%add3A_48, %dma_start3A_69] : memref<10240x128xf32, #tpu.memory_space<vmem_shared>> -> memref<40x128xf32, #tpu.memory_space<vmem_shared>>
      %dma_start3A_71 = arith.constant 0 : i32
      %dma_start3A_72 = arith.constant 0 : i32
      %dma_start3A_73 = tpu.memref_slice %arg8[%dma_start3A_71, %dma_start3A_72] : memref<125x128xf32, #tpu.memory_space<vmem>> -> memref<40x128xf32, #tpu.memory_space<vmem>>
      tpu.enqueue_dma source(%dma_start3A_73 : memref<40x128xf32, #tpu.memory_space<vmem>>) target(%dma_start3A_70 : memref<40x128xf32, #tpu.memory_space<vmem_shared>>) target_semaphore(%run_scoped3A : memref<!tpu.dma_semaphore, #tpu.memory_space<semaphore_mem>>)
      %dma_wait3A = arith.constant 0 : i32
      %dma_wait3A_74 = arith.constant 0 : i32
      %dma_wait3A_75 = tpu.memref_slice %arg8[%dma_wait3A, %dma_wait3A_74] : memref<125x128xf32, #tpu.memory_space<vmem>> -> memref<40x128xf32, #tpu.memory_space<vmem>>
      %dma_wait3A_76 = arith.constant 0 : i32
      %dma_wait3A_77 = tpu.memref_slice %arg6[%add3A_48, %dma_wait3A_76] : memref<10240x128xf32, #tpu.memory_space<vmem_shared>> -> memref<40x128xf32, #tpu.memory_space<vmem_shared>>
      %dma_wait3A_78 = arith.constant 0 : i32
      %dma_wait3A_79 = tpu.memref_slice %arg6[%add3A_48, %dma_wait3A_78] : memref<10240x128xf32, #tpu.memory_space<vmem_shared>> -> memref<40x128xf32, #tpu.memory_space<vmem_shared>>
      %dma_wait3A_80 = arith.constant 0 : i32
      %dma_wait3A_81 = arith.constant 0 : i32
      %dma_wait3A_82 = tpu.memref_slice %arg8[%dma_wait3A_80, %dma_wait3A_81] : memref<125x128xf32, #tpu.memory_space<vmem>> -> memref<40x128xf32, #tpu.memory_space<vmem>>
      tpu.wait_dma2 semaphore(%run_scoped3A : memref<!tpu.dma_semaphore, #tpu.memory_space<semaphore_mem>>) src(%dma_wait3A_82 : memref<40x128xf32, #tpu.memory_space<vmem>>) dst(%dma_wait3A_79 : memref<40x128xf32, #tpu.memory_space<vmem_shared>>)
      tpu.yield
    }) : () -> ()
    %dma_start3A_49 = arith.constant 1 : i32
    %dma_start3A_50 = arith.constant 0 : i32
    %dma_start3A_51 = tpu.memref_slice %arg9[%dma_start3A_49, %dma_start3A_50] : memref<80x125xi32, #tpu.memory_space<vmem>> -> memref<1x125xi32, #tpu.memory_space<vmem>>
    %dma_start3A_52 = tpu.memref_squeeze %dma_start3A_51 : memref<1x125xi32, #tpu.memory_space<vmem>> -> memref<125xi32, #tpu.memory_space<vmem>>
    %dma_start3A_53 = arith.constant 0 : i32
    %dma_start3A_54 = arith.constant 0 : i32
    %dma_start3A_55 = tpu.memref_slice %arg2[%dma_start3A_53, %dma_start3A_54] : memref<10000x128xf32, #tpu.memory_space<hbm>> -> memref<10000x128xf32, #tpu.memory_space<hbm>>
    tpu.enqueue_indirect_dma source(%dma_start3A_55 : memref<10000x128xf32, #tpu.memory_space<hbm>>) target(%arg8 : memref<125x128xf32, #tpu.memory_space<vmem>>) offsets(%dma_start3A_52 : memref<125xi32, #tpu.memory_space<vmem>>) semaphore(%arg12 : memref<!tpu.dma_semaphore, #tpu.memory_space<semaphore_mem>>)
    %barrier3A = arith.constant 0 : index
    tpu.barrier barrier_id(%barrier3A)
    %scan3A_56 = arith.constant 0 : i32
    %scan3A_57 = arith.constant 40 : i32
    %scan3A_58 = arith.addi %scan3A_56, %scan3A_57 : i32
    %scan3A_59 = arith.constant 1 : i32
    scf.for %scan3A_64 = %scan3A_56 to %scan3A_58 step %scan3A_59  : i32 {
      %mul3A_65 = arith.constant 2 : i32
      %mul3A_66 = arith.muli %scan3A_64, %mul3A_65 : i32
      %add3A_67 = arith.constant 0 : i32
      %add3A_68 = arith.addi %add3A_67, %mul3A_66 : i32
      %dma_wait3A = arith.constant 0 : i32
      %dma_wait3A_69 = tpu.memref_slice %arg9[%add3A_68, %dma_wait3A] : memref<80x125xi32, #tpu.memory_space<vmem>> -> memref<1x125xi32, #tpu.memory_space<vmem>>
      %dma_wait3A_70 = tpu.memref_squeeze %dma_wait3A_69 : memref<1x125xi32, #tpu.memory_space<vmem>> -> memref<125xi32, #tpu.memory_space<vmem>>
      %dma_wait3A_71 = arith.constant 0 : i32
      %dma_wait3A_72 = arith.constant 0 : i32
      %dma_wait3A_73 = tpu.memref_slice %arg2[%dma_wait3A_71, %dma_wait3A_72] : memref<10000x128xf32, #tpu.memory_space<hbm>> -> memref<10000x128xf32, #tpu.memory_space<hbm>>
      tpu.wait_indirect_dma semaphore(%arg11 : memref<!tpu.dma_semaphore, #tpu.memory_space<semaphore_mem>>) src(%dma_wait3A_73 : memref<10000x128xf32, #tpu.memory_space<hbm>>) dst(%arg7 : memref<125x128xf32, #tpu.memory_space<vmem>>)
      %dma_wait3A_74 = arith.constant 0 : i32
      %dma_wait3A_75 = arith.constant 0 : i32
      %dma_wait3A_76 = tpu.memref_slice %arg10[%dma_wait3A_74, %dma_wait3A_75] : memref<2x125xi32, #tpu.memory_space<vmem>> -> memref<1x125xi32, #tpu.memory_space<vmem>>
      %dma_wait3A_77 = tpu.memref_squeeze %dma_wait3A_76 : memref<1x125xi32, #tpu.memory_space<vmem>> -> memref<125xi32, #tpu.memory_space<vmem>>
      %dma_wait3A_78 = arith.constant 0 : i32
      %dma_wait3A_79 = tpu.memref_slice %arg4[%add3A, %add3A_68, %dma_wait3A_78] : memref<32x80x125xi32, #tpu.memory_space<hbm>> -> memref<1x1x125xi32, #tpu.memory_space<hbm>>
      %dma_wait3A_80 = tpu.memref_squeeze %dma_wait3A_79 : memref<1x1x125xi32, #tpu.memory_space<hbm>> -> memref<125xi32, #tpu.memory_space<hbm>>
      %dma_wait3A_81 = arith.constant 0 : i32
      %dma_wait3A_82 = tpu.memref_slice %arg10[%dma_wait3A_74, %dma_wait3A_81] : memref<2x125xi32, #tpu.memory_space<vmem>> -> memref<1x125xi32, #tpu.memory_space<vmem>>
      %dma_wait3A_83 = tpu.memref_squeeze %dma_wait3A_82 : memref<1x125xi32, #tpu.memory_space<vmem>> -> memref<125xi32, #tpu.memory_space<vmem>>
      %dma_wait3A_84 = arith.constant 0 : i32
      %dma_wait3A_85 = tpu.memref_slice %arg4[%add3A, %add3A_68, %dma_wait3A_84] : memref<32x80x125xi32, #tpu.memory_space<hbm>> -> memref<1x1x125xi32, #tpu.memory_space<hbm>>
      %dma_wait3A_86 = tpu.memref_squeeze %dma_wait3A_85 : memref<1x1x125xi32, #tpu.memory_space<hbm>> -> memref<125xi32, #tpu.memory_space<hbm>>
      tpu.wait_dma2 semaphore(%arg13 : memref<!tpu.dma_semaphore, #tpu.memory_space<semaphore_mem>>) src(%dma_wait3A_86 : memref<125xi32, #tpu.memory_space<hbm>>) dst(%dma_wait3A_83 : memref<125xi32, #tpu.memory_space<vmem>>)
      %run_scoped3A = arith.constant 0 : i32
      "tpu.region"() ({
        %run_scoped3A_122 = tpu.sem_alloc : memref<!tpu.dma_semaphore, #tpu.memory_space<semaphore_mem>>
        %dma_start3A_123 = arith.constant 0 : i32
        %dma_start3A_124 = tpu.memref_slice %arg10[%run_scoped3A, %dma_start3A_123] : memref<2x125xi32, #tpu.memory_space<vmem>> -> memref<1x125xi32, #tpu.memory_space<vmem>>
        %dma_start3A_125 = tpu.memref_squeeze %dma_start3A_124 : memref<1x125xi32, #tpu.memory_space<vmem>> -> memref<125xi32, #tpu.memory_space<vmem>>
        %dma_start3A_126 = arith.constant 0 : i32
        %dma_start3A_127 = arith.constant 0 : i32
        %dma_start3A_128 = tpu.memref_slice %arg6[%dma_start3A_126, %dma_start3A_127] : memref<10240x128xf32, #tpu.memory_space<vmem_shared>> -> memref<10240x128xf32, #tpu.memory_space<vmem_shared>>
        tpu.enqueue_indirect_dma source(%arg7 : memref<125x128xf32, #tpu.memory_space<vmem>>) target(%dma_start3A_128 : memref<10240x128xf32, #tpu.memory_space<vmem_shared>>) offsets(%dma_start3A_125 : memref<125xi32, #tpu.memory_space<vmem>>) semaphore(%run_scoped3A_122 : memref<!tpu.dma_semaphore, #tpu.memory_space<semaphore_mem>>) {add = true}
        %dma_wait3A_129 = arith.constant 0 : i32
        %dma_wait3A_130 = tpu.memref_slice %arg10[%run_scoped3A, %dma_wait3A_129] : memref<2x125xi32, #tpu.memory_space<vmem>> -> memref<1x125xi32, #tpu.memory_space<vmem>>
        %dma_wait3A_131 = tpu.memref_squeeze %dma_wait3A_130 : memref<1x125xi32, #tpu.memory_space<vmem>> -> memref<125xi32, #tpu.memory_space<vmem>>
        %dma_wait3A_132 = arith.constant 0 : i32
        %dma_wait3A_133 = arith.constant 0 : i32
        %dma_wait3A_134 = tpu.memref_slice %arg6[%dma_wait3A_132, %dma_wait3A_133] : memref<10240x128xf32, #tpu.memory_space<vmem_shared>> -> memref<10240x128xf32, #tpu.memory_space<vmem_shared>>
        tpu.wait_indirect_dma semaphore(%run_scoped3A_122 : memref<!tpu.dma_semaphore, #tpu.memory_space<semaphore_mem>>) src(%arg7 : memref<125x128xf32, #tpu.memory_space<vmem>>) dst(%dma_wait3A_134 : memref<10240x128xf32, #tpu.memory_space<vmem_shared>>)
        tpu.yield
      }) : () -> ()
      %add3A_87 = arith.constant 2 : i32
      %add3A_88 = arith.addi %add3A_68, %add3A_87 : i32
      %lt3A = arith.constant 80 : i32
      %lt3A_89 = arith.cmpi slt, %add3A_88, %lt3A : i32
      %convert_element_type3A = arith.extui %lt3A_89 : i1 to i32
      %cond3A = arith.constant 0 : i32
      %cond3A_90 = arith.cmpi ne, %convert_element_type3A, %cond3A : i32
      scf.if %cond3A_90 {
        %add3A_122 = arith.constant 2 : i32
        %add3A_123 = arith.addi %add3A_68, %add3A_122 : i32
        %dma_start3A_124 = arith.constant 0 : i32
        %dma_start3A_125 = tpu.memref_slice %arg9[%add3A_123, %dma_start3A_124] : memref<80x125xi32, #tpu.memory_space<vmem>> -> memref<1x125xi32, #tpu.memory_space<vmem>>
        %dma_start3A_126 = tpu.memref_squeeze %dma_start3A_125 : memref<1x125xi32, #tpu.memory_space<vmem>> -> memref<125xi32, #tpu.memory_space<vmem>>
        %dma_start3A_127 = arith.constant 0 : i32
        %dma_start3A_128 = arith.constant 0 : i32
        %dma_start3A_129 = tpu.memref_slice %arg2[%dma_start3A_127, %dma_start3A_128] : memref<10000x128xf32, #tpu.memory_space<hbm>> -> memref<10000x128xf32, #tpu.memory_space<hbm>>
        tpu.enqueue_indirect_dma source(%dma_start3A_129 : memref<10000x128xf32, #tpu.memory_space<hbm>>) target(%arg7 : memref<125x128xf32, #tpu.memory_space<vmem>>) offsets(%dma_start3A_126 : memref<125xi32, #tpu.memory_space<vmem>>) semaphore(%arg11 : memref<!tpu.dma_semaphore, #tpu.memory_space<semaphore_mem>>)
        %add3A_130 = arith.constant 2 : i32
        %add3A_131 = arith.addi %add3A_68, %add3A_130 : i32
        %dma_start3A_132 = arith.constant 0 : i32
        %dma_start3A_133 = arith.constant 0 : i32
        %dma_start3A_134 = tpu.memref_slice %arg10[%dma_start3A_132, %dma_start3A_133] : memref<2x125xi32, #tpu.memory_space<vmem>> -> memref<1x125xi32, #tpu.memory_space<vmem>>
        %dma_start3A_135 = tpu.memref_squeeze %dma_start3A_134 : memref<1x125xi32, #tpu.memory_space<vmem>> -> memref<125xi32, #tpu.memory_space<vmem>>
        %dma_start3A_136 = arith.constant 0 : i32
        %dma_start3A_137 = tpu.memref_slice %arg4[%add3A, %add3A_131, %dma_start3A_136] : memref<32x80x125xi32, #tpu.memory_space<hbm>> -> memref<1x1x125xi32, #tpu.memory_space<hbm>>
        %dma_start3A_138 = tpu.memref_squeeze %dma_start3A_137 : memref<1x1x125xi32, #tpu.memory_space<hbm>> -> memref<125xi32, #tpu.memory_space<hbm>>
        %dma_start3A_139 = arith.constant 0 : i32
        %dma_start3A_140 = tpu.memref_slice %arg10[%dma_start3A_132, %dma_start3A_139] : memref<2x125xi32, #tpu.memory_space<vmem>> -> memref<1x125xi32, #tpu.memory_space<vmem>>
        %dma_start3A_141 = tpu.memref_squeeze %dma_start3A_140 : memref<1x125xi32, #tpu.memory_space<vmem>> -> memref<125xi32, #tpu.memory_space<vmem>>
        %dma_start3A_142 = arith.constant 0 : i32
        %dma_start3A_143 = tpu.memref_slice %arg4[%add3A, %add3A_131, %dma_start3A_142] : memref<32x80x125xi32, #tpu.memory_space<hbm>> -> memref<1x1x125xi32, #tpu.memory_space<hbm>>
        %dma_start3A_144 = tpu.memref_squeeze %dma_start3A_143 : memref<1x1x125xi32, #tpu.memory_space<hbm>> -> memref<125xi32, #tpu.memory_space<hbm>>
        tpu.enqueue_dma source(%dma_start3A_144 : memref<125xi32, #tpu.memory_space<hbm>>) target(%dma_start3A_141 : memref<125xi32, #tpu.memory_space<vmem>>) target_semaphore(%arg13 : memref<!tpu.dma_semaphore, #tpu.memory_space<semaphore_mem>>)
      } else {
      }
      %add3A_91 = arith.constant 1 : i32
      %add3A_92 = arith.addi %add3A_68, %add3A_91 : i32
      %dma_wait3A_93 = arith.constant 0 : i32
      %dma_wait3A_94 = tpu.memref_slice %arg9[%add3A_92, %dma_wait3A_93] : memref<80x125xi32, #tpu.memory_space<vmem>> -> memref<1x125xi32, #tpu.memory_space<vmem>>
      %dma_wait3A_95 = tpu.memref_squeeze %dma_wait3A_94 : memref<1x125xi32, #tpu.memory_space<vmem>> -> memref<125xi32, #tpu.memory_space<vmem>>
      %dma_wait3A_96 = arith.constant 0 : i32
      %dma_wait3A_97 = arith.constant 0 : i32
      %dma_wait3A_98 = tpu.memref_slice %arg2[%dma_wait3A_96, %dma_wait3A_97] : memref<10000x128xf32, #tpu.memory_space<hbm>> -> memref<10000x128xf32, #tpu.memory_space<hbm>>
      tpu.wait_indirect_dma semaphore(%arg12 : memref<!tpu.dma_semaphore, #tpu.memory_space<semaphore_mem>>) src(%dma_wait3A_98 : memref<10000x128xf32, #tpu.memory_space<hbm>>) dst(%arg8 : memref<125x128xf32, #tpu.memory_space<vmem>>)
      %add3A_99 = arith.constant 1 : i32
      %add3A_100 = arith.addi %add3A_68, %add3A_99 : i32
      %dma_wait3A_101 = arith.constant 1 : i32
      %dma_wait3A_102 = arith.constant 0 : i32
      %dma_wait3A_103 = tpu.memref_slice %arg10[%dma_wait3A_101, %dma_wait3A_102] : memref<2x125xi32, #tpu.memory_space<vmem>> -> memref<1x125xi32, #tpu.memory_space<vmem>>
      %dma_wait3A_104 = tpu.memref_squeeze %dma_wait3A_103 : memref<1x125xi32, #tpu.memory_space<vmem>> -> memref<125xi32, #tpu.memory_space<vmem>>
      %dma_wait3A_105 = arith.constant 0 : i32
      %dma_wait3A_106 = tpu.memref_slice %arg4[%add3A, %add3A_100, %dma_wait3A_105] : memref<32x80x125xi32, #tpu.memory_space<hbm>> -> memref<1x1x125xi32, #tpu.memory_space<hbm>>
      %dma_wait3A_107 = tpu.memref_squeeze %dma_wait3A_106 : memref<1x1x125xi32, #tpu.memory_space<hbm>> -> memref<125xi32, #tpu.memory_space<hbm>>
      %dma_wait3A_108 = arith.constant 0 : i32
      %dma_wait3A_109 = tpu.memref_slice %arg10[%dma_wait3A_101, %dma_wait3A_108] : memref<2x125xi32, #tpu.memory_space<vmem>> -> memref<1x125xi32, #tpu.memory_space<vmem>>
      %dma_wait3A_110 = tpu.memref_squeeze %dma_wait3A_109 : memref<1x125xi32, #tpu.memory_space<vmem>> -> memref<125xi32, #tpu.memory_space<vmem>>
      %dma_wait3A_111 = arith.constant 0 : i32
      %dma_wait3A_112 = tpu.memref_slice %arg4[%add3A, %add3A_100, %dma_wait3A_111] : memref<32x80x125xi32, #tpu.memory_space<hbm>> -> memref<1x1x125xi32, #tpu.memory_space<hbm>>
      %dma_wait3A_113 = tpu.memref_squeeze %dma_wait3A_112 : memref<1x1x125xi32, #tpu.memory_space<hbm>> -> memref<125xi32, #tpu.memory_space<hbm>>
      tpu.wait_dma2 semaphore(%arg14 : memref<!tpu.dma_semaphore, #tpu.memory_space<semaphore_mem>>) src(%dma_wait3A_113 : memref<125xi32, #tpu.memory_space<hbm>>) dst(%dma_wait3A_110 : memref<125xi32, #tpu.memory_space<vmem>>)
      %run_scoped3A_114 = arith.constant 1 : i32
      "tpu.region"() ({
        %run_scoped3A_122 = tpu.sem_alloc : memref<!tpu.dma_semaphore, #tpu.memory_space<semaphore_mem>>
        %dma_start3A_123 = arith.constant 0 : i32
        %dma_start3A_124 = tpu.memref_slice %arg10[%run_scoped3A_114, %dma_start3A_123] : memref<2x125xi32, #tpu.memory_space<vmem>> -> memref<1x125xi32, #tpu.memory_space<vmem>>
        %dma_start3A_125 = tpu.memref_squeeze %dma_start3A_124 : memref<1x125xi32, #tpu.memory_space<vmem>> -> memref<125xi32, #tpu.memory_space<vmem>>
        %dma_start3A_126 = arith.constant 0 : i32
        %dma_start3A_127 = arith.constant 0 : i32
        %dma_start3A_128 = tpu.memref_slice %arg6[%dma_start3A_126, %dma_start3A_127] : memref<10240x128xf32, #tpu.memory_space<vmem_shared>> -> memref<10240x128xf32, #tpu.memory_space<vmem_shared>>
        tpu.enqueue_indirect_dma source(%arg8 : memref<125x128xf32, #tpu.memory_space<vmem>>) target(%dma_start3A_128 : memref<10240x128xf32, #tpu.memory_space<vmem_shared>>) offsets(%dma_start3A_125 : memref<125xi32, #tpu.memory_space<vmem>>) semaphore(%run_scoped3A_122 : memref<!tpu.dma_semaphore, #tpu.memory_space<semaphore_mem>>) {add = true}
        %dma_wait3A_129 = arith.constant 0 : i32
        %dma_wait3A_130 = tpu.memref_slice %arg10[%run_scoped3A_114, %dma_wait3A_129] : memref<2x125xi32, #tpu.memory_space<vmem>> -> memref<1x125xi32, #tpu.memory_space<vmem>>
        %dma_wait3A_131 = tpu.memref_squeeze %dma_wait3A_130 : memref<1x125xi32, #tpu.memory_space<vmem>> -> memref<125xi32, #tpu.memory_space<vmem>>
        %dma_wait3A_132 = arith.constant 0 : i32
        %dma_wait3A_133 = arith.constant 0 : i32
        %dma_wait3A_134 = tpu.memref_slice %arg6[%dma_wait3A_132, %dma_wait3A_133] : memref<10240x128xf32, #tpu.memory_space<vmem_shared>> -> memref<10240x128xf32, #tpu.memory_space<vmem_shared>>
        tpu.wait_indirect_dma semaphore(%run_scoped3A_122 : memref<!tpu.dma_semaphore, #tpu.memory_space<semaphore_mem>>) src(%arg8 : memref<125x128xf32, #tpu.memory_space<vmem>>) dst(%dma_wait3A_134 : memref<10240x128xf32, #tpu.memory_space<vmem_shared>>)
        tpu.yield
      }) : () -> ()
      %add3A_115 = arith.constant 3 : i32
      %add3A_116 = arith.addi %add3A_68, %add3A_115 : i32
      %lt3A_117 = arith.constant 80 : i32
      %lt3A_118 = arith.cmpi slt, %add3A_116, %lt3A_117 : i32
      %convert_element_type3A_119 = arith.extui %lt3A_118 : i1 to i32
      %cond3A_120 = arith.constant 0 : i32
      %cond3A_121 = arith.cmpi ne, %convert_element_type3A_119, %cond3A_120 : i32
      scf.if %cond3A_121 {
        %add3A_122 = arith.constant 3 : i32
        %add3A_123 = arith.addi %add3A_68, %add3A_122 : i32
        %dma_start3A_124 = arith.constant 0 : i32
        %dma_start3A_125 = tpu.memref_slice %arg9[%add3A_123, %dma_start3A_124] : memref<80x125xi32, #tpu.memory_space<vmem>> -> memref<1x125xi32, #tpu.memory_space<vmem>>
        %dma_start3A_126 = tpu.memref_squeeze %dma_start3A_125 : memref<1x125xi32, #tpu.memory_space<vmem>> -> memref<125xi32, #tpu.memory_space<vmem>>
        %dma_start3A_127 = arith.constant 0 : i32
        %dma_start3A_128 = arith.constant 0 : i32
        %dma_start3A_129 = tpu.memref_slice %arg2[%dma_start3A_127, %dma_start3A_128] : memref<10000x128xf32, #tpu.memory_space<hbm>> -> memref<10000x128xf32, #tpu.memory_space<hbm>>
        tpu.enqueue_indirect_dma source(%dma_start3A_129 : memref<10000x128xf32, #tpu.memory_space<hbm>>) target(%arg8 : memref<125x128xf32, #tpu.memory_space<vmem>>) offsets(%dma_start3A_126 : memref<125xi32, #tpu.memory_space<vmem>>) semaphore(%arg12 : memref<!tpu.dma_semaphore, #tpu.memory_space<semaphore_mem>>)
        %add3A_130 = arith.constant 3 : i32
        %add3A_131 = arith.addi %add3A_68, %add3A_130 : i32
        %dma_start3A_132 = arith.constant 1 : i32
        %dma_start3A_133 = arith.constant 0 : i32
        %dma_start3A_134 = tpu.memref_slice %arg10[%dma_start3A_132, %dma_start3A_133] : memref<2x125xi32, #tpu.memory_space<vmem>> -> memref<1x125xi32, #tpu.memory_space<vmem>>
        %dma_start3A_135 = tpu.memref_squeeze %dma_start3A_134 : memref<1x125xi32, #tpu.memory_space<vmem>> -> memref<125xi32, #tpu.memory_space<vmem>>
        %dma_start3A_136 = arith.constant 0 : i32
        %dma_start3A_137 = tpu.memref_slice %arg4[%add3A, %add3A_131, %dma_start3A_136] : memref<32x80x125xi32, #tpu.memory_space<hbm>> -> memref<1x1x125xi32, #tpu.memory_space<hbm>>
        %dma_start3A_138 = tpu.memref_squeeze %dma_start3A_137 : memref<1x1x125xi32, #tpu.memory_space<hbm>> -> memref<125xi32, #tpu.memory_space<hbm>>
        %dma_start3A_139 = arith.constant 0 : i32
        %dma_start3A_140 = tpu.memref_slice %arg10[%dma_start3A_132, %dma_start3A_139] : memref<2x125xi32, #tpu.memory_space<vmem>> -> memref<1x125xi32, #tpu.memory_space<vmem>>
        %dma_start3A_141 = tpu.memref_squeeze %dma_start3A_140 : memref<1x125xi32, #tpu.memory_space<vmem>> -> memref<125xi32, #tpu.memory_space<vmem>>
        %dma_start3A_142 = arith.constant 0 : i32
        %dma_start3A_143 = tpu.memref_slice %arg4[%add3A, %add3A_131, %dma_start3A_142] : memref<32x80x125xi32, #tpu.memory_space<hbm>> -> memref<1x1x125xi32, #tpu.memory_space<hbm>>
        %dma_start3A_144 = tpu.memref_squeeze %dma_start3A_143 : memref<1x1x125xi32, #tpu.memory_space<hbm>> -> memref<125xi32, #tpu.memory_space<hbm>>
        tpu.enqueue_dma source(%dma_start3A_144 : memref<125xi32, #tpu.memory_space<hbm>>) target(%dma_start3A_141 : memref<125xi32, #tpu.memory_space<vmem>>) target_semaphore(%arg14 : memref<!tpu.dma_semaphore, #tpu.memory_space<semaphore_mem>>)
      } else {
      }
    }
    %scan3A_60 = arith.constant 40 : i32
    %barrier3A_61 = arith.constant 0 : index
    tpu.barrier barrier_id(%barrier3A_61)
    %mul3A_62 = arith.constant 640 : i32
    %mul3A_63 = arith.muli %arg1, %mul3A_62 : i32
    "tpu.region"() ({
      %run_scoped3A = tpu.sem_alloc : memref<!tpu.dma_semaphore, #tpu.memory_space<semaphore_mem>>
      %dma_start3A_64 = arith.constant 0 : i32
      %dma_start3A_65 = tpu.memref_slice %arg5[%arg0, %mul3A_63, %dma_start3A_64] : memref<2x10240x128xf32, #tpu.memory_space<hbm>> -> memref<1x640x128xf32, #tpu.memory_space<hbm>>
      %dma_start3A_66 = tpu.memref_squeeze %dma_start3A_65 : memref<1x640x128xf32, #tpu.memory_space<hbm>> -> memref<640x128xf32, #tpu.memory_space<hbm>>
      %dma_start3A_67 = arith.constant 0 : i32
      %dma_start3A_68 = tpu.memref_slice %arg6[%mul3A_63, %dma_start3A_67] : memref<10240x128xf32, #tpu.memory_space<vmem_shared>> -> memref<640x128xf32, #tpu.memory_space<vmem_shared>>
      tpu.enqueue_dma source(%dma_start3A_68 : memref<640x128xf32, #tpu.memory_space<vmem_shared>>) target(%dma_start3A_66 : memref<640x128xf32, #tpu.memory_space<hbm>>) target_semaphore(%run_scoped3A : memref<!tpu.dma_semaphore, #tpu.memory_space<semaphore_mem>>)
      %dma_wait3A = arith.constant 0 : i32
      %dma_wait3A_69 = tpu.memref_slice %arg5[%arg0, %mul3A_63, %dma_wait3A] : memref<2x10240x128xf32, #tpu.memory_space<hbm>> -> memref<1x640x128xf32, #tpu.memory_space<hbm>>
      %dma_wait3A_70 = tpu.memref_squeeze %dma_wait3A_69 : memref<1x640x128xf32, #tpu.memory_space<hbm>> -> memref<640x128xf32, #tpu.memory_space<hbm>>
      %dma_wait3A_71 = arith.constant 0 : i32
      %dma_wait3A_72 = tpu.memref_slice %arg6[%mul3A_63, %dma_wait3A_71] : memref<10240x128xf32, #tpu.memory_space<vmem_shared>> -> memref<640x128xf32, #tpu.memory_space<vmem_shared>>
      tpu.wait_dma2 semaphore(%run_scoped3A : memref<!tpu.dma_semaphore, #tpu.memory_space<semaphore_mem>>) src(%dma_wait3A_72 : memref<640x128xf32, #tpu.memory_space<vmem_shared>>) dst(%dma_wait3A_70 : memref<640x128xf32, #tpu.memory_space<hbm>>)
      tpu.yield
    }) : () -> ()
    return
  }
}

module attributes {stable_mosaic.version = 14 : i64} {
  func.func @body(%arg0: i32, %arg1: memref<2x1000x1xf32, #tpu.memory_space<vmem>>, %arg2: memref<2x1000x1xf32, #tpu.memory_space<vmem>>, %arg3: memref<1000x128xf32, #tpu.memory_space<vmem>>, %arg4: memref<1000x128xf32, #tpu.memory_space<vmem>>, %arg5: memref<1000x1xf32, #tpu.memory_space<vmem>>, %arg6: memref<1000x1xf32, #tpu.memory_space<vmem>>) attributes {dimension_semantics = [#tpu.dimension_semantics<arbitrary>], iteration_bounds = array<i64: 10>, scalar_prefetch = 0 : i64, scratch_operands = 0 : i64, tpu.core_type = #tpu.core_type<tc>, window_params = [{transform_indices = @transform_0, window_bounds = array<i64: 2, 1000, 1>}, {transform_indices = @transform_1, window_bounds = array<i64: 2, 1000, 1>}, {transform_indices = @transform_2, window_bounds = array<i64: 1000, 128>}, {transform_indices = @transform_3, window_bounds = array<i64: 1000, 128>}, {transform_indices = @transform_4, window_bounds = array<i64: 1000, 1>}, {transform_indices = @transform_5, window_bounds = array<i64: 1000, 1>}]} {
    %get3A = arith.constant 0 : index
    %get3A_0 = arith.constant 0 : index
    %get3A_1 = arith.constant 0 : index
    %get3A_2 = vector.load %arg1[%get3A, %get3A_0, %get3A_1] : memref<2x1000x1xf32, #tpu.memory_space<vmem>>, vector<1x1000x1xf32>
    %get3A_3 = vector.shape_cast %get3A_2 : vector<1x1000x1xf32> to vector<1000x1xf32>
    %get3A_4 = arith.constant 1 : index
    %get3A_5 = arith.constant 0 : index
    %get3A_6 = arith.constant 0 : index
    %get3A_7 = vector.load %arg1[%get3A_4, %get3A_5, %get3A_6] : memref<2x1000x1xf32, #tpu.memory_space<vmem>>, vector<1x1000x1xf32>
    %get3A_8 = vector.shape_cast %get3A_7 : vector<1x1000x1xf32> to vector<1000x1xf32>
    %add3A = arith.addf %get3A_3, %get3A_8 : vector<1000x1xf32>
    %get3A_9 = arith.constant 0 : index
    %get3A_10 = arith.constant 0 : index
    %get3A_11 = arith.constant 0 : index
    %get3A_12 = vector.load %arg2[%get3A_9, %get3A_10, %get3A_11] : memref<2x1000x1xf32, #tpu.memory_space<vmem>>, vector<1x1000x1xf32>
    %get3A_13 = vector.shape_cast %get3A_12 : vector<1x1000x1xf32> to vector<1000x1xf32>
    %get3A_14 = arith.constant 1 : index
    %get3A_15 = arith.constant 0 : index
    %get3A_16 = arith.constant 0 : index
    %get3A_17 = vector.load %arg2[%get3A_14, %get3A_15, %get3A_16] : memref<2x1000x1xf32, #tpu.memory_space<vmem>>, vector<1x1000x1xf32>
    %get3A_18 = vector.shape_cast %get3A_17 : vector<1x1000x1xf32> to vector<1000x1xf32>
    %add3A_19 = arith.addf %get3A_13, %get3A_18 : vector<1000x1xf32>
    %gt3A = arith.constant 0.000000e+00 : f32
    %gt3A_20 = vector.broadcast %gt3A : f32 to vector<1000x1xf32>
    %gt3A_21 = arith.cmpf ogt, %add3A, %gt3A_20 : vector<1000x1xf32>
    %max3A = arith.constant 9.99999996E-13 : f32
    %max3A_22 = vector.broadcast %max3A : f32 to vector<1000x1xf32>
    %max3A_23 = arith.maximumf %add3A, %max3A_22 : vector<1000x1xf32>
    %rsqrt3A = math.rsqrt %max3A_23 : vector<1000x1xf32>
    %jit3A = arith.constant 0.000000e+00 : f32
    %broadcast_in_dim3A = vector.broadcast %jit3A : f32 to vector<1000x1xf32>
    %select_n3A = arith.select %gt3A_21, %rsqrt3A, %broadcast_in_dim3A : vector<1000x1xi1>, vector<1000x1xf32>
    %gt3A_24 = arith.constant 0.000000e+00 : f32
    %gt3A_25 = vector.broadcast %gt3A_24 : f32 to vector<1000x1xf32>
    %gt3A_26 = arith.cmpf ogt, %add3A_19, %gt3A_25 : vector<1000x1xf32>
    %max3A_27 = arith.constant 9.99999996E-13 : f32
    %max3A_28 = vector.broadcast %max3A_27 : f32 to vector<1000x1xf32>
    %max3A_29 = arith.maximumf %add3A_19, %max3A_28 : vector<1000x1xf32>
    %rsqrt3A_30 = math.rsqrt %max3A_29 : vector<1000x1xf32>
    %jit3A_31 = arith.constant 0.000000e+00 : f32
    %broadcast_in_dim3A_32 = vector.broadcast %jit3A_31 : f32 to vector<1000x1xf32>
    %select_n3A_33 = arith.select %gt3A_26, %rsqrt3A_30, %broadcast_in_dim3A_32 : vector<1000x1xi1>, vector<1000x1xf32>
    %swap3A = arith.constant 0 : index
    %swap3A_34 = arith.constant 0 : index
    %swap3A_35 = vector.load %arg5[%swap3A, %swap3A_34] : memref<1000x1xf32, #tpu.memory_space<vmem>>, vector<1000x1xf32>
    tpu.vector_store %arg5[%swap3A, %swap3A_34], %select_n3A {strides = array<i32>} : memref<1000x1xf32, #tpu.memory_space<vmem>>, vector<1000x1xf32>,
    %swap3A_36 = arith.constant 0 : index
    %swap3A_37 = arith.constant 0 : index
    %swap3A_38 = vector.load %arg6[%swap3A_36, %swap3A_37] : memref<1000x1xf32, #tpu.memory_space<vmem>>, vector<1000x1xf32>
    tpu.vector_store %arg6[%swap3A_36, %swap3A_37], %select_n3A_33 {strides = array<i32>} : memref<1000x1xf32, #tpu.memory_space<vmem>>, vector<1000x1xf32>,
    %get3A_39 = arith.constant 0 : index
    %get3A_40 = arith.constant 0 : index
    %get3A_41 = vector.load %arg3[%get3A_39, %get3A_40] : memref<1000x128xf32, #tpu.memory_space<vmem>>, vector<1000x128xf32>
    %mul3A = vector.broadcast %select_n3A : vector<1000x1xf32> to vector<1000x128xf32>
    %mul3A_42 = arith.mulf %get3A_41, %mul3A : vector<1000x128xf32>
    %swap3A_43 = arith.constant 0 : index
    %swap3A_44 = arith.constant 0 : index
    %swap3A_45 = vector.load %arg4[%swap3A_43, %swap3A_44] : memref<1000x128xf32, #tpu.memory_space<vmem>>, vector<1000x128xf32>
    tpu.vector_store %arg4[%swap3A_43, %swap3A_44], %mul3A_42 {strides = array<i32>} : memref<1000x128xf32, #tpu.memory_space<vmem>>, vector<1000x128xf32>,
    return
  }
  func.func @transform_0(%arg0: i32) -> (i32, i32, i32) {
    %c0_i32 = arith.constant 0 : i32
    %c0_i32_0 = arith.constant 0 : i32
    %c0_i32_1 = arith.constant 0 : i32
    return %c0_i32, %arg0, %c0_i32_0 : i32, i32, i32
  }
  func.func @transform_1(%arg0: i32) -> (i32, i32, i32) {
    %c0_i32 = arith.constant 0 : i32
    %c0_i32_0 = arith.constant 0 : i32
    %c0_i32_1 = arith.constant 0 : i32
    return %c0_i32, %arg0, %c0_i32_0 : i32, i32, i32
  }
  func.func @transform_2(%arg0: i32) -> (i32, i32) {
    %c0_i32 = arith.constant 0 : i32
    %c0_i32_0 = arith.constant 0 : i32
    return %arg0, %c0_i32 : i32, i32
  }
  func.func @transform_3(%arg0: i32) -> (i32, i32) {
    %c0_i32 = arith.constant 0 : i32
    %c0_i32_0 = arith.constant 0 : i32
    return %arg0, %c0_i32 : i32, i32
  }
  func.func @transform_4(%arg0: i32) -> (i32, i32) {
    %c0_i32 = arith.constant 0 : i32
    %c0_i32_0 = arith.constant 0 : i32
    return %arg0, %c0_i32 : i32, i32
  }
  func.func @transform_5(%arg0: i32) -> (i32, i32) {
    %c0_i32 = arith.constant 0 : i32
    %c0_i32_0 = arith.constant 0 : i32
    return %arg0, %c0_i32 : i32, i32
  }
}

module attributes {stable_mosaic.version = 14 : i64} {
  func.func @body(%arg0: i32, %arg1: memref<2x1000x128xf32, #tpu.memory_space<vmem>>, %arg2: memref<1000x1xf32, #tpu.memory_space<vmem>>, %arg3: memref<1000x1xf32, #tpu.memory_space<vmem>>, %arg4: memref<128x128xf32, #tpu.memory_space<vmem>>, %arg5: memref<1x128xf32, #tpu.memory_space<vmem>>, %arg6: memref<1000x128xf32, #tpu.memory_space<vmem>>) attributes {dimension_semantics = [#tpu.dimension_semantics<arbitrary>], iteration_bounds = array<i64: 10>, scalar_prefetch = 0 : i64, scratch_operands = 0 : i64, tpu.core_type = #tpu.core_type<tc>, window_params = [{transform_indices = @transform_0, window_bounds = array<i64: 2, 1000, 128>}, {transform_indices = @transform_1, window_bounds = array<i64: 1000, 1>}, {transform_indices = @transform_2, window_bounds = array<i64: 1000, 1>}, {pipeline_mode = #tpu.pipeline_mode<synchronous>, transform_indices = @transform_3, window_bounds = array<i64: 128, 128>}, {pipeline_mode = #tpu.pipeline_mode<synchronous>, transform_indices = @transform_4, window_bounds = array<i64: 1, 128>}, {transform_indices = @transform_5, window_bounds = array<i64: 1000, 128>}]} {
    %get3A = arith.constant 0 : index
    %get3A_0 = arith.constant 0 : index
    %get3A_1 = arith.constant 0 : index
    %get3A_2 = vector.load %arg1[%get3A, %get3A_0, %get3A_1] : memref<2x1000x128xf32, #tpu.memory_space<vmem>>, vector<1x1000x128xf32>
    %get3A_3 = vector.shape_cast %get3A_2 : vector<1x1000x128xf32> to vector<1000x128xf32>
    %get3A_4 = arith.constant 1 : index
    %get3A_5 = arith.constant 0 : index
    %get3A_6 = arith.constant 0 : index
    %get3A_7 = vector.load %arg1[%get3A_4, %get3A_5, %get3A_6] : memref<2x1000x128xf32, #tpu.memory_space<vmem>>, vector<1x1000x128xf32>
    %get3A_8 = vector.shape_cast %get3A_7 : vector<1x1000x128xf32> to vector<1000x128xf32>
    %add3A = arith.addf %get3A_3, %get3A_8 : vector<1000x128xf32>
    %get3A_9 = arith.constant 0 : index
    %get3A_10 = arith.constant 0 : index
    %get3A_11 = vector.load %arg2[%get3A_9, %get3A_10] : memref<1000x1xf32, #tpu.memory_space<vmem>>, vector<1000x1xf32>
    %mul3A = vector.broadcast %get3A_11 : vector<1000x1xf32> to vector<1000x128xf32>
    %mul3A_12 = arith.mulf %add3A, %mul3A : vector<1000x128xf32>
    %get3A_13 = arith.constant 0 : index
    %get3A_14 = arith.constant 0 : index
    %get3A_15 = vector.load %arg4[%get3A_13, %get3A_14] : memref<128x128xf32, #tpu.memory_space<vmem>>, vector<128x128xf32>
    %dot_general3A = arith.constant dense<0.000000e+00> : vector<1000x128xf32>
    %dot_general3A_16 = tpu.matmul %mul3A_12, %get3A_15, %dot_general3A {dimension_numbers = #tpu.dot_dimension_numbers<[1], [0], [0], [1], [0, 0, 1, 1], [], []>, transpose_lhs_hint = false} : vector<1000x128xf32>, vector<128x128xf32>, vector<1000x128xf32> -> vector<1000x128xf32>
    %get3A_17 = arith.constant 0 : index
    %get3A_18 = arith.constant 0 : index
    %get3A_19 = vector.load %arg5[%get3A_17, %get3A_18] : memref<1x128xf32, #tpu.memory_space<vmem>>, vector<1x128xf32>
    %add3A_20 = vector.broadcast %get3A_19 : vector<1x128xf32> to vector<1000x128xf32>
    %add3A_21 = arith.addf %dot_general3A_16, %add3A_20 : vector<1000x128xf32>
    %max3A = arith.constant 0.000000e+00 : f32
    %max3A_22 = vector.broadcast %max3A : f32 to vector<1000x128xf32>
    %max3A_23 = arith.maximumf %add3A_21, %max3A_22 : vector<1000x128xf32>
    %get3A_24 = arith.constant 0 : index
    %get3A_25 = arith.constant 0 : index
    %get3A_26 = vector.load %arg3[%get3A_24, %get3A_25] : memref<1000x1xf32, #tpu.memory_space<vmem>>, vector<1000x1xf32>
    %mul3A_27 = vector.broadcast %get3A_26 : vector<1000x1xf32> to vector<1000x128xf32>
    %mul3A_28 = arith.mulf %max3A_23, %mul3A_27 : vector<1000x128xf32>
    %swap3A = arith.constant 0 : index
    %swap3A_29 = arith.constant 0 : index
    %swap3A_30 = vector.load %arg6[%swap3A, %swap3A_29] : memref<1000x128xf32, #tpu.memory_space<vmem>>, vector<1000x128xf32>
    tpu.vector_store %arg6[%swap3A, %swap3A_29], %mul3A_28 {strides = array<i32>} : memref<1000x128xf32, #tpu.memory_space<vmem>>, vector<1000x128xf32>,
    return
  }
  func.func @transform_0(%arg0: i32) -> (i32, i32, i32) {
    %c0_i32 = arith.constant 0 : i32
    %c0_i32_0 = arith.constant 0 : i32
    %c0_i32_1 = arith.constant 0 : i32
    return %c0_i32, %arg0, %c0_i32_0 : i32, i32, i32
  }
  func.func @transform_1(%arg0: i32) -> (i32, i32) {
    %c0_i32 = arith.constant 0 : i32
    %c0_i32_0 = arith.constant 0 : i32
    return %arg0, %c0_i32 : i32, i32
  }
  func.func @transform_2(%arg0: i32) -> (i32, i32) {
    %c0_i32 = arith.constant 0 : i32
    %c0_i32_0 = arith.constant 0 : i32
    return %arg0, %c0_i32 : i32, i32
  }
  func.func @transform_3(%arg0: i32) -> (i32, i32) {
    %c0_i32 = arith.constant 0 : i32
    %c0_i32_0 = arith.constant 0 : i32
    %c0_i32_1 = arith.constant 0 : i32
    return %c0_i32, %c0_i32_0 : i32, i32
  }
  func.func @transform_4(%arg0: i32) -> (i32, i32) {
    %c0_i32 = arith.constant 0 : i32
    %c0_i32_0 = arith.constant 0 : i32
    %c0_i32_1 = arith.constant 0 : i32
    return %c0_i32, %c0_i32_0 : i32, i32
  }
  func.func @transform_5(%arg0: i32) -> (i32, i32) {
    %c0_i32 = arith.constant 0 : i32
    %c0_i32_0 = arith.constant 0 : i32
    return %arg0, %c0_i32 : i32, i32
  }
}

module attributes {stable_mosaic.version = 14 : i64} {
  func.func @body(%arg0: i32, %arg1: memref<2x1000x128xf32, #tpu.memory_space<vmem>>, %arg2: memref<1000x1xf32, #tpu.memory_space<vmem>>, %arg3: memref<1000x1xf32, #tpu.memory_space<vmem>>, %arg4: memref<128x128xf32, #tpu.memory_space<vmem>>, %arg5: memref<1x128xf32, #tpu.memory_space<vmem>>, %arg6: memref<1000x128xf32, #tpu.memory_space<vmem>>) attributes {dimension_semantics = [#tpu.dimension_semantics<arbitrary>], iteration_bounds = array<i64: 10>, scalar_prefetch = 0 : i64, scratch_operands = 0 : i64, tpu.core_type = #tpu.core_type<tc>, window_params = [{transform_indices = @transform_0, window_bounds = array<i64: 2, 1000, 128>}, {transform_indices = @transform_1, window_bounds = array<i64: 1000, 1>}, {transform_indices = @transform_2, window_bounds = array<i64: 1000, 1>}, {pipeline_mode = #tpu.pipeline_mode<synchronous>, transform_indices = @transform_3, window_bounds = array<i64: 128, 128>}, {pipeline_mode = #tpu.pipeline_mode<synchronous>, transform_indices = @transform_4, window_bounds = array<i64: 1, 128>}, {transform_indices = @transform_5, window_bounds = array<i64: 1000, 128>}]} {
    %get3A = arith.constant 0 : index
    %get3A_0 = arith.constant 0 : index
    %get3A_1 = arith.constant 0 : index
    %get3A_2 = vector.load %arg1[%get3A, %get3A_0, %get3A_1] : memref<2x1000x128xf32, #tpu.memory_space<vmem>>, vector<1x1000x128xf32>
    %get3A_3 = vector.shape_cast %get3A_2 : vector<1x1000x128xf32> to vector<1000x128xf32>
    %get3A_4 = arith.constant 1 : index
    %get3A_5 = arith.constant 0 : index
    %get3A_6 = arith.constant 0 : index
    %get3A_7 = vector.load %arg1[%get3A_4, %get3A_5, %get3A_6] : memref<2x1000x128xf32, #tpu.memory_space<vmem>>, vector<1x1000x128xf32>
    %get3A_8 = vector.shape_cast %get3A_7 : vector<1x1000x128xf32> to vector<1000x128xf32>
    %add3A = arith.addf %get3A_3, %get3A_8 : vector<1000x128xf32>
    %get3A_9 = arith.constant 0 : index
    %get3A_10 = arith.constant 0 : index
    %get3A_11 = vector.load %arg2[%get3A_9, %get3A_10] : memref<1000x1xf32, #tpu.memory_space<vmem>>, vector<1000x1xf32>
    %mul3A = vector.broadcast %get3A_11 : vector<1000x1xf32> to vector<1000x128xf32>
    %mul3A_12 = arith.mulf %add3A, %mul3A : vector<1000x128xf32>
    %get3A_13 = arith.constant 0 : index
    %get3A_14 = arith.constant 0 : index
    %get3A_15 = vector.load %arg4[%get3A_13, %get3A_14] : memref<128x128xf32, #tpu.memory_space<vmem>>, vector<128x128xf32>
    %dot_general3A = arith.constant dense<0.000000e+00> : vector<1000x128xf32>
    %dot_general3A_16 = tpu.matmul %mul3A_12, %get3A_15, %dot_general3A {dimension_numbers = #tpu.dot_dimension_numbers<[1], [0], [0], [1], [0, 0, 1, 1], [], []>, transpose_lhs_hint = false} : vector<1000x128xf32>, vector<128x128xf32>, vector<1000x128xf32> -> vector<1000x128xf32>
    %get3A_17 = arith.constant 0 : index
    %get3A_18 = arith.constant 0 : index
    %get3A_19 = vector.load %arg5[%get3A_17, %get3A_18] : memref<1x128xf32, #tpu.memory_space<vmem>>, vector<1x128xf32>
    %add3A_20 = vector.broadcast %get3A_19 : vector<1x128xf32> to vector<1000x128xf32>
    %add3A_21 = arith.addf %dot_general3A_16, %add3A_20 : vector<1000x128xf32>
    %max3A = arith.constant 0.000000e+00 : f32
    %max3A_22 = vector.broadcast %max3A : f32 to vector<1000x128xf32>
    %max3A_23 = arith.maximumf %add3A_21, %max3A_22 : vector<1000x128xf32>
    %swap3A = arith.constant 0 : index
    %swap3A_24 = arith.constant 0 : index
    %swap3A_25 = vector.load %arg6[%swap3A, %swap3A_24] : memref<1000x128xf32, #tpu.memory_space<vmem>>, vector<1000x128xf32>
    tpu.vector_store %arg6[%swap3A, %swap3A_24], %max3A_23 {strides = array<i32>} : memref<1000x128xf32, #tpu.memory_space<vmem>>, vector<1000x128xf32>,
    return
  }
  func.func @transform_0(%arg0: i32) -> (i32, i32, i32) {
    %c0_i32 = arith.constant 0 : i32
    %c0_i32_0 = arith.constant 0 : i32
    %c0_i32_1 = arith.constant 0 : i32
    return %c0_i32, %arg0, %c0_i32_0 : i32, i32, i32
  }
  func.func @transform_1(%arg0: i32) -> (i32, i32) {
    %c0_i32 = arith.constant 0 : i32
    %c0_i32_0 = arith.constant 0 : i32
    return %arg0, %c0_i32 : i32, i32
  }
  func.func @transform_2(%arg0: i32) -> (i32, i32) {
    %c0_i32 = arith.constant 0 : i32
    %c0_i32_0 = arith.constant 0 : i32
    return %arg0, %c0_i32 : i32, i32
  }
  func.func @transform_3(%arg0: i32) -> (i32, i32) {
    %c0_i32 = arith.constant 0 : i32
    %c0_i32_0 = arith.constant 0 : i32
    %c0_i32_1 = arith.constant 0 : i32
    return %c0_i32, %c0_i32_0 : i32, i32
  }
  func.func @transform_4(%arg0: i32) -> (i32, i32) {
    %c0_i32 = arith.constant 0 : i32
    %c0_i32_0 = arith.constant 0 : i32
    %c0_i32_1 = arith.constant 0 : i32
    return %c0_i32, %c0_i32_0 : i32, i32
  }
  func.func @transform_5(%arg0: i32) -> (i32, i32) {
    %c0_i32 = arith.constant 0 : i32
    %c0_i32_0 = arith.constant 0 : i32
    return %arg0, %c0_i32 : i32, i32
  }
}

</mosaic_0001>

<sc_bundles>
// kernel: kernel.11.cloned.1.call-start
scs
__scs_entry_jumppad:
0x0: {  	(pc) =	sbr.rel $0x88, $3  }
0x1: {  	(tag) =	ssettag $0x0;
	lr =	simm.s32 $0x1  }
0x2: {  	[smem:$0x3F9B] =	sst lr;
	_ =	strace $0xD0000000  }
0x3: {  	_ = 	snop  }
0x4: {  	_ = 	snop  }
0x5: {  	_ = 	snop  }
0x6: {  	_ = 	snop  }
0x7: {  	_ = 	snop  }
__scs_overlays_trampoline_lowered:
0x8: {  	[smem:$0x3FAA] =	sst s0  }
0x9: {  	[smem:$0x3FAB] =	sst s1  }
0xa: {  	[smem:$0x3FAC] =	sst s2  }
0xb: {  	[smem:$0x3FAD] =	sst s3  }
0xc: {  	[smem:$0x3FAE] =	sst s4  }
0xd: {  	[smem:$0x3FAF] =	sst s5  }
0xe: {  	[smem:$0x3FB0] =	sst s6  }
0xf: {  	[smem:$0x3FB1] =	sst s7  }
0x10: {  	[smem:$0x3FB2] =	sst s8  }
0x11: {  	[smem:$0x3FB3] =	sst s9;
	s0 =	simm.s32 @!p0 $0x0  }
0x12: {  	s1 =	sld [smem:$0x3F99];
	s0 =	simm.s32 @p0 $0x1  }
0x13: {  	[smem:$0x3FB4] =	sst s0;
	s0 =	simm.s32 @!p1 $0x0  }
0x14: {  	s2 =	sld [smem:$0x3F98];
	s0 =	simm.s32 @p1 $0x1  }
0x15: {  	[smem:$0x3FB5] =	sst s0;
	s0 =	simm.s32 @!p2 $0x0  }
0x16: {  	s3 =	sld [smem:$0x3FDB];
	s0 =	simm.s32 @p2 $0x1  }
0x17: {  	s4 =	simm.s32 $0x1BF5;
	[smem:$0x3FB7] =	sst s0  }
0x18: {  	s0 =	sld [smem:$0x3F9A];
	_ =	swait.ge [sflag:s4], $0x0  }
0x19: {  	s7 =	sld [smem:$0x3F9B]  }
0x1a: {  	s8 =	sadd.s32 $0xFFFFE003, lr  }
0x1b: {  	s9 =	sadd.s32 $0xFFFFFEF7, lr;
	s5 =	simm.s32 $0xFFFFFFFF;
	p2 =	slt.u32 s8, $0xFFFFF086  }
0x1c: {  	p1 =	slt.u32 s9, $0xF7A;
	s5 =	simm.s32 @!p2 $0x0  }
0x1d: {  	s5 =	simm.s32 @p1 $0x1;
	p0 =	seq.s32 s7, s2  }
0x1e: {  	s7 =	smul.u32 @!p0 $0xF7A, s2;
	p2 =	seq.s32 @!p0 s5, $0x0  }
0x1f: {  	s9 =	smul.u32 $0xF7A, s1;
	s8 =	simm.s32 @!p0 $0x1BF5;
	p2 =	por !p2, p0  }
0x20: {  	[sflag:s8] =	ssyncset.s32 @!p0 $0xFFFFF086;
	s6 =	sadd.s32 @!p0 s3, s7;
	s7 =	simm.s32 @!p0 $0x108  }
0x21: {  	s3 =	sadd.s32 s3, s9;
	s6 =	sadd.s32 @!p0 $0x88, s6;
	s7 =	simm.s32 @p2 $0x1082  }
0x22: {  	[simem:s7], [sflag:s8] =	dma.local @!p0 [hbm:s6], $0xF7A  }
0x23: {  	s9 =	sor.u32 $0xD0000000, s2;
	s6 =	simm.s32 $0x108;
	_ =	swait.ge @!p0 [sflag:s8], $0x0  }
0x24: {  	s3 =	sadd.s32 $0x88, s3;
	s6 =	simm.s32 @!p1 $0x1082;
	[sflag:s4] =	ssyncset.s32 $0xFFFFF086  }
0x25: {  	[simem:s6], [sflag:s4] =	dma.local [hbm:s3], $0xF7A  }
0x26: {  	[smem:$0x3F9B] =	sst s1;
	(tag) =	ssettag s2;
	_ =	strace s9  }
0x27: {  	s1 =	sld [smem:$0x3FAB]  }
0x28: {  	s2 =	sld [smem:$0x3FAC]  }
0x29: {  	s4 =	sld [smem:$0x3FAE]  }
0x2a: {  	p0 =	seq.s32 s5, $0x0;
	s5 =	sld [smem:$0x3FAF]  }
0x2b: {  	s6 =	sld [smem:$0x3FB0]  }
0x2c: {  	s7 =	sld [smem:$0x3FB1]  }
0x2d: {  	s3 =	simm.s32 $0x108;
	s8 =	sld [smem:$0x3FB2]  }
0x2e: {  	s3 =	simm.s32 @!p0 $0x1082;
	s9 =	sld [smem:$0x3FB3]  }
0x2f: {  	lr =	sadd.s32 s0, s3;
	s0 =	sld [smem:$0x3FAA]  }
0x30: {  	s3 =	sld [smem:$0x3FAD]  }
0x31: {  	[smem:$0x3FB6] =	sst s10  }
0x32: {  	s10 =	sld [smem:$0x3FB4];
	_ =	sdelay $0x3  }
0x33: {  	p0 =	seq.s32 s10, $0x1;
	s10 =	sld [smem:$0x3FB6];
	_ =	sdelay $0x3  }
0x34: {  	[smem:$0x3FB6] =	sst s10  }
0x35: {  	s10 =	sld [smem:$0x3FB5];
	_ =	sdelay $0x3  }
0x36: {  	p1 =	seq.s32 s10, $0x1;
	s10 =	sld [smem:$0x3FB6];
	_ =	sdelay $0x3  }
0x37: {  	[smem:$0x3FB6] =	sst s10  }
0x38: {  	s10 =	sld [smem:$0x3FB7]  }
0x39: {  	_ = 	snop;
	(pc) =	sbr.ind lr, $3  }
0x3a: {  	_ = 	snop  }
0x3b: {  	_ = 	snop  }
0x3c: {  	p2 =	seq.s32 s10, $0x1;
	s10 =	sld [smem:$0x3FB6]  }
0x3d: {  	_ =	shalt  }
0x3e: {  	_ =	shalt  }
0x3f: {  	_ =	shalt  }
0x40: {  	_ =	shalt  }
0x41: {  	_ =	shalt  }
0x42: {  	_ =	shalt  }
0x43: {  	_ =	shalt  }
0x44: {  	_ =	shalt  }
0x45: {  	_ =	shalt  }
0x46: {  	_ =	shalt  }
0x47: {  	_ =	shalt  }
0x48: {  	_ =	shalt  }
0x49: {  	_ =	shalt  }
0x4a: {  	_ =	shalt  }
0x4b: {  	_ =	shalt  }
0x4c: {  	_ =	shalt  }
0x4d: {  	_ =	shalt  }
0x4e: {  	_ =	shalt  }
0x4f: {  	_ =	shalt  }
0x50: {  	_ =	shalt  }
0x51: {  	_ =	shalt  }
0x52: {  	_ =	shalt  }
0x53: {  	_ =	shalt  }
0x54: {  	_ =	shalt  }
0x55: {  	_ =	shalt  }
0x56: {  	_ =	shalt  }
0x57: {  	_ =	shalt  }
0x58: {  	_ =	shalt  }
0x59: {  	_ =	shalt  }
0x5a: {  	_ =	shalt  }
0x5b: {  	_ =	shalt  }
0x5c: {  	_ =	shalt  }
0x5d: {  	_ =	shalt  }
0x5e: {  	_ =	shalt  }
0x5f: {  	_ =	shalt  }
0x60: {  	_ =	shalt  }
0x61: {  	_ =	shalt  }
0x62: {  	_ =	shalt  }
0x63: {  	_ =	shalt  }
0x64: {  	_ =	shalt  }
0x65: {  	_ =	shalt  }
0x66: {  	_ =	shalt  }
0x67: {  	_ =	shalt  }
0x68: {  	_ =	shalt  }
0x69: {  	_ =	shalt  }
0x6a: {  	_ =	shalt  }
0x6b: {  	_ =	shalt  }
0x6c: {  	_ =	shalt  }
0x6d: {  	_ =	shalt  }
0x6e: {  	_ =	shalt  }
0x6f: {  	_ =	shalt  }
0x70: {  	_ =	shalt  }
0x71: {  	_ =	shalt  }
0x72: {  	_ =	shalt  }
0x73: {  	_ =	shalt  }
0x74: {  	_ =	shalt  }
0x75: {  	_ =	shalt  }
0x76: {  	_ =	shalt  }
0x77: {  	_ =	shalt  }
0x78: {  	_ =	shalt  }
0x79: {  	_ =	shalt  }
0x7a: {  	_ =	shalt  }
0x7b: {  	_ =	shalt  }
0x7c: {  	_ =	shalt  }
0x7d: {  	_ =	shalt  }
0x7e: {  	_ =	shalt  }
0x7f: {  	_ =	shalt  }
0x80: {  	_ =	shalt  }
0x81: {  	_ =	shalt  }
0x82: {  	_ =	shalt  }
0x83: {  	_ =	shalt  }
0x84: {  	_ =	shalt  }
0x85: {  	_ =	shalt  }
0x86: {  	_ =	shalt  }
0x87: {  	_ =	shalt  }
.Lfunc_end0:
.L_simem_size_0:
called_computation.1_lowered:
.L_overlay_start_0:
0x88: {  	s2 =	sld [smem:$0x3FD9]  }
0x89: {  	s3 =	sld [smem:$0x3FFE];
	_ =	sdelay $0x1  }
0x8a: {  	s1 =	srdreg.scid  }
0x8b: {  	s0 =	sand.u32 $0x1, s1  }
0x8c: {  	s17 =	sshll.u32 s0, $0xA;
	s2 =	sadd.s32 s3, s2  }
0x8d: {  	s2 =	sadd.s32 s2, s17  }
0x8e: {  	[smem:$0x3FC2] =	sst s2  }
0x8f: {  	_ = 	snop  }
0x90: {  	s2 =	sld [smem:$0x3FD0];
	(tm) =	ssettm $0x1  }
0x91: {  	s18 =	sld [smem:$0x3FFB];
	_ =	sdelay $0x3  }
0x92: {  	_ =	strace s18  }
0x93: {  	s3 =	sld [smem:$0x3FFC];
	_ =	sdelay $0x3  }
0x94: {  	_ =	strace s3  }
0x95: {  	s3 =	sld [smem:$0x3FFD];
	_ =	sdelay $0x3  }
0x96: {  	_ =	strace s3  }
0x97: {  	_ =	strace $0x8FFFFFFF  }
0x98: {  	s19 =	sld [smem:$0x3FDB];
	_ =	sdelay $0x1  }
0x99: {  	s4 =	simm.s32 $_scs_section_size  }
0x9a: {  	s5 =	simm.s32 $_size__tile_overlayer_lowered;
	s6 =	simm.s32 $_tile_overlayer_lowered  }
0x9b: {  	s22 =	simm.s32 $0x1BFF;
	s21 =	sshll.u32 s6, $0x1;
	s3 =	sadd.s32 s4, s19  }
0x9c: {  	s7 =	simm.s32 $0x0;
	s20 =	sshll.u32 s5, $0x1;
	s5 =	sadd.s32 s21, s3  }
0x9d: {  	[timem:s7], [sflag:s22] =	dma.local [hbm:s5], s20  }
0x9e: {  	_ =	swait.ge [sflag:s22], s20  }
0x9f: {  	s4 =	ssub.s32 $0x0, s20;
	[sflag:s22] =	ssyncset.done $0x0  }
0xa0: {  	[sflag:s22] =	ssyncadd.s32 s4;
	_ =	sdelay $0x1  }
0xa1: {  	s23 =	simm.s32 $0x1B8B  }
0xa2: {  	_ =	swait.ge [sflag:s23], $0x1  }
0xa3: {  	[sflag:s23] =	ssyncset.done $0x0  }
0xa4: {  	s25 =	simm.s32 $0x1B8E;
	s24 =	sld [smem:$0x3FFE];
	[sflag:s23] =	ssyncadd.s32 $0xFFFFFFFF  }
0xa5: {  	s26 =	simm.s32 $execute0_lowered;
	[smem:$0x3FD2] =	sst s25  }
0xa6: {  	s5 =	sshll.u32 s26, $0x1;
	_ =	strace $0x80000049;
	[dreg:$0x1] =	wrdreg $0xFFFFFFFF  }
0xa7: {  	s28 =	simm.s32 $_size_execute0_lowered;
	s3 =	sadd.s32 s3, s5;
	[dreg:$0x0] =	wrdreg $0x0  }
0xa8: {  	s5 =	sshll.u32 s28, $0x1;
	[dreg:$0x2] =	wrdreg s3  }
0xa9: {  	[dreg:$0x3] =	wrdreg s5  }
0xaa: {  	[dreg:$0x4] =	wrdreg $0xC0  }
0xab: {  	_ =	task [dreg:s7], $0x5FFFF  }
0xac: {  	[dreg:$0x1] =	wrdreg $0xFFFFFFFF  }
0xad: {  	[dreg:$0x0] =	wrdreg $0x60  }
0xae: {  	[dreg:$0x2] =	wrdreg s2  }
0xaf: {  	[dreg:$0x3] =	wrdreg s24  }
0xb0: {  	[dreg:$0x4] =	wrdreg $0x0  }
0xb1: {  	[dreg:$0x5] =	wrdreg $0x9  }
0xb2: {  	_ =	task.clear_ibuf [dreg:s7], $0x6FFFF;
	_ =	strace $0x90000049  }
0xb3: {  	s29 =	simm.s32 $0x9;
	_ =	strace $0x8000004B  }
0xb4: {  	_ =	swait.ge [sflag:s29], $0x1  }
0xb5: {  	[sflag:s29] =	ssyncadd.s32 $0xFFFFFFFF  }
0xb6: {  	_ =	strace $0x9000004B  }
0xb7: {  	_ =	sfence  }
0xb8: {  	s30 =	sld [smem:$0x0];
	_ =	sdelay $0x2  }
0xb9: {  	s31 =	sshll.u32 s1, $0xD;
	s1 =	sshrl.u32 s1, $0x2  }
0xba: {  	s3 =	sand.u32 $0x4000, s31;
	s1 =	sadd.s32 s1, s30  }
0xbb: {  	s0 =	sor.u32 s3, s0;
	s1 =	sshll.u32 s1, $0x11  }
0xbc: {  	s0 =	sor.u32 s1, s0  }
0xbd: {  	s0 =	sadd.s32 $0x8F2B, s0  }
0xbe: {  	[sflag:s0] =	ssyncadd.remote.s32 $0x1  }
0xbf: {  	_ =	sfence.sel $0xFFFF  }
0xc0: {  	[dreg:$0x0] =	wrdreg $0xFFFFFFFF;
	(pc) =	sbr.abs _section_cstart, $3  }
0xc1: {  	[dreg:$0x1] =	wrdreg $0xFFFFFFFF  }
0xc2: {  	_ =	task.clear_ibuf [dreg:s7], $0x2FFFF;
	_ =	strace $0x9FFFFFFF  }
0xc3: {  	(tm) =	ssettm $0x7FFFFFFF  }
tec
execute0_lowered:
.L_overlay_start_1:
0x0: {  	(tag) =	ssettag $0x1  }
0x1: {  	s1 =	rddreg [dreg:$0x0]  }
0x2: {  	s0 =	srdreg.scid;
	s7 =	rddreg [dreg:$0x1]  }
0x3: {  	s10 =	stileid.u32;
	s3 =	rddreg [dreg:$0x2]  }
0x4: {  	s5 =	simm.s32 $0x0;
	s18 =	simm.s32 $0x1C000;
	s19 =	simm.s32 $0x5  }
0x5: {  	s20 =	simm.s32 $0x7D;
	s21 =	simm.s32 $0x14000;
	s22 =	simm.s32 $0x1E800  }
0x6: {  	s23 =	simm.s32 $0x1E880;
	s28 =	simm.s32 $0x3;
	s29 =	simm.s32 $0x2  }
0x7: {  	s30 =	simm.s32 $0x4;
	s31 =	simm.s32 $0x0;
	s6 =	smul.u32 $0x14000, s10  }
0x8: {  	s0 =	sand.u32 $0x1, s0;
	s2 =	sshll.u32 s10, $0x1;
	s10 =	smul.u32 $0x50000, s10  }
0x9: {  	[smem:$0x7FF] =	sst s5;
	s2 =	sor.u32 s0, s2;
	s24 =	smul.u32 $0x140000, s0  }
0xa: {  	_ =	strace $0x8000004A;
	s0 =	ssub.s32 $0x2, s0;
	s4 =	smul.u32 $0x2800, s2  }
0xb: {  	s11 =	sshrl.u32 s0, $0x1;
	s10 =	sshrl.u32 s10, $0x2;
	s2 =	sadd.s32 s6, s24  }
0xc: {  	s6 =	sadd.s32 $0x17800, s7;
	s0 =	ssub.s32 s0, s11;
	s8 =	sshrl.u32 s4, $0x3  }
0xd: {  	s24 =	simm.s32 $0x18000;
	s2 =	sshrl.u32 s2, $0x3;
	s9 =	sadd.s32 s8, s7  }
0xe: {  	s13 =	smax.u32 s0, $0x1;
	s8 =	sadd.s32 s6, s8;
	s25 =	sadd.s32 $0xD800, s9  }
0xf: {  	s2 =	sadd.s32 s2, s7;
	s26 =	sadd.s32 $0x10, s8;
	[dreg:$0x4] =	wrdreg s25  }
0x10: {  	s9 =	sadd.s32 s10, s3;
	s12 =	sadd.s32 $0x21800, s2;
	[dreg:$0x5] =	wrdreg s26  }
0x11: {  	s11 =	sadd.s32 $0x12C00, s9;
	s14 =	sadd.s32 $0x3C00, s9;
	s15 =	sadd.s32 $0x7800, s9  }
0x12: {  	v0 =	vimm.f32 $0.0e+00;
	s16 =	sadd.s32 $0xB400, s9;
	s17 =	sadd.s32 $0xF000, s9;
	s26 =	simm.s32 $0x1  }
.LBB2_1:
0x13: {  	s0 =	rddreg [dreg:$0x4]  }
0x14: {  	[tilespmem:s18], [sflag:$0x5] =	stream.linear.gather [hbm4b:s0+s5], $0x2800, $0x38;
	[tilespmem:$0x1E900] =	vst v63  }
0x15: {  	_ =	swait.ge [sflag:s19], $0x2800  }
0x16: {  	[sflag:s19] =	ssyncset.done $0x0  }
0x17: {  	[sflag:s19] =	ssyncadd.s32 $0xFFFFD800  }
0x18: {  	[tilespmem:s21], [sflag:$0x1] =	stream.indirect.gather [hbm4b:s1+s20], $0x80, s18, s20, $0xb8;
	[tilespmem:$0x1E900] =	vst v63  }
0x19: {  	_ = 	snop  }
0x1a: {  	[tilespmem:s22], [sflag:$0x3] =	stream.linear.gather [hbm4b:s8+s5], $0x80, $0x38;
	[tilespmem:$0x1E900] =	vst v63  }
0x1b: {  	s2 =	simm.s32 $0x3C0;
	s0 =	simm.s32 $0x70;
	s25 =	rddreg [dreg:$0x5]  }
0x1c: {  	[tilespmem:s23], [sflag:$0x4] =	stream.linear.gather [hbm4b:s25+s5], $0x80, $0x38;
	[tilespmem:$0x1E900] =	vst v63  }
.LBB2_2:
0x1d: {  	p0 =	sne.s32 s2, $0xF9C0;
	[tilespmem:s0+$0x18000] =	vst v0  }
0x1e: {  	[tilespmem:s0+$0x17F90] =	vst v0  }
0x1f: {  	[tilespmem:s0+$0x17FA0] =	vst v0  }
.Ltmp0:
0x20: {  	[tilespmem:s0+$0x17FB0] =	vst v0;
	(pc) =	sbr.rel @p0 .LBB2_2-.Ltmp0, $4  }
0x21: {  	[tilespmem:s0+$0x17FC0] =	vst v0  }
0x22: {  	[tilespmem:s0+$0x17FD0] =	vst v0  }
0x23: {  	[tilespmem:s0+$0x17FE0] =	vst v0  }
0x24: {  	[tilespmem:s0+$0x17FF0] =	vst v0;
	s0 =	sshra.s32 s2, $0x2;
	s2 =	sadd.s32 $0x200, s2  }
0x25: {  	[tilespmem:s0+$0x18000] =	vst v0  }
0x26: {  	[tilespmem:s0+$0x17F90] =	vst v0  }
0x27: {  	[tilespmem:s0+$0x17FA0] =	vst v0  }
0x28: {  	[tilespmem:s0+$0x17FB0] =	vst v0  }
0x29: {  	[tilespmem:s0+$0x17FC0] =	vst v0  }
0x2a: {  	[tilespmem:s0+$0x17FD0] =	vst v0  }
0x2b: {  	[tilespmem:s0+$0x17FE0] =	vst v0  }
0x2c: {  	[tilespmem:s0+$0x17FF0] =	vst v0  }
0x2d: {  	[spmem:s9] =	stream.linear.scatter [tilespmem:s24], [sflag:$0x5], $0x3C00, $0x38;
	[tilespmem:$0x1E900] =	vst v63  }
0x2e: {  	_ =	swait.ge [sflag:s19], $0x3C00  }
0x2f: {  	[sflag:s19] =	ssyncset.done $0x0  }
0x30: {  	[sflag:s19] =	ssyncadd.s32 $0xFFFFC400  }
0x31: {  	[spmem:s14] =	stream.linear.scatter [tilespmem:s24], [sflag:$0x5], $0x3C00, $0x38;
	[tilespmem:$0x1E900] =	vst v63  }
0x32: {  	_ =	swait.ge [sflag:s19], $0x3C00  }
0x33: {  	[sflag:s19] =	ssyncset.done $0x0  }
0x34: {  	[sflag:s19] =	ssyncadd.s32 $0xFFFFC400  }
0x35: {  	[spmem:s15] =	stream.linear.scatter [tilespmem:s24], [sflag:$0x5], $0x3C00, $0x38;
	[tilespmem:$0x1E900] =	vst v63  }
0x36: {  	_ =	swait.ge [sflag:s19], $0x3C00  }
0x37: {  	[sflag:s19] =	ssyncset.done $0x0  }
0x38: {  	[sflag:s19] =	ssyncadd.s32 $0xFFFFC400  }
0x39: {  	[spmem:s16] =	stream.linear.scatter [tilespmem:s24], [sflag:$0x5], $0x3C00, $0x38;
	[tilespmem:$0x1E900] =	vst v63  }
0x3a: {  	_ =	swait.ge [sflag:s19], $0x3C00  }
0x3b: {  	[sflag:s19] =	ssyncset.done $0x0  }
0x3c: {  	[sflag:s19] =	ssyncadd.s32 $0xFFFFC400  }
0x3d: {  	[spmem:s17] =	stream.linear.scatter [tilespmem:s24], [sflag:$0x5], $0x3C00, $0x38;
	[tilespmem:$0x1E900] =	vst v63  }
0x3e: {  	_ =	swait.ge [sflag:s19], $0x3C00  }
0x3f: {  	[sflag:s19] =	ssyncset.done $0x0  }
0x40: {  	[sflag:s19] =	ssyncadd.s32 $0xFFFFC400  }
0x41: {  	[spmem:s11] =	stream.linear.scatter [tilespmem:s24], [sflag:$0x5], $0x1400, $0x38;
	[tilespmem:$0x1E900] =	vst v63  }
0x42: {  	_ =	swait.ge [sflag:s19], $0x1400  }
0x43: {  	[sflag:s19] =	ssyncset.done $0x0  }
0x44: {  	s7 =	simm.s32 $0x1C080;
	[sflag:s19] =	ssyncadd.s32 $0xFFFFEC00  }
0x45: {  	[tilespmem:s24], [sflag:$0x2] =	stream.indirect.gather [hbm4b:s1+s20], $0x80, s7, s20, $0xb8;
	[tilespmem:$0x1E900] =	vst v63  }
0x46: {  	[bflag:$0x0] =	sbarrier.arrive $0xFFFF  }
0x47: {  	_ =	swait.ge [sflag:s26], $0x3E80  }
0x48: {  	[sflag:s26] =	ssyncset.done $0x0  }
0x49: {  	[sflag:s26] =	ssyncadd.s32 $0xFFFFC180  }
0x4a: {  	_ =	swait.ge [sflag:s28], $0x80  }
0x4b: {  	s10 =	simm.s32 $0x100;
	[sflag:s28] =	ssyncset.done $0x0  }
0x4c: {  	s2 =	sand.u32 $0x7C00, s10;
	[sflag:s28] =	ssyncadd.s32 $0xFFFFFF80  }
0x4d: {  	[spmem:s3] =	stream.indirect.scatter.add.f32 [tilespmem:s21], [sflag:$0x5], $0x80, s22, s20, $0xb8;
	[tilespmem:$0x1E900] =	vst v63  }
0x4e: {  	s0 =	sand.u32 $0x300, s10;
	s25 =	sadd.s32 s4, s2;
	_ =	swait.ge [sflag:s19], $0x3E80  }
0x4f: {  	s0 =	sor.u32 s0, s25;
	[sflag:s19] =	ssyncset.done $0x0  }
0x50: {  	s2 =	simm.s32 $0x1C100;
	s0 =	sshrl.u32 s0, $0x3;
	[sflag:s19] =	ssyncadd.s32 $0xFFFFC180  }
0x51: {  	[tilespmem:s21], [sflag:$0x1] =	stream.indirect.gather [hbm4b:s1+s20], $0x80, s2, s20, $0xb8;
	[tilespmem:$0x1E900] =	vst v63  }
0x52: {  	s0 =	sadd.s32 s6, s0  }
0x53: {  	[tilespmem:s22], [sflag:$0x3] =	stream.linear.gather [hbm4b:s0+s5], $0x80, $0x38;
	[tilespmem:$0x1E900] =	vst v63  }
0x54: {  	_ =	swait.ge [sflag:s29], $0x3E80  }
0x55: {  	[sflag:s29] =	ssyncset.done $0x0  }
0x56: {  	[sflag:s29] =	ssyncadd.s32 $0xFFFFC180  }
0x57: {  	_ =	swait.ge [sflag:s30], $0x80  }
0x58: {  	s0 =	simm.s32 $0x180;
	[sflag:s30] =	ssyncset.done $0x0  }
0x59: {  	s10 =	sand.u32 $0x7C00, s0;
	[sflag:s30] =	ssyncadd.s32 $0xFFFFFF80  }
0x5a: {  	[spmem:s3] =	stream.indirect.scatter.add.f32 [tilespmem:s24], [sflag:$0x5], $0x80, s23, s20, $0xb8;
	[tilespmem:$0x1E900] =	vst v63  }
0x5b: {  	s0 =	sand.u32 $0x380, s0;
	s25 =	sadd.s32 s4, s10;
	_ =	swait.ge [sflag:s19], $0x3E80  }
0x5c: {  	s7 =	simm.s32 $0x1C180;
	s25 =	sor.u32 s0, s25;
	[sflag:s19] =	ssyncset.done $0x0  }
0x5d: {  	s0 =	simm.s32 $0x280;
	s25 =	sshrl.u32 s25, $0x3;
	[sflag:s19] =	ssyncadd.s32 $0xFFFFC180  }
0x5e: {  	[tilespmem:s24], [sflag:$0x2] =	stream.indirect.gather [hbm4b:s1+s20], $0x80, s7, s20, $0xb8;
	[tilespmem:$0x1E900] =	vst v63  }
.LBB2_4:
0x5f: {  	p0 =	sne.s32 s0, $0x2780;
	s25 =	sadd.s32 s6, s25;
	s2 =	sadd.s32 $0x100, s2  }
0x60: {  	[tilespmem:s23], [sflag:$0x4] =	stream.linear.gather [hbm4b:s25+s5], $0x80, $0x38;
	[tilespmem:$0x1E900] =	vst v63  }
0x61: {  	s25 =	smov.u32 s0;
	s0 =	sadd.s32 $0x100, s0;
	_ =	swait.ge [sflag:s26], $0x3E80  }
0x62: {  	[sflag:s26] =	ssyncset.done $0x0  }
0x63: {  	[sflag:s26] =	ssyncadd.s32 $0xFFFFC180  }
0x64: {  	_ =	swait.ge [sflag:s28], $0x80  }
0x65: {  	[sflag:s28] =	ssyncset.done $0x0  }
0x66: {  	s7 =	sadd.s32 $0xFFFFFF80, s25;
	[sflag:s28] =	ssyncadd.s32 $0xFFFFFF80  }
0x67: {  	[spmem:s3] =	stream.indirect.scatter.add.f32 [tilespmem:s21], [sflag:$0x5], $0x80, s22, s20, $0xb8;
	[tilespmem:$0x1E900] =	vst v63  }
0x68: {  	s10 =	sand.u32 $0x7C00, s7;
	_ =	swait.ge [sflag:s19], $0x3E80  }
0x69: {  	s7 =	sand.u32 $0x300, s7;
	s10 =	sadd.s32 s4, s10;
	[sflag:s19] =	ssyncset.done $0x0  }
0x6a: {  	s7 =	sor.u32 s7, s10;
	[sflag:s19] =	ssyncadd.s32 $0xFFFFC180  }
0x6b: {  	[tilespmem:s21], [sflag:$0x1] =	stream.indirect.gather [hbm4b:s1+s20], $0x80, s2, s20, $0xb8;
	[tilespmem:$0x1E900] =	vst v63  }
0x6c: {  	s7 =	sshrl.u32 s7, $0x3  }
0x6d: {  	s7 =	sadd.s32 s6, s7  }
0x6e: {  	[tilespmem:s22], [sflag:$0x3] =	stream.linear.gather [hbm4b:s7+s5], $0x80, $0x38;
	[tilespmem:$0x1E900] =	vst v63  }
0x6f: {  	_ =	swait.ge [sflag:s29], $0x3E80  }
0x70: {  	[sflag:s29] =	ssyncset.done $0x0  }
0x71: {  	[sflag:s29] =	ssyncadd.s32 $0xFFFFC180  }
0x72: {  	_ =	swait.ge [sflag:s30], $0x80  }
0x73: {  	[sflag:s30] =	ssyncset.done $0x0  }
0x74: {  	s7 =	sand.u32 $0x7C00, s25;
	[sflag:s30] =	ssyncadd.s32 $0xFFFFFF80  }
0x75: {  	[spmem:s3] =	stream.indirect.scatter.add.f32 [tilespmem:s24], [sflag:$0x5], $0x80, s23, s20, $0xb8;
	[tilespmem:$0x1E900] =	vst v63  }
.Ltmp1:
0x76: {  	_ = 	snop;
	(pc) =	sbr.rel @p0 .LBB2_4-.Ltmp1, $4  }
0x77: {  	s10 =	sand.u32 $0x380, s25;
	s7 =	sadd.s32 s4, s7;
	_ =	swait.ge [sflag:s19], $0x3E80  }
0x78: {  	s7 =	sor.u32 s10, s7;
	[sflag:s19] =	ssyncset.done $0x0  }
0x79: {  	s10 =	sadd.s32 $0x80, s2;
	s25 =	sshrl.u32 s7, $0x3;
	[sflag:s19] =	ssyncadd.s32 $0xFFFFC180  }
0x7a: {  	[tilespmem:s24], [sflag:$0x2] =	stream.indirect.gather [hbm4b:s1+s20], $0x80, s10, s20, $0xb8;
	[tilespmem:$0x1E900] =	vst v63  }
0x7b: {  	s0 =	sadd.s32 s6, s25  }
0x7c: {  	[tilespmem:s23], [sflag:$0x4] =	stream.linear.gather [hbm4b:s0+s5], $0x80, $0x38;
	[tilespmem:$0x1E900] =	vst v63  }
0x7d: {  	_ =	swait.ge [sflag:s26], $0x3E80  }
0x7e: {  	[sflag:s26] =	ssyncset.done $0x0  }
0x7f: {  	[sflag:s26] =	ssyncadd.s32 $0xFFFFC180  }
0x80: {  	_ =	swait.ge [sflag:s28], $0x80  }
0x81: {  	[sflag:s28] =	ssyncset.done $0x0  }
0x82: {  	[sflag:s28] =	ssyncadd.s32 $0xFFFFFF80  }
0x83: {  	[spmem:s3] =	stream.indirect.scatter.add.f32 [tilespmem:s21], [sflag:$0x5], $0x80, s22, s20, $0xb8;
	[tilespmem:$0x1E900] =	vst v63  }
0x84: {  	_ =	swait.ge [sflag:s19], $0x3E80  }
0x85: {  	[sflag:s19] =	ssyncset.done $0x0  }
0x86: {  	[sflag:s19] =	ssyncadd.s32 $0xFFFFC180  }
0x87: {  	_ =	swait.ge [sflag:s29], $0x3E80  }
0x88: {  	[sflag:s29] =	ssyncset.done $0x0  }
0x89: {  	[sflag:s29] =	ssyncadd.s32 $0xFFFFC180  }
0x8a: {  	_ =	swait.ge [sflag:s30], $0x80  }
0x8b: {  	[sflag:s30] =	ssyncset.done $0x0  }
0x8c: {  	[sflag:s30] =	ssyncadd.s32 $0xFFFFFF80  }
0x8d: {  	[spmem:s3] =	stream.indirect.scatter.add.f32 [tilespmem:s24], [sflag:$0x5], $0x80, s23, s20, $0xb8;
	[tilespmem:$0x1E900] =	vst v63  }
0x8e: {  	s25 =	stileid.u32;
	_ =	swait.ge [sflag:s19], $0x3E80  }
0x8f: {  	s2 =	sshrl.u32 s9, $0x3;
	s31 =	sadd.s32 $0x1, s31;
	[sflag:s19] =	ssyncset.done $0x0  }
0x90: {  	s0 =	sshll.u32 s25, $0x6;
	p0 =	sne.s32 s31, s13;
	[sflag:s19] =	ssyncadd.s32 $0xFFFFC180  }
.Ltmp2:
0x91: {  	s0 =	sor.u32 $0x1C05, s0;
	[bflag:$0x0] =	sbarrier.arrive $0xFFFF;
	(pc) =	sbr.rel @p0 .LBB2_1-.Ltmp2, $4  }
0x92: {  	[hbm:s12], [sflag:s0] =	dma.local [spmem:s2], $0x2800  }
0x93: {  	_ =	swait.ge [sflag:s19], $0x2800  }
0x94: {  	[sflag:s19] =	ssyncset.done $0x0  }
0x95: {  	[sflag:s19] =	ssyncadd.s32 $0xFFFFD800  }
0x96: {  	_ =	sfence.sel $0x180000  }
0x97: {  	[bflag:$0x0] =	sbarrier.arrive $0xFFFF  }
0x98: {  	_ =	strace $0x9000004A  }
0x99: {  	s0 =	stileid.u32;
	[bflag:$0x2] =	sbarrier.arrive $0xFFFF  }
0x9a: {  	p0 =	sne.s32 s0, $0x0;
	s0 =	rddreg [dreg:$0x3]  }
0x9b: {  	s0 =	sadd.s32 @!p0 $0x100000, s0  }
0x9c: {  	[sflag:s0] =	ssyncadd.tile.s32 @!p0 $0x1;
	_ =	shalt  }
.Lfunc_end2:
_tile_overlayer_lowered:
.L_overlay_start_2:
0x9d: {  	(tag) =	ssettag $0x2  }
0x9e: {  	s0 =	rddreg [dreg:$0x0];
	s2 =	stileid.u32  }
0x9f: {  	s1 =	rddreg [dreg:$0x1];
	p0 =	sne.s32 s2, $0x0  }
0xa0: {  	s3 =	rddreg [dreg:$0x2];
	[bflag:$0x3] =	sbarrier.arrive $0xFFFF;
	s2 =	simm.s32 @!p0 $0x1C05  }
0xa1: {  	[timem:s3], [sflag:s2] =	dma.local @!p0 [hbm:s0], s1  }
0xa2: {  	s0 =	simm.s32 @!p0 $0x5  }
0xa3: {  	_ =	swait.ge @!p0 [sflag:s0], s1  }
0xa4: {  	s1 =	ssub.s32 @!p0 $0x0, s1;
	[sflag:s0] =	ssyncset.done @!p0 $0x0  }
0xa5: {  	[sflag:s0] =	ssyncadd.s32 @!p0 s1  }
0xa6: {  	[bflag:$0x3] =	sbarrier.arrive $0xFFFF  }
0xa7: {  	_ =	shalt  }

// kernel: kernel.14.cloned.1.call-start
scs
__scs_entry_jumppad:
0x0: {  	(pc) =	sbr.rel $0x88, $3  }
0x1: {  	(tag) =	ssettag $0x0;
	lr =	simm.s32 $0x1  }
0x2: {  	[smem:$0x3F9B] =	sst lr;
	_ =	strace $0xD0000000  }
0x3: {  	_ = 	snop  }
0x4: {  	_ = 	snop  }
0x5: {  	_ = 	snop  }
0x6: {  	_ = 	snop  }
0x7: {  	_ = 	snop  }
__scs_overlays_trampoline_lowered:
0x8: {  	[smem:$0x3FAA] =	sst s0  }
0x9: {  	[smem:$0x3FAB] =	sst s1  }
0xa: {  	[smem:$0x3FAC] =	sst s2  }
0xb: {  	[smem:$0x3FAD] =	sst s3  }
0xc: {  	[smem:$0x3FAE] =	sst s4  }
0xd: {  	[smem:$0x3FAF] =	sst s5  }
0xe: {  	[smem:$0x3FB0] =	sst s6  }
0xf: {  	[smem:$0x3FB1] =	sst s7  }
0x10: {  	[smem:$0x3FB2] =	sst s8  }
0x11: {  	[smem:$0x3FB3] =	sst s9;
	s0 =	simm.s32 @!p0 $0x0  }
0x12: {  	s1 =	sld [smem:$0x3F99];
	s0 =	simm.s32 @p0 $0x1  }
0x13: {  	[smem:$0x3FB4] =	sst s0;
	s0 =	simm.s32 @!p1 $0x0  }
0x14: {  	s2 =	sld [smem:$0x3F98];
	s0 =	simm.s32 @p1 $0x1  }
0x15: {  	[smem:$0x3FB5] =	sst s0;
	s0 =	simm.s32 @!p2 $0x0  }
0x16: {  	s3 =	sld [smem:$0x3FDB];
	s0 =	simm.s32 @p2 $0x1  }
0x17: {  	s4 =	simm.s32 $0x1BF5;
	[smem:$0x3FB7] =	sst s0  }
0x18: {  	s0 =	sld [smem:$0x3F9A];
	_ =	swait.ge [sflag:s4], $0x0  }
0x19: {  	s7 =	sld [smem:$0x3F9B]  }
0x1a: {  	s8 =	sadd.s32 $0xFFFFE003, lr  }
0x1b: {  	s9 =	sadd.s32 $0xFFFFFEF7, lr;
	s5 =	simm.s32 $0xFFFFFFFF;
	p2 =	slt.u32 s8, $0xFFFFF086  }
0x1c: {  	p1 =	slt.u32 s9, $0xF7A;
	s5 =	simm.s32 @!p2 $0x0  }
0x1d: {  	s5 =	simm.s32 @p1 $0x1;
	p0 =	seq.s32 s7, s2  }
0x1e: {  	s7 =	smul.u32 @!p0 $0xF7A, s2;
	p2 =	seq.s32 @!p0 s5, $0x0  }
0x1f: {  	s9 =	smul.u32 $0xF7A, s1;
	s8 =	simm.s32 @!p0 $0x1BF5;
	p2 =	por !p2, p0  }
0x20: {  	[sflag:s8] =	ssyncset.s32 @!p0 $0xFFFFF086;
	s6 =	sadd.s32 @!p0 s3, s7;
	s7 =	simm.s32 @!p0 $0x108  }
0x21: {  	s3 =	sadd.s32 s3, s9;
	s6 =	sadd.s32 @!p0 $0x88, s6;
	s7 =	simm.s32 @p2 $0x1082  }
0x22: {  	[simem:s7], [sflag:s8] =	dma.local @!p0 [hbm:s6], $0xF7A  }
0x23: {  	s9 =	sor.u32 $0xD0000000, s2;
	s6 =	simm.s32 $0x108;
	_ =	swait.ge @!p0 [sflag:s8], $0x0  }
0x24: {  	s3 =	sadd.s32 $0x88, s3;
	s6 =	simm.s32 @!p1 $0x1082;
	[sflag:s4] =	ssyncset.s32 $0xFFFFF086  }
0x25: {  	[simem:s6], [sflag:s4] =	dma.local [hbm:s3], $0xF7A  }
0x26: {  	[smem:$0x3F9B] =	sst s1;
	(tag) =	ssettag s2;
	_ =	strace s9  }
0x27: {  	s1 =	sld [smem:$0x3FAB]  }
0x28: {  	s2 =	sld [smem:$0x3FAC]  }
0x29: {  	s4 =	sld [smem:$0x3FAE]  }
0x2a: {  	p0 =	seq.s32 s5, $0x0;
	s5 =	sld [smem:$0x3FAF]  }
0x2b: {  	s6 =	sld [smem:$0x3FB0]  }
0x2c: {  	s7 =	sld [smem:$0x3FB1]  }
0x2d: {  	s3 =	simm.s32 $0x108;
	s8 =	sld [smem:$0x3FB2]  }
0x2e: {  	s3 =	simm.s32 @!p0 $0x1082;
	s9 =	sld [smem:$0x3FB3]  }
0x2f: {  	lr =	sadd.s32 s0, s3;
	s0 =	sld [smem:$0x3FAA]  }
0x30: {  	s3 =	sld [smem:$0x3FAD]  }
0x31: {  	[smem:$0x3FB6] =	sst s10  }
0x32: {  	s10 =	sld [smem:$0x3FB4];
	_ =	sdelay $0x3  }
0x33: {  	p0 =	seq.s32 s10, $0x1;
	s10 =	sld [smem:$0x3FB6];
	_ =	sdelay $0x3  }
0x34: {  	[smem:$0x3FB6] =	sst s10  }
0x35: {  	s10 =	sld [smem:$0x3FB5];
	_ =	sdelay $0x3  }
0x36: {  	p1 =	seq.s32 s10, $0x1;
	s10 =	sld [smem:$0x3FB6];
	_ =	sdelay $0x3  }
0x37: {  	[smem:$0x3FB6] =	sst s10  }
0x38: {  	s10 =	sld [smem:$0x3FB7]  }
0x39: {  	_ = 	snop;
	(pc) =	sbr.ind lr, $3  }
0x3a: {  	_ = 	snop  }
0x3b: {  	_ = 	snop  }
0x3c: {  	p2 =	seq.s32 s10, $0x1;
	s10 =	sld [smem:$0x3FB6]  }
0x3d: {  	_ =	shalt  }
0x3e: {  	_ =	shalt  }
0x3f: {  	_ =	shalt  }
0x40: {  	_ =	shalt  }
0x41: {  	_ =	shalt  }
0x42: {  	_ =	shalt  }
0x43: {  	_ =	shalt  }
0x44: {  	_ =	shalt  }
0x45: {  	_ =	shalt  }
0x46: {  	_ =	shalt  }
0x47: {  	_ =	shalt  }
0x48: {  	_ =	shalt  }
0x49: {  	_ =	shalt  }
0x4a: {  	_ =	shalt  }
0x4b: {  	_ =	shalt  }
0x4c: {  	_ =	shalt  }
0x4d: {  	_ =	shalt  }
0x4e: {  	_ =	shalt  }
0x4f: {  	_ =	shalt  }
0x50: {  	_ =	shalt  }
0x51: {  	_ =	shalt  }
0x52: {  	_ =	shalt  }
0x53: {  	_ =	shalt  }
0x54: {  	_ =	shalt  }
0x55: {  	_ =	shalt  }
0x56: {  	_ =	shalt  }
0x57: {  	_ =	shalt  }
0x58: {  	_ =	shalt  }
0x59: {  	_ =	shalt  }
0x5a: {  	_ =	shalt  }
0x5b: {  	_ =	shalt  }
0x5c: {  	_ =	shalt  }
0x5d: {  	_ =	shalt  }
0x5e: {  	_ =	shalt  }
0x5f: {  	_ =	shalt  }
0x60: {  	_ =	shalt  }
0x61: {  	_ =	shalt  }
0x62: {  	_ =	shalt  }
0x63: {  	_ =	shalt  }
0x64: {  	_ =	shalt  }
0x65: {  	_ =	shalt  }
0x66: {  	_ =	shalt  }
0x67: {  	_ =	shalt  }
0x68: {  	_ =	shalt  }
0x69: {  	_ =	shalt  }
0x6a: {  	_ =	shalt  }
0x6b: {  	_ =	shalt  }
0x6c: {  	_ =	shalt  }
0x6d: {  	_ =	shalt  }
0x6e: {  	_ =	shalt  }
0x6f: {  	_ =	shalt  }
0x70: {  	_ =	shalt  }
0x71: {  	_ =	shalt  }
0x72: {  	_ =	shalt  }
0x73: {  	_ =	shalt  }
0x74: {  	_ =	shalt  }
0x75: {  	_ =	shalt  }
0x76: {  	_ =	shalt  }
0x77: {  	_ =	shalt  }
0x78: {  	_ =	shalt  }
0x79: {  	_ =	shalt  }
0x7a: {  	_ =	shalt  }
0x7b: {  	_ =	shalt  }
0x7c: {  	_ =	shalt  }
0x7d: {  	_ =	shalt  }
0x7e: {  	_ =	shalt  }
0x7f: {  	_ =	shalt  }
0x80: {  	_ =	shalt  }
0x81: {  	_ =	shalt  }
0x82: {  	_ =	shalt  }
0x83: {  	_ =	shalt  }
0x84: {  	_ =	shalt  }
0x85: {  	_ =	shalt  }
0x86: {  	_ =	shalt  }
0x87: {  	_ =	shalt  }
.Lfunc_end0:
.L_simem_size_0:
called_computation.2_lowered:
.L_overlay_start_0:
0x88: {  	s2 =	sld [smem:$0x3FD9]  }
0x89: {  	s3 =	sld [smem:$0x3FFE];
	_ =	sdelay $0x1  }
0x8a: {  	s1 =	srdreg.scid  }
0x8b: {  	s0 =	sand.u32 $0x1, s1  }
0x8c: {  	s17 =	sshll.u32 s0, $0xA;
	s2 =	sadd.s32 s3, s2  }
0x8d: {  	s2 =	sadd.s32 s2, s17  }
0x8e: {  	[smem:$0x3FC2] =	sst s2  }
0x8f: {  	_ = 	snop  }
0x90: {  	s2 =	sld [smem:$0x3FD0];
	(tm) =	ssettm $0x1  }
0x91: {  	s18 =	sld [smem:$0x3FFB];
	_ =	sdelay $0x3  }
0x92: {  	_ =	strace s18  }
0x93: {  	s3 =	sld [smem:$0x3FFC];
	_ =	sdelay $0x3  }
0x94: {  	_ =	strace s3  }
0x95: {  	s3 =	sld [smem:$0x3FFD];
	_ =	sdelay $0x3  }
0x96: {  	_ =	strace s3  }
0x97: {  	_ =	strace $0x8FFFFFFF  }
0x98: {  	s19 =	sld [smem:$0x3FDB];
	_ =	sdelay $0x1  }
0x99: {  	s4 =	simm.s32 $_scs_section_size  }
0x9a: {  	s5 =	simm.s32 $_size__tile_overlayer_lowered;
	s6 =	simm.s32 $_tile_overlayer_lowered  }
0x9b: {  	s22 =	simm.s32 $0x1BFF;
	s21 =	sshll.u32 s6, $0x1;
	s3 =	sadd.s32 s4, s19  }
0x9c: {  	s7 =	simm.s32 $0x0;
	s20 =	sshll.u32 s5, $0x1;
	s5 =	sadd.s32 s21, s3  }
0x9d: {  	[timem:s7], [sflag:s22] =	dma.local [hbm:s5], s20  }
0x9e: {  	_ =	swait.ge [sflag:s22], s20  }
0x9f: {  	s4 =	ssub.s32 $0x0, s20;
	[sflag:s22] =	ssyncset.done $0x0  }
0xa0: {  	[sflag:s22] =	ssyncadd.s32 s4;
	_ =	sdelay $0x1  }
0xa1: {  	s23 =	simm.s32 $0x1B8B  }
0xa2: {  	_ =	swait.ge [sflag:s23], $0x1  }
0xa3: {  	[sflag:s23] =	ssyncset.done $0x0  }
0xa4: {  	s25 =	simm.s32 $0x1B8E;
	s24 =	sld [smem:$0x3FFE];
	[sflag:s23] =	ssyncadd.s32 $0xFFFFFFFF  }
0xa5: {  	s26 =	simm.s32 $execute0_lowered;
	[smem:$0x3FD2] =	sst s25  }
0xa6: {  	s5 =	sshll.u32 s26, $0x1;
	_ =	strace $0x8000004C;
	[dreg:$0x1] =	wrdreg $0xFFFFFFFF  }
0xa7: {  	s28 =	simm.s32 $_size_execute0_lowered;
	s3 =	sadd.s32 s3, s5;
	[dreg:$0x0] =	wrdreg $0x0  }
0xa8: {  	s5 =	sshll.u32 s28, $0x1;
	[dreg:$0x2] =	wrdreg s3  }
0xa9: {  	[dreg:$0x3] =	wrdreg s5  }
0xaa: {  	[dreg:$0x4] =	wrdreg $0xC0  }
0xab: {  	_ =	task [dreg:s7], $0x5FFFF  }
0xac: {  	[dreg:$0x1] =	wrdreg $0xFFFFFFFF  }
0xad: {  	[dreg:$0x0] =	wrdreg $0x60  }
0xae: {  	[dreg:$0x2] =	wrdreg s2  }
0xaf: {  	[dreg:$0x3] =	wrdreg s24  }
0xb0: {  	[dreg:$0x4] =	wrdreg $0x0  }
0xb1: {  	[dreg:$0x5] =	wrdreg $0x9  }
0xb2: {  	_ =	task.clear_ibuf [dreg:s7], $0x6FFFF;
	_ =	strace $0x9000004C  }
0xb3: {  	s29 =	simm.s32 $0x9;
	_ =	strace $0x8000004E  }
0xb4: {  	_ =	swait.ge [sflag:s29], $0x1  }
0xb5: {  	[sflag:s29] =	ssyncadd.s32 $0xFFFFFFFF  }
0xb6: {  	_ =	strace $0x9000004E  }
0xb7: {  	_ =	sfence  }
0xb8: {  	s30 =	sld [smem:$0x0];
	_ =	sdelay $0x2  }
0xb9: {  	s31 =	sshll.u32 s1, $0xD;
	s1 =	sshrl.u32 s1, $0x2  }
0xba: {  	s3 =	sand.u32 $0x4000, s31;
	s1 =	sadd.s32 s1, s30  }
0xbb: {  	s0 =	sor.u32 s3, s0;
	s1 =	sshll.u32 s1, $0x11  }
0xbc: {  	s0 =	sor.u32 s1, s0  }
0xbd: {  	s0 =	sadd.s32 $0x8F2B, s0  }
0xbe: {  	[sflag:s0] =	ssyncadd.remote.s32 $0x1  }
0xbf: {  	_ =	sfence.sel $0xFFFF  }
0xc0: {  	[dreg:$0x0] =	wrdreg $0xFFFFFFFF;
	(pc) =	sbr.abs _section_cstart, $3  }
0xc1: {  	[dreg:$0x1] =	wrdreg $0xFFFFFFFF  }
0xc2: {  	_ =	task.clear_ibuf [dreg:s7], $0x2FFFF;
	_ =	strace $0x9FFFFFFF  }
0xc3: {  	(tm) =	ssettm $0x7FFFFFFF  }
tec
execute0_lowered:
.L_overlay_start_1:
0x0: {  	(tag) =	ssettag $0x1  }
0x1: {  	s1 =	rddreg [dreg:$0x0]  }
0x2: {  	s0 =	srdreg.scid;
	s7 =	rddreg [dreg:$0x1]  }
0x3: {  	s10 =	stileid.u32;
	s3 =	rddreg [dreg:$0x2]  }
0x4: {  	s5 =	simm.s32 $0x0;
	s18 =	simm.s32 $0x1C000;
	s19 =	simm.s32 $0x5  }
0x5: {  	s20 =	simm.s32 $0x7D;
	s21 =	simm.s32 $0x14000;
	s22 =	simm.s32 $0x1E800  }
0x6: {  	s23 =	simm.s32 $0x1E880;
	s28 =	simm.s32 $0x3;
	s29 =	simm.s32 $0x2  }
0x7: {  	s30 =	simm.s32 $0x4;
	s31 =	simm.s32 $0x0;
	s6 =	smul.u32 $0x14000, s10  }
0x8: {  	s0 =	sand.u32 $0x1, s0;
	s2 =	sshll.u32 s10, $0x1;
	s10 =	smul.u32 $0x50000, s10  }
0x9: {  	[smem:$0x7FF] =	sst s5;
	s2 =	sor.u32 s0, s2;
	s24 =	smul.u32 $0x140000, s0  }
0xa: {  	_ =	strace $0x8000004D;
	s0 =	ssub.s32 $0x2, s0;
	s4 =	smul.u32 $0x2800, s2  }
0xb: {  	s11 =	sshrl.u32 s0, $0x1;
	s10 =	sshrl.u32 s10, $0x2;
	s2 =	sadd.s32 s6, s24  }
0xc: {  	s6 =	sadd.s32 $0x17800, s7;
	s0 =	ssub.s32 s0, s11;
	s8 =	sshrl.u32 s4, $0x3  }
0xd: {  	s24 =	simm.s32 $0x18000;
	s2 =	sshrl.u32 s2, $0x3;
	s9 =	sadd.s32 s8, s7  }
0xe: {  	s13 =	smax.u32 s0, $0x1;
	s8 =	sadd.s32 s6, s8;
	s25 =	sadd.s32 $0xD800, s9  }
0xf: {  	s2 =	sadd.s32 s2, s7;
	s26 =	sadd.s32 $0x10, s8;
	[dreg:$0x4] =	wrdreg s25  }
0x10: {  	s9 =	sadd.s32 s10, s3;
	s12 =	sadd.s32 $0x21800, s2;
	[dreg:$0x5] =	wrdreg s26  }
0x11: {  	s11 =	sadd.s32 $0x12C00, s9;
	s14 =	sadd.s32 $0x3C00, s9;
	s15 =	sadd.s32 $0x7800, s9  }
0x12: {  	v0 =	vimm.f32 $0.0e+00;
	s16 =	sadd.s32 $0xB400, s9;
	s17 =	sadd.s32 $0xF000, s9;
	s26 =	simm.s32 $0x1  }
.LBB2_1:
0x13: {  	s0 =	rddreg [dreg:$0x4]  }
0x14: {  	[tilespmem:s18], [sflag:$0x5] =	stream.linear.gather [hbm4b:s0+s5], $0x2800, $0x38;
	[tilespmem:$0x1E900] =	vst v63  }
0x15: {  	_ =	swait.ge [sflag:s19], $0x2800  }
0x16: {  	[sflag:s19] =	ssyncset.done $0x0  }
0x17: {  	[sflag:s19] =	ssyncadd.s32 $0xFFFFD800  }
0x18: {  	[tilespmem:s21], [sflag:$0x1] =	stream.indirect.gather [hbm4b:s1+s20], $0x80, s18, s20, $0xb8;
	[tilespmem:$0x1E900] =	vst v63  }
0x19: {  	_ = 	snop  }
0x1a: {  	[tilespmem:s22], [sflag:$0x3] =	stream.linear.gather [hbm4b:s8+s5], $0x80, $0x38;
	[tilespmem:$0x1E900] =	vst v63  }
0x1b: {  	s2 =	simm.s32 $0x3C0;
	s0 =	simm.s32 $0x70;
	s25 =	rddreg [dreg:$0x5]  }
0x1c: {  	[tilespmem:s23], [sflag:$0x4] =	stream.linear.gather [hbm4b:s25+s5], $0x80, $0x38;
	[tilespmem:$0x1E900] =	vst v63  }
.LBB2_2:
0x1d: {  	p0 =	sne.s32 s2, $0xF9C0;
	[tilespmem:s0+$0x18000] =	vst v0  }
0x1e: {  	[tilespmem:s0+$0x17F90] =	vst v0  }
0x1f: {  	[tilespmem:s0+$0x17FA0] =	vst v0  }
.Ltmp0:
0x20: {  	[tilespmem:s0+$0x17FB0] =	vst v0;
	(pc) =	sbr.rel @p0 .LBB2_2-.Ltmp0, $4  }
0x21: {  	[tilespmem:s0+$0x17FC0] =	vst v0  }
0x22: {  	[tilespmem:s0+$0x17FD0] =	vst v0  }
0x23: {  	[tilespmem:s0+$0x17FE0] =	vst v0  }
0x24: {  	[tilespmem:s0+$0x17FF0] =	vst v0;
	s0 =	sshra.s32 s2, $0x2;
	s2 =	sadd.s32 $0x200, s2  }
0x25: {  	[tilespmem:s0+$0x18000] =	vst v0  }
0x26: {  	[tilespmem:s0+$0x17F90] =	vst v0  }
0x27: {  	[tilespmem:s0+$0x17FA0] =	vst v0  }
0x28: {  	[tilespmem:s0+$0x17FB0] =	vst v0  }
0x29: {  	[tilespmem:s0+$0x17FC0] =	vst v0  }
0x2a: {  	[tilespmem:s0+$0x17FD0] =	vst v0  }
0x2b: {  	[tilespmem:s0+$0x17FE0] =	vst v0  }
0x2c: {  	[tilespmem:s0+$0x17FF0] =	vst v0  }
0x2d: {  	[spmem:s9] =	stream.linear.scatter [tilespmem:s24], [sflag:$0x5], $0x3C00, $0x38;
	[tilespmem:$0x1E900] =	vst v63  }
0x2e: {  	_ =	swait.ge [sflag:s19], $0x3C00  }
0x2f: {  	[sflag:s19] =	ssyncset.done $0x0  }
0x30: {  	[sflag:s19] =	ssyncadd.s32 $0xFFFFC400  }
0x31: {  	[spmem:s14] =	stream.linear.scatter [tilespmem:s24], [sflag:$0x5], $0x3C00, $0x38;
	[tilespmem:$0x1E900] =	vst v63  }
0x32: {  	_ =	swait.ge [sflag:s19], $0x3C00  }
0x33: {  	[sflag:s19] =	ssyncset.done $0x0  }
0x34: {  	[sflag:s19] =	ssyncadd.s32 $0xFFFFC400  }
0x35: {  	[spmem:s15] =	stream.linear.scatter [tilespmem:s24], [sflag:$0x5], $0x3C00, $0x38;
	[tilespmem:$0x1E900] =	vst v63  }
0x36: {  	_ =	swait.ge [sflag:s19], $0x3C00  }
0x37: {  	[sflag:s19] =	ssyncset.done $0x0  }
0x38: {  	[sflag:s19] =	ssyncadd.s32 $0xFFFFC400  }
0x39: {  	[spmem:s16] =	stream.linear.scatter [tilespmem:s24], [sflag:$0x5], $0x3C00, $0x38;
	[tilespmem:$0x1E900] =	vst v63  }
0x3a: {  	_ =	swait.ge [sflag:s19], $0x3C00  }
0x3b: {  	[sflag:s19] =	ssyncset.done $0x0  }
0x3c: {  	[sflag:s19] =	ssyncadd.s32 $0xFFFFC400  }
0x3d: {  	[spmem:s17] =	stream.linear.scatter [tilespmem:s24], [sflag:$0x5], $0x3C00, $0x38;
	[tilespmem:$0x1E900] =	vst v63  }
0x3e: {  	_ =	swait.ge [sflag:s19], $0x3C00  }
0x3f: {  	[sflag:s19] =	ssyncset.done $0x0  }
0x40: {  	[sflag:s19] =	ssyncadd.s32 $0xFFFFC400  }
0x41: {  	[spmem:s11] =	stream.linear.scatter [tilespmem:s24], [sflag:$0x5], $0x1400, $0x38;
	[tilespmem:$0x1E900] =	vst v63  }
0x42: {  	_ =	swait.ge [sflag:s19], $0x1400  }
0x43: {  	[sflag:s19] =	ssyncset.done $0x0  }
0x44: {  	s7 =	simm.s32 $0x1C080;
	[sflag:s19] =	ssyncadd.s32 $0xFFFFEC00  }
0x45: {  	[tilespmem:s24], [sflag:$0x2] =	stream.indirect.gather [hbm4b:s1+s20], $0x80, s7, s20, $0xb8;
	[tilespmem:$0x1E900] =	vst v63  }
0x46: {  	[bflag:$0x0] =	sbarrier.arrive $0xFFFF  }
0x47: {  	_ =	swait.ge [sflag:s26], $0x3E80  }
0x48: {  	[sflag:s26] =	ssyncset.done $0x0  }
0x49: {  	[sflag:s26] =	ssyncadd.s32 $0xFFFFC180  }
0x4a: {  	_ =	swait.ge [sflag:s28], $0x80  }
0x4b: {  	s10 =	simm.s32 $0x100;
	[sflag:s28] =	ssyncset.done $0x0  }
0x4c: {  	s2 =	sand.u32 $0x7C00, s10;
	[sflag:s28] =	ssyncadd.s32 $0xFFFFFF80  }
0x4d: {  	[spmem:s3] =	stream.indirect.scatter.add.f32 [tilespmem:s21], [sflag:$0x5], $0x80, s22, s20, $0xb8;
	[tilespmem:$0x1E900] =	vst v63  }
0x4e: {  	s0 =	sand.u32 $0x300, s10;
	s25 =	sadd.s32 s4, s2;
	_ =	swait.ge [sflag:s19], $0x3E80  }
0x4f: {  	s0 =	sor.u32 s0, s25;
	[sflag:s19] =	ssyncset.done $0x0  }
0x50: {  	s2 =	simm.s32 $0x1C100;
	s0 =	sshrl.u32 s0, $0x3;
	[sflag:s19] =	ssyncadd.s32 $0xFFFFC180  }
0x51: {  	[tilespmem:s21], [sflag:$0x1] =	stream.indirect.gather [hbm4b:s1+s20], $0x80, s2, s20, $0xb8;
	[tilespmem:$0x1E900] =	vst v63  }
0x52: {  	s0 =	sadd.s32 s6, s0  }
0x53: {  	[tilespmem:s22], [sflag:$0x3] =	stream.linear.gather [hbm4b:s0+s5], $0x80, $0x38;
	[tilespmem:$0x1E900] =	vst v63  }
0x54: {  	_ =	swait.ge [sflag:s29], $0x3E80  }
0x55: {  	[sflag:s29] =	ssyncset.done $0x0  }
0x56: {  	[sflag:s29] =	ssyncadd.s32 $0xFFFFC180  }
0x57: {  	_ =	swait.ge [sflag:s30], $0x80  }
0x58: {  	s0 =	simm.s32 $0x180;
	[sflag:s30] =	ssyncset.done $0x0  }
0x59: {  	s10 =	sand.u32 $0x7C00, s0;
	[sflag:s30] =	ssyncadd.s32 $0xFFFFFF80  }
0x5a: {  	[spmem:s3] =	stream.indirect.scatter.add.f32 [tilespmem:s24], [sflag:$0x5], $0x80, s23, s20, $0xb8;
	[tilespmem:$0x1E900] =	vst v63  }
0x5b: {  	s0 =	sand.u32 $0x380, s0;
	s25 =	sadd.s32 s4, s10;
	_ =	swait.ge [sflag:s19], $0x3E80  }
0x5c: {  	s7 =	simm.s32 $0x1C180;
	s25 =	sor.u32 s0, s25;
	[sflag:s19] =	ssyncset.done $0x0  }
0x5d: {  	s0 =	simm.s32 $0x280;
	s25 =	sshrl.u32 s25, $0x3;
	[sflag:s19] =	ssyncadd.s32 $0xFFFFC180  }
0x5e: {  	[tilespmem:s24], [sflag:$0x2] =	stream.indirect.gather [hbm4b:s1+s20], $0x80, s7, s20, $0xb8;
	[tilespmem:$0x1E900] =	vst v63  }
.LBB2_4:
0x5f: {  	p0 =	sne.s32 s0, $0x2780;
	s25 =	sadd.s32 s6, s25;
	s2 =	sadd.s32 $0x100, s2  }
0x60: {  	[tilespmem:s23], [sflag:$0x4] =	stream.linear.gather [hbm4b:s25+s5], $0x80, $0x38;
	[tilespmem:$0x1E900] =	vst v63  }
0x61: {  	s25 =	smov.u32 s0;
	s0 =	sadd.s32 $0x100, s0;
	_ =	swait.ge [sflag:s26], $0x3E80  }
0x62: {  	[sflag:s26] =	ssyncset.done $0x0  }
0x63: {  	[sflag:s26] =	ssyncadd.s32 $0xFFFFC180  }
0x64: {  	_ =	swait.ge [sflag:s28], $0x80  }
0x65: {  	[sflag:s28] =	ssyncset.done $0x0  }
0x66: {  	s7 =	sadd.s32 $0xFFFFFF80, s25;
	[sflag:s28] =	ssyncadd.s32 $0xFFFFFF80  }
0x67: {  	[spmem:s3] =	stream.indirect.scatter.add.f32 [tilespmem:s21], [sflag:$0x5], $0x80, s22, s20, $0xb8;
	[tilespmem:$0x1E900] =	vst v63  }
0x68: {  	s10 =	sand.u32 $0x7C00, s7;
	_ =	swait.ge [sflag:s19], $0x3E80  }
0x69: {  	s7 =	sand.u32 $0x300, s7;
	s10 =	sadd.s32 s4, s10;
	[sflag:s19] =	ssyncset.done $0x0  }
0x6a: {  	s7 =	sor.u32 s7, s10;
	[sflag:s19] =	ssyncadd.s32 $0xFFFFC180  }
0x6b: {  	[tilespmem:s21], [sflag:$0x1] =	stream.indirect.gather [hbm4b:s1+s20], $0x80, s2, s20, $0xb8;
	[tilespmem:$0x1E900] =	vst v63  }
0x6c: {  	s7 =	sshrl.u32 s7, $0x3  }
0x6d: {  	s7 =	sadd.s32 s6, s7  }
0x6e: {  	[tilespmem:s22], [sflag:$0x3] =	stream.linear.gather [hbm4b:s7+s5], $0x80, $0x38;
	[tilespmem:$0x1E900] =	vst v63  }
0x6f: {  	_ =	swait.ge [sflag:s29], $0x3E80  }
0x70: {  	[sflag:s29] =	ssyncset.done $0x0  }
0x71: {  	[sflag:s29] =	ssyncadd.s32 $0xFFFFC180  }
0x72: {  	_ =	swait.ge [sflag:s30], $0x80  }
0x73: {  	[sflag:s30] =	ssyncset.done $0x0  }
0x74: {  	s7 =	sand.u32 $0x7C00, s25;
	[sflag:s30] =	ssyncadd.s32 $0xFFFFFF80  }
0x75: {  	[spmem:s3] =	stream.indirect.scatter.add.f32 [tilespmem:s24], [sflag:$0x5], $0x80, s23, s20, $0xb8;
	[tilespmem:$0x1E900] =	vst v63  }
.Ltmp1:
0x76: {  	_ = 	snop;
	(pc) =	sbr.rel @p0 .LBB2_4-.Ltmp1, $4  }
0x77: {  	s10 =	sand.u32 $0x380, s25;
	s7 =	sadd.s32 s4, s7;
	_ =	swait.ge [sflag:s19], $0x3E80  }
0x78: {  	s7 =	sor.u32 s10, s7;
	[sflag:s19] =	ssyncset.done $0x0  }
0x79: {  	s10 =	sadd.s32 $0x80, s2;
	s25 =	sshrl.u32 s7, $0x3;
	[sflag:s19] =	ssyncadd.s32 $0xFFFFC180  }
0x7a: {  	[tilespmem:s24], [sflag:$0x2] =	stream.indirect.gather [hbm4b:s1+s20], $0x80, s10, s20, $0xb8;
	[tilespmem:$0x1E900] =	vst v63  }
0x7b: {  	s0 =	sadd.s32 s6, s25  }
0x7c: {  	[tilespmem:s23], [sflag:$0x4] =	stream.linear.gather [hbm4b:s0+s5], $0x80, $0x38;
	[tilespmem:$0x1E900] =	vst v63  }
0x7d: {  	_ =	swait.ge [sflag:s26], $0x3E80  }
0x7e: {  	[sflag:s26] =	ssyncset.done $0x0  }
0x7f: {  	[sflag:s26] =	ssyncadd.s32 $0xFFFFC180  }
0x80: {  	_ =	swait.ge [sflag:s28], $0x80  }
0x81: {  	[sflag:s28] =	ssyncset.done $0x0  }
0x82: {  	[sflag:s28] =	ssyncadd.s32 $0xFFFFFF80  }
0x83: {  	[spmem:s3] =	stream.indirect.scatter.add.f32 [tilespmem:s21], [sflag:$0x5], $0x80, s22, s20, $0xb8;
	[tilespmem:$0x1E900] =	vst v63  }
0x84: {  	_ =	swait.ge [sflag:s19], $0x3E80  }
0x85: {  	[sflag:s19] =	ssyncset.done $0x0  }
0x86: {  	[sflag:s19] =	ssyncadd.s32 $0xFFFFC180  }
0x87: {  	_ =	swait.ge [sflag:s29], $0x3E80  }
0x88: {  	[sflag:s29] =	ssyncset.done $0x0  }
0x89: {  	[sflag:s29] =	ssyncadd.s32 $0xFFFFC180  }
0x8a: {  	_ =	swait.ge [sflag:s30], $0x80  }
0x8b: {  	[sflag:s30] =	ssyncset.done $0x0  }
0x8c: {  	[sflag:s30] =	ssyncadd.s32 $0xFFFFFF80  }
0x8d: {  	[spmem:s3] =	stream.indirect.scatter.add.f32 [tilespmem:s24], [sflag:$0x5], $0x80, s23, s20, $0xb8;
	[tilespmem:$0x1E900] =	vst v63  }
0x8e: {  	s25 =	stileid.u32;
	_ =	swait.ge [sflag:s19], $0x3E80  }
0x8f: {  	s2 =	sshrl.u32 s9, $0x3;
	s31 =	sadd.s32 $0x1, s31;
	[sflag:s19] =	ssyncset.done $0x0  }
0x90: {  	s0 =	sshll.u32 s25, $0x6;
	p0 =	sne.s32 s31, s13;
	[sflag:s19] =	ssyncadd.s32 $0xFFFFC180  }
.Ltmp2:
0x91: {  	s0 =	sor.u32 $0x1C05, s0;
	[bflag:$0x0] =	sbarrier.arrive $0xFFFF;
	(pc) =	sbr.rel @p0 .LBB2_1-.Ltmp2, $4  }
0x92: {  	[hbm:s12], [sflag:s0] =	dma.local [spmem:s2], $0x2800  }
0x93: {  	_ =	swait.ge [sflag:s19], $0x2800  }
0x94: {  	[sflag:s19] =	ssyncset.done $0x0  }
0x95: {  	[sflag:s19] =	ssyncadd.s32 $0xFFFFD800  }
0x96: {  	_ =	sfence.sel $0x180000  }
0x97: {  	[bflag:$0x0] =	sbarrier.arrive $0xFFFF  }
0x98: {  	_ =	strace $0x9000004D  }
0x99: {  	s0 =	stileid.u32;
	[bflag:$0x2] =	sbarrier.arrive $0xFFFF  }
0x9a: {  	p0 =	sne.s32 s0, $0x0;
	s0 =	rddreg [dreg:$0x3]  }
0x9b: {  	s0 =	sadd.s32 @!p0 $0x100000, s0  }
0x9c: {  	[sflag:s0] =	ssyncadd.tile.s32 @!p0 $0x1;
	_ =	shalt  }
.Lfunc_end2:
_tile_overlayer_lowered:
.L_overlay_start_2:
0x9d: {  	(tag) =	ssettag $0x2  }
0x9e: {  	s0 =	rddreg [dreg:$0x0];
	s2 =	stileid.u32  }
0x9f: {  	s1 =	rddreg [dreg:$0x1];
	p0 =	sne.s32 s2, $0x0  }
0xa0: {  	s3 =	rddreg [dreg:$0x2];
	[bflag:$0x3] =	sbarrier.arrive $0xFFFF;
	s2 =	simm.s32 @!p0 $0x1C05  }
0xa1: {  	[timem:s3], [sflag:s2] =	dma.local @!p0 [hbm:s0], s1  }
0xa2: {  	s0 =	simm.s32 @!p0 $0x5  }
0xa3: {  	_ =	swait.ge @!p0 [sflag:s0], s1  }
0xa4: {  	s1 =	ssub.s32 @!p0 $0x0, s1;
	[sflag:s0] =	ssyncset.done @!p0 $0x0  }
0xa5: {  	[sflag:s0] =	ssyncadd.s32 @!p0 s1  }
0xa6: {  	[bflag:$0x3] =	sbarrier.arrive $0xFFFF  }
0xa7: {  	_ =	shalt  }

// kernel: kernel.8.cloned.1.call-start
scs
__scs_entry_jumppad:
0x0: {  	(pc) =	sbr.rel $0x88, $3  }
0x1: {  	(tag) =	ssettag $0x0;
	lr =	simm.s32 $0x1  }
0x2: {  	[smem:$0x3F9B] =	sst lr;
	_ =	strace $0xD0000000  }
0x3: {  	_ = 	snop  }
0x4: {  	_ = 	snop  }
0x5: {  	_ = 	snop  }
0x6: {  	_ = 	snop  }
0x7: {  	_ = 	snop  }
__scs_overlays_trampoline_lowered:
0x8: {  	[smem:$0x3FAA] =	sst s0  }
0x9: {  	[smem:$0x3FAB] =	sst s1  }
0xa: {  	[smem:$0x3FAC] =	sst s2  }
0xb: {  	[smem:$0x3FAD] =	sst s3  }
0xc: {  	[smem:$0x3FAE] =	sst s4  }
0xd: {  	[smem:$0x3FAF] =	sst s5  }
0xe: {  	[smem:$0x3FB0] =	sst s6  }
0xf: {  	[smem:$0x3FB1] =	sst s7  }
0x10: {  	[smem:$0x3FB2] =	sst s8  }
0x11: {  	[smem:$0x3FB3] =	sst s9;
	s0 =	simm.s32 @!p0 $0x0  }
0x12: {  	s1 =	sld [smem:$0x3F99];
	s0 =	simm.s32 @p0 $0x1  }
0x13: {  	[smem:$0x3FB4] =	sst s0;
	s0 =	simm.s32 @!p1 $0x0  }
0x14: {  	s2 =	sld [smem:$0x3F98];
	s0 =	simm.s32 @p1 $0x1  }
0x15: {  	[smem:$0x3FB5] =	sst s0;
	s0 =	simm.s32 @!p2 $0x0  }
0x16: {  	s3 =	sld [smem:$0x3FDB];
	s0 =	simm.s32 @p2 $0x1  }
0x17: {  	s4 =	simm.s32 $0x1BF5;
	[smem:$0x3FB7] =	sst s0  }
0x18: {  	s0 =	sld [smem:$0x3F9A];
	_ =	swait.ge [sflag:s4], $0x0  }
0x19: {  	s7 =	sld [smem:$0x3F9B]  }
0x1a: {  	s8 =	sadd.s32 $0xFFFFE003, lr  }
0x1b: {  	s9 =	sadd.s32 $0xFFFFFEF7, lr;
	s5 =	simm.s32 $0xFFFFFFFF;
	p2 =	slt.u32 s8, $0xFFFFF086  }
0x1c: {  	p1 =	slt.u32 s9, $0xF7A;
	s5 =	simm.s32 @!p2 $0x0  }
0x1d: {  	s5 =	simm.s32 @p1 $0x1;
	p0 =	seq.s32 s7, s2  }
0x1e: {  	s7 =	smul.u32 @!p0 $0xF7A, s2;
	p2 =	seq.s32 @!p0 s5, $0x0  }
0x1f: {  	s9 =	smul.u32 $0xF7A, s1;
	s8 =	simm.s32 @!p0 $0x1BF5;
	p2 =	por !p2, p0  }
0x20: {  	[sflag:s8] =	ssyncset.s32 @!p0 $0xFFFFF086;
	s6 =	sadd.s32 @!p0 s3, s7;
	s7 =	simm.s32 @!p0 $0x108  }
0x21: {  	s3 =	sadd.s32 s3, s9;
	s6 =	sadd.s32 @!p0 $0x88, s6;
	s7 =	simm.s32 @p2 $0x1082  }
0x22: {  	[simem:s7], [sflag:s8] =	dma.local @!p0 [hbm:s6], $0xF7A  }
0x23: {  	s9 =	sor.u32 $0xD0000000, s2;
	s6 =	simm.s32 $0x108;
	_ =	swait.ge @!p0 [sflag:s8], $0x0  }
0x24: {  	s3 =	sadd.s32 $0x88, s3;
	s6 =	simm.s32 @!p1 $0x1082;
	[sflag:s4] =	ssyncset.s32 $0xFFFFF086  }
0x25: {  	[simem:s6], [sflag:s4] =	dma.local [hbm:s3], $0xF7A  }
0x26: {  	[smem:$0x3F9B] =	sst s1;
	(tag) =	ssettag s2;
	_ =	strace s9  }
0x27: {  	s1 =	sld [smem:$0x3FAB]  }
0x28: {  	s2 =	sld [smem:$0x3FAC]  }
0x29: {  	s4 =	sld [smem:$0x3FAE]  }
0x2a: {  	p0 =	seq.s32 s5, $0x0;
	s5 =	sld [smem:$0x3FAF]  }
0x2b: {  	s6 =	sld [smem:$0x3FB0]  }
0x2c: {  	s7 =	sld [smem:$0x3FB1]  }
0x2d: {  	s3 =	simm.s32 $0x108;
	s8 =	sld [smem:$0x3FB2]  }
0x2e: {  	s3 =	simm.s32 @!p0 $0x1082;
	s9 =	sld [smem:$0x3FB3]  }
0x2f: {  	lr =	sadd.s32 s0, s3;
	s0 =	sld [smem:$0x3FAA]  }
0x30: {  	s3 =	sld [smem:$0x3FAD]  }
0x31: {  	[smem:$0x3FB6] =	sst s10  }
0x32: {  	s10 =	sld [smem:$0x3FB4];
	_ =	sdelay $0x3  }
0x33: {  	p0 =	seq.s32 s10, $0x1;
	s10 =	sld [smem:$0x3FB6];
	_ =	sdelay $0x3  }
0x34: {  	[smem:$0x3FB6] =	sst s10  }
0x35: {  	s10 =	sld [smem:$0x3FB5];
	_ =	sdelay $0x3  }
0x36: {  	p1 =	seq.s32 s10, $0x1;
	s10 =	sld [smem:$0x3FB6];
	_ =	sdelay $0x3  }
0x37: {  	[smem:$0x3FB6] =	sst s10  }
0x38: {  	s10 =	sld [smem:$0x3FB7]  }
0x39: {  	_ = 	snop;
	(pc) =	sbr.ind lr, $3  }
0x3a: {  	_ = 	snop  }
0x3b: {  	_ = 	snop  }
0x3c: {  	p2 =	seq.s32 s10, $0x1;
	s10 =	sld [smem:$0x3FB6]  }
0x3d: {  	_ =	shalt  }
0x3e: {  	_ =	shalt  }
0x3f: {  	_ =	shalt  }
0x40: {  	_ =	shalt  }
0x41: {  	_ =	shalt  }
0x42: {  	_ =	shalt  }
0x43: {  	_ =	shalt  }
0x44: {  	_ =	shalt  }
0x45: {  	_ =	shalt  }
0x46: {  	_ =	shalt  }
0x47: {  	_ =	shalt  }
0x48: {  	_ =	shalt  }
0x49: {  	_ =	shalt  }
0x4a: {  	_ =	shalt  }
0x4b: {  	_ =	shalt  }
0x4c: {  	_ =	shalt  }
0x4d: {  	_ =	shalt  }
0x4e: {  	_ =	shalt  }
0x4f: {  	_ =	shalt  }
0x50: {  	_ =	shalt  }
0x51: {  	_ =	shalt  }
0x52: {  	_ =	shalt  }
0x53: {  	_ =	shalt  }
0x54: {  	_ =	shalt  }
0x55: {  	_ =	shalt  }
0x56: {  	_ =	shalt  }
0x57: {  	_ =	shalt  }
0x58: {  	_ =	shalt  }
0x59: {  	_ =	shalt  }
0x5a: {  	_ =	shalt  }
0x5b: {  	_ =	shalt  }
0x5c: {  	_ =	shalt  }
0x5d: {  	_ =	shalt  }
0x5e: {  	_ =	shalt  }
0x5f: {  	_ =	shalt  }
0x60: {  	_ =	shalt  }
0x61: {  	_ =	shalt  }
0x62: {  	_ =	shalt  }
0x63: {  	_ =	shalt  }
0x64: {  	_ =	shalt  }
0x65: {  	_ =	shalt  }
0x66: {  	_ =	shalt  }
0x67: {  	_ =	shalt  }
0x68: {  	_ =	shalt  }
0x69: {  	_ =	shalt  }
0x6a: {  	_ =	shalt  }
0x6b: {  	_ =	shalt  }
0x6c: {  	_ =	shalt  }
0x6d: {  	_ =	shalt  }
0x6e: {  	_ =	shalt  }
0x6f: {  	_ =	shalt  }
0x70: {  	_ =	shalt  }
0x71: {  	_ =	shalt  }
0x72: {  	_ =	shalt  }
0x73: {  	_ =	shalt  }
0x74: {  	_ =	shalt  }
0x75: {  	_ =	shalt  }
0x76: {  	_ =	shalt  }
0x77: {  	_ =	shalt  }
0x78: {  	_ =	shalt  }
0x79: {  	_ =	shalt  }
0x7a: {  	_ =	shalt  }
0x7b: {  	_ =	shalt  }
0x7c: {  	_ =	shalt  }
0x7d: {  	_ =	shalt  }
0x7e: {  	_ =	shalt  }
0x7f: {  	_ =	shalt  }
0x80: {  	_ =	shalt  }
0x81: {  	_ =	shalt  }
0x82: {  	_ =	shalt  }
0x83: {  	_ =	shalt  }
0x84: {  	_ =	shalt  }
0x85: {  	_ =	shalt  }
0x86: {  	_ =	shalt  }
0x87: {  	_ =	shalt  }
.Lfunc_end0:
.L_simem_size_0:
called_computation_lowered:
.L_overlay_start_0:
0x88: {  	s2 =	sld [smem:$0x3FD9]  }
0x89: {  	s3 =	sld [smem:$0x3FFE];
	_ =	sdelay $0x1  }
0x8a: {  	s1 =	srdreg.scid  }
0x8b: {  	s0 =	sand.u32 $0x1, s1  }
0x8c: {  	s17 =	sshll.u32 s0, $0xA;
	s2 =	sadd.s32 s3, s2  }
0x8d: {  	s2 =	sadd.s32 s2, s17  }
0x8e: {  	[smem:$0x3FC2] =	sst s2  }
0x8f: {  	_ = 	snop  }
0x90: {  	s2 =	sld [smem:$0x3FD0];
	(tm) =	ssettm $0x1  }
0x91: {  	s18 =	sld [smem:$0x3FFB];
	_ =	sdelay $0x3  }
0x92: {  	_ =	strace s18  }
0x93: {  	s3 =	sld [smem:$0x3FFC];
	_ =	sdelay $0x3  }
0x94: {  	_ =	strace s3  }
0x95: {  	s3 =	sld [smem:$0x3FFD];
	_ =	sdelay $0x3  }
0x96: {  	_ =	strace s3  }
0x97: {  	_ =	strace $0x8FFFFFFF  }
0x98: {  	s19 =	sld [smem:$0x3FDB];
	_ =	sdelay $0x1  }
0x99: {  	s4 =	simm.s32 $_scs_section_size  }
0x9a: {  	s5 =	simm.s32 $_size__tile_overlayer_lowered;
	s6 =	simm.s32 $_tile_overlayer_lowered  }
0x9b: {  	s22 =	simm.s32 $0x1BFF;
	s21 =	sshll.u32 s6, $0x1;
	s3 =	sadd.s32 s4, s19  }
0x9c: {  	s7 =	simm.s32 $0x0;
	s20 =	sshll.u32 s5, $0x1;
	s5 =	sadd.s32 s21, s3  }
0x9d: {  	[timem:s7], [sflag:s22] =	dma.local [hbm:s5], s20  }
0x9e: {  	_ =	swait.ge [sflag:s22], s20  }
0x9f: {  	s4 =	ssub.s32 $0x0, s20;
	[sflag:s22] =	ssyncset.done $0x0  }
0xa0: {  	[sflag:s22] =	ssyncadd.s32 s4;
	_ =	sdelay $0x1  }
0xa1: {  	s23 =	simm.s32 $0x1B8B  }
0xa2: {  	_ =	swait.ge [sflag:s23], $0x1  }
0xa3: {  	[sflag:s23] =	ssyncset.done $0x0  }
0xa4: {  	s25 =	simm.s32 $0x1B8E;
	s24 =	sld [smem:$0x3FFE];
	[sflag:s23] =	ssyncadd.s32 $0xFFFFFFFF  }
0xa5: {  	s26 =	simm.s32 $execute0_lowered;
	[smem:$0x3FD2] =	sst s25  }
0xa6: {  	s5 =	sshll.u32 s26, $0x1;
	_ =	strace $0x80000046;
	[dreg:$0x1] =	wrdreg $0xFFFFFFFF  }
0xa7: {  	s28 =	simm.s32 $_size_execute0_lowered;
	s3 =	sadd.s32 s3, s5;
	[dreg:$0x0] =	wrdreg $0x0  }
0xa8: {  	s5 =	sshll.u32 s28, $0x1;
	[dreg:$0x2] =	wrdreg s3  }
0xa9: {  	[dreg:$0x3] =	wrdreg s5  }
0xaa: {  	[dreg:$0x4] =	wrdreg $0xC0  }
0xab: {  	_ =	task [dreg:s7], $0x5FFFF  }
0xac: {  	[dreg:$0x1] =	wrdreg $0xFFFFFFFF  }
0xad: {  	[dreg:$0x0] =	wrdreg $0x60  }
0xae: {  	[dreg:$0x2] =	wrdreg s24  }
0xaf: {  	[dreg:$0x3] =	wrdreg s2  }
0xb0: {  	[dreg:$0x4] =	wrdreg $0x0  }
0xb1: {  	[dreg:$0x5] =	wrdreg $0x28000  }
0xb2: {  	[dreg:$0x6] =	wrdreg $0x9  }
0xb3: {  	_ =	task.clear_ibuf [dreg:s7], $0x7FFFF;
	_ =	strace $0x90000046  }
0xb4: {  	s29 =	simm.s32 $0x9;
	_ =	strace $0x80000048  }
0xb5: {  	_ =	swait.ge [sflag:s29], $0x1  }
0xb6: {  	[sflag:s29] =	ssyncadd.s32 $0xFFFFFFFF  }
0xb7: {  	_ =	strace $0x90000048  }
0xb8: {  	_ =	sfence  }
0xb9: {  	s30 =	sld [smem:$0x0];
	_ =	sdelay $0x2  }
0xba: {  	s31 =	sshll.u32 s1, $0xD;
	s1 =	sshrl.u32 s1, $0x2  }
0xbb: {  	s3 =	sand.u32 $0x4000, s31;
	s1 =	sadd.s32 s1, s30  }
0xbc: {  	s0 =	sor.u32 s3, s0;
	s1 =	sshll.u32 s1, $0x11  }
0xbd: {  	s0 =	sor.u32 s1, s0  }
0xbe: {  	s0 =	sadd.s32 $0x8F2B, s0  }
0xbf: {  	[sflag:s0] =	ssyncadd.remote.s32 $0x1  }
0xc0: {  	_ =	sfence.sel $0xFFFF  }
0xc1: {  	[dreg:$0x0] =	wrdreg $0xFFFFFFFF;
	(pc) =	sbr.abs _section_cstart, $3  }
0xc2: {  	[dreg:$0x1] =	wrdreg $0xFFFFFFFF  }
0xc3: {  	_ =	task.clear_ibuf [dreg:s7], $0x2FFFF;
	_ =	strace $0x9FFFFFFF  }
0xc4: {  	(tm) =	ssettm $0x7FFFFFFF  }
0xc5: {  	_ =	shalt  }
tec
execute0_lowered:
.L_overlay_start_1:
0x0: {  	(tag) =	ssettag $0x1  }
0x1: {  	s3 =	rddreg [dreg:$0x0]  }
0x2: {  	s4 =	rddreg [dreg:$0x1]  }
0x3: {  	s7 =	rddreg [dreg:$0x2]  }
0x4: {  	s9 =	rddreg [dreg:$0x3]  }
0x5: {  	s0 =	rddreg [dreg:$0x4];
	s2 =	srdreg.scid  }
0x6: {  	s1 =	stileid.u32;
	s15 =	simm.s32 $0x5000;
	s16 =	simm.s32 $0x7800  }
0x7: {  	s17 =	simm.s32 $0x80;
	s18 =	simm.s32 $0x400;
	s19 =	simm.s32 $0x100  }
0x8: {  	s20 =	simm.s32 $0x11700;
	s5 =	sand.u32 $0x1, s2;
	s6 =	sshll.u32 s1, $0x1  }
0x9: {  	s8 =	smul.u32 $0x500, s1;
	s2 =	simm.s32 $0x0;
	s28 =	sshrl.u32 s1, $0x3  }
0xa: {  	s30 =	sshll.u32 s1, $0x7;
	s14 =	smul.u32 $0x5000, s1;
	s6 =	sor.u32 s5, s6  }
0xb: {  	s10 =	sshll.u32 s5, $0x7;
	[smem:$0x7FF] =	sst s2;
	s29 =	smul.u32 $0x14000, s28  }
0xc: {  	s5 =	ssub.s32 $0x2, s5;
	s13 =	sand.u32 $0x380, s30;
	s6 =	smul.u32 $0x4E2, s6  }
0xd: {  	s8 =	sor.u32 s10, s8;
	_ =	strace $0x80000047;
	s12 =	sshrl.u32 s5, $0x1  }
0xe: {  	s31 =	sshrl.u32 s14, $0x2;
	s14 =	simm.s32 $0xC780;
	s8 =	sshrl.u32 s8, $0x3  }
0xf: {  	s12 =	ssub.s32 s5, s12;
	s26 =	sadd.s32 s6, s3;
	s11 =	sadd.s32 s8, s3  }
0x10: {  	s8 =	sor.u32 s13, s29;
	s4 =	sadd.s32 s4, s6;
	s13 =	simm.s32 $0x1  }
0x11: {  	s3 =	sadd.s32 $0x2600, s26;
	s5 =	sadd.s32 s8, s7;
	s6 =	sadd.s32 s8, s9  }
0x12: {  	s7 =	sadd.s32 s31, s7;
	s8 =	sadd.s32 $0xC400, s11;
	s9 =	sadd.s32 s31, s9  }
0x13: {  	v0 =	vimm.f32 $0.0e+00;
	v1 =	vimm.f32 $1.000000000e+00;
	s10 =	sadd.s32 $0xCE00, s11;
	s11 =	smax.u32 s12, $0x1;
	s12 =	simm.s32 $0xA000  }
.LBB2_1:
0x14: {  	s21 =	simm.s32 $0x40;
	s22 =	simm.s32 $0x0  }
.LBB2_2:
0x15: {  	p0 =	sne.s32 s21, $0x9FC0;
	[tilespmem:s22+$0x5000] =	vst v0;
	s23 =	smov.u32 s21;
	s21 =	sadd.s32 $0x40, s21  }
.Ltmp0:
0x16: {  	[tilespmem:s22+$0x7800] =	vst v0;
	(pc) =	sbr.rel @p0 .LBB2_2-.Ltmp0, $2  }
0x17: {  	_ =	sdelay $0x2  }
0x18: {  	s22 =	sshra.s32 s23, $0x2  }
0x19: {  	[tilespmem:s22+$0x5000] =	vst v0  }
0x1a: {  	[tilespmem:s22+$0x7800] =	vst v0;
	s21 =	simm.s32 $0x0  }
0x1b: {  	[tilespmem:s12], [sflag:$0x1] =	stream.linear.gather [hbm4b:s3+s21], $0x2710, $0x38;
	[tilespmem:$0x11980] =	vst v63  }
0x1c: {  	_ =	swait.ge [sflag:s13], $0x2710  }
0x1d: {  	[sflag:s13] =	ssyncset.done $0x0  }
0x1e: {  	[sflag:s13] =	ssyncadd.s32 $0xFFFFD8F0  }
0x1f: {  	[tilespmem:s14], [sflag:$0x1] =	stream.linear.gather [hbm4b:s4+s21], $0x2710, $0x38;
	[tilespmem:$0x11980] =	vst v63  }
0x20: {  	_ =	swait.ge [sflag:s13], $0x2710  }
0x21: {  	[sflag:s13] =	ssyncset.done $0x0  }
0x22: {  	s22 =	simm.s32 $0x0;
	s21 =	simm.s32 $0x40;
	[sflag:s13] =	ssyncadd.s32 $0xFFFFD8F0  }
.LBB2_4:
0x23: {  	p0 =	sne.s32 s21, $0x9C00;
	v2 =	vld [tilespmem:s22+$0xA000];
	_ =	sdelay $0x7  }
0x24: {  	[tilespmem:v2+s15+$0x0] =	vst.idx.add.f32.msk $0xffff, v1  }
0x25: {  	v2 =	vld [tilespmem:s22+$0xC780];
	_ =	sdelay $0x3  }
.Ltmp1:
0x26: {  	(pc) =	sbr.rel @p0 .LBB2_4-.Ltmp1, $2  }
0x27: {  	_ =	sdelay $0x2  }
0x28: {  	s22 =	sshra.s32 s21, $0x2;
	s21 =	sadd.s32 $0x40, s21;
	[tilespmem:v2+s16+$0x0] =	vst.idx.add.f32.msk $0xffff, v1  }
0x29: {  	v2 =	vld [tilespmem:s22+$0xA000];
	_ =	sdelay $0x7  }
0x2a: {  	[tilespmem:v2+s15+$0x0] =	vst.idx.add.f32.msk $0xffff, v1  }
0x2b: {  	v2 =	vld [tilespmem:s22+$0xC780];
	_ =	sdelay $0x7  }
0x2c: {  	[tilespmem:v2+s16+$0x0] =	vst.idx.add.f32.msk $0xffff, v1  }
0x2d: {  	[spmem:s5] =	stream.strided.scatter [tilespmem:s15], [sflag:$0x1], $0x2800, s18, s17, $0x38;
	[tilespmem:$0x11980] =	vst v63  }
0x2e: {  	s21 =	simm.s32 $0x0;
	_ =	swait.ge [sflag:s13], $0x2800  }
0x2f: {  	s31 =	smul.u32 $0x5000, s21;
	[sflag:s13] =	ssyncset.done $0x0  }
0x30: {  	s23 =	smul.u32 $0x50000, s21;
	s21 =	simm.s32 $0x0;
	[sflag:s13] =	ssyncadd.s32 $0xFFFFD800  }
0x31: {  	[spmem:s6] =	stream.strided.scatter [tilespmem:s16], [sflag:$0x1], $0x2800, s18, s17, $0x38;
	[tilespmem:$0x11980] =	vst v63  }
0x32: {  	s24 =	sand.u32 $0x380, s21;
	_ =	swait.ge [sflag:s13], $0x2800  }
0x33: {  	s23 =	sshra.s32 s23, $0x2;
	s22 =	sshra.s32 s31, $0x2;
	[sflag:s13] =	ssyncset.done $0x0  }
0x34: {  	s23 =	sadd.s32 s23, s7;
	s22 =	sor.u32 s24, s22;
	[sflag:s13] =	ssyncadd.s32 $0xFFFFD800  }
0x35: {  	s23 =	sadd.s32 s24, s23;
	s25 =	sadd.s32 $0xEF00, s22;
	[bflag:$0x0] =	sbarrier.arrive $0xFFFF  }
0x36: {  	[tilespmem:s25], [sflag:$0x1] =	stream.linear.gather [spmem:s23], $0x80, $0x38;
	[tilespmem:$0x11980] =	vst v63  }
0x37: {  	s26 =	sadd.s32 $0x400, s23;
	s25 =	sadd.s32 $0xF300, s22  }
0x38: {  	[tilespmem:s25], [sflag:$0x1] =	stream.linear.gather [spmem:s26], $0x80, $0x38;
	[tilespmem:$0x11980] =	vst v63  }
0x39: {  	s28 =	sadd.s32 $0x800, s23;
	s29 =	sadd.s32 $0xF700, s22  }
0x3a: {  	[tilespmem:s29], [sflag:$0x1] =	stream.linear.gather [spmem:s28], $0x80, $0x38;
	[tilespmem:$0x11980] =	vst v63  }
0x3b: {  	s30 =	sadd.s32 $0xC00, s23;
	s24 =	simm.s32 $0x2;
	s31 =	sadd.s32 $0xFB00, s22  }
0x3c: {  	[tilespmem:s31], [sflag:$0x1] =	stream.linear.gather [spmem:s30], $0x80, $0x38;
	[tilespmem:$0x11980] =	vst v63  }
0x3d: {  	s23 =	sadd.s32 $0x1000, s23;
	s22 =	sadd.s32 $0xFF00, s22;
	s25 =	simm.s32 $0x0  }
0x3e: {  	[tilespmem:s22], [sflag:$0x1] =	stream.linear.gather [spmem:s23], $0x80, $0x38;
	[tilespmem:$0x11980] =	vst v63  }
0x3f: {  	s23 =	smul.u32 $0x5000, s25;
	s22 =	simm.s32 $0x80;
	_ =	swait.ge [sflag:s13], $0x280  }
.LBB2_6:
0x40: {  	s25 =	smul.u32 $0x50000, s25  }
0x41: {  	[sflag:s13] =	ssyncset.done $0x0;
	s26 =	smov.u32 s24;
	s28 =	sadd.s32 $0x1, s24  }
0x42: {  	s29 =	sand.u32 $0x380, s22;
	s23 =	sshra.s32 s23, $0x2;
	[sflag:s13] =	ssyncadd.s32 $0xFFFFFD80  }
0x43: {  	p0 =	sne.s32 s24, $0xF;
	s23 =	sor.u32 s29, s23;
	s24 =	sshra.s32 s25, $0x2  }
0x44: {  	s25 =	sadd.s32 $0xEF00, s23;
	s24 =	sadd.s32 s24, s7  }
0x45: {  	s24 =	sadd.s32 s29, s24;
	s29 =	sadd.s32 $0xF300, s23  }
0x46: {  	[tilespmem:s25], [sflag:$0x1] =	stream.linear.gather [spmem:s24], $0x80, $0x38;
	[tilespmem:$0x11980] =	vst v63  }
0x47: {  	s31 =	sadd.s32 $0xF700, s23;
	s25 =	sadd.s32 $0x400, s24;
	s30 =	sadd.s32 $0x800, s24  }
0x48: {  	[tilespmem:s29], [sflag:$0x1] =	stream.linear.gather [spmem:s25], $0x80, $0x38;
	[tilespmem:$0x11980] =	vst v63  }
0x49: {  	s25 =	sadd.s32 $0xC00, s24;
	s29 =	sadd.s32 $0xFB00, s23  }
0x4a: {  	[tilespmem:s31], [sflag:$0x1] =	stream.linear.gather [spmem:s30], $0x80, $0x38;
	[tilespmem:$0x11980] =	vst v63  }
.Ltmp2:
0x4b: {  	s24 =	sadd.s32 $0x1000, s24;
	s23 =	sadd.s32 $0xFF00, s23;
	(pc) =	sbr.rel @p0 .LBB2_6-.Ltmp2, $4  }
0x4c: {  	[tilespmem:s29], [sflag:$0x1] =	stream.linear.gather [spmem:s25], $0x80, $0x38;
	[tilespmem:$0x11980] =	vst v63  }
0x4d: {  	s22 =	sadd.s32 $0x80, s22;
	s25 =	sshrl.u32 s26, $0x3  }
0x4e: {  	[tilespmem:s23], [sflag:$0x1] =	stream.linear.gather [spmem:s24], $0x80, $0x38;
	[tilespmem:$0x11980] =	vst v63  }
0x4f: {  	s23 =	smul.u32 $0x5000, s25;
	s24 =	smov.u32 s28;
	_ =	swait.ge [sflag:s13], $0x280  }
0x50: {  	s24 =	smul.u32 $0x50000, s25;
	_ =	sdelay $0x1  }
0x51: {  	s22 =	sand.u32 $0x380, s22;
	s23 =	sshra.s32 s23, $0x2;
	s24 =	sshra.s32 s24, $0x2  }
0x52: {  	[sflag:s13] =	ssyncset.done $0x0;
	s23 =	sor.u32 s22, s23;
	s24 =	sadd.s32 s24, s7  }
0x53: {  	[sflag:s13] =	ssyncadd.s32 $0xFFFFFD80;
	s26 =	sadd.s32 $0xEF00, s23;
	s22 =	sadd.s32 s22, s24  }
0x54: {  	[tilespmem:s26], [sflag:$0x1] =	stream.linear.gather [spmem:s22], $0x80, $0x38;
	[tilespmem:$0x11980] =	vst v63  }
0x55: {  	s28 =	sadd.s32 $0xF300, s23;
	s29 =	sadd.s32 $0x400, s22  }
0x56: {  	[tilespmem:s28], [sflag:$0x1] =	stream.linear.gather [spmem:s29], $0x80, $0x38;
	[tilespmem:$0x11980] =	vst v63  }
0x57: {  	s31 =	sadd.s32 $0xF700, s23;
	s30 =	sadd.s32 $0x800, s22  }
0x58: {  	[tilespmem:s31], [sflag:$0x1] =	stream.linear.gather [spmem:s30], $0x80, $0x38;
	[tilespmem:$0x11980] =	vst v63  }
0x59: {  	s25 =	sadd.s32 $0xC00, s22;
	s26 =	sadd.s32 $0xFB00, s23  }
0x5a: {  	[tilespmem:s26], [sflag:$0x1] =	stream.linear.gather [spmem:s25], $0x80, $0x38;
	[tilespmem:$0x11980] =	vst v63  }
0x5b: {  	s22 =	sadd.s32 $0x1000, s22;
	s23 =	sadd.s32 $0xFF00, s23  }
0x5c: {  	[tilespmem:s23], [sflag:$0x1] =	stream.linear.gather [spmem:s22], $0x80, $0x38;
	[tilespmem:$0x11980] =	vst v63  }
0x5d: {  	_ =	swait.ge [sflag:s13], $0x280  }
0x5e: {  	s28 =	sand.u32 $0x70, s21;
	s29 =	sand.u32 $0x1C00, s21;
	[sflag:s13] =	ssyncset.done $0x0  }
0x5f: {  	s21 =	sor.u32 s28, s29;
	[sflag:s13] =	ssyncadd.s32 $0xFFFFFD80  }
0x60: {  	v2 =	vld [tilespmem:s21+$0xEF80]  }
0x61: {  	v3 =	vld [tilespmem:s21+$0xEF00];
	_ =	sdelay $0x1  }
0x62: {  	v4 =	vld [tilespmem:s21+$0xF000];
	_ =	sdelay $0x1  }
0x63: {  	v5 =	vld [tilespmem:s21+$0xF080]  }
0x64: {  	v2 =	vadd.f32 v2, v3  }
0x65: {  	v3 =	vld [tilespmem:s21+$0xF100]  }
0x66: {  	v2 =	vadd.f32 v4, v2  }
0x67: {  	v56 =	vld [tilespmem:s21+$0xF180]  }
0x68: {  	v2 =	vadd.f32 v5, v2  }
0x69: {  	v57 =	vld [tilespmem:s21+$0xF200]  }
0x6a: {  	v2 =	vadd.f32 v3, v2  }
0x6b: {  	v3 =	vld [tilespmem:s21+$0xF280]  }
0x6c: {  	v2 =	vadd.f32 v56, v2  }
0x6d: {  	v58 =	vld [tilespmem:s21+$0x10300]  }
0x6e: {  	v2 =	vadd.f32 v57, v2  }
0x6f: {  	v59 =	vld [tilespmem:s21+$0x10380]  }
0x70: {  	v2 =	vadd.f32 v3, v2  }
0x71: {  	v3 =	vld [tilespmem:s21+$0x10400]  }
0x72: {  	v2 =	vadd.f32 v58, v2  }
0x73: {  	v60 =	vld [tilespmem:s21+$0x10480]  }
0x74: {  	v2 =	vadd.f32 v59, v2  }
0x75: {  	v61 =	vld [tilespmem:s21+$0x10500]  }
0x76: {  	v2 =	vadd.f32 v3, v2  }
0x77: {  	v3 =	vld [tilespmem:s21+$0x10580]  }
0x78: {  	v2 =	vadd.f32 v60, v2  }
0x79: {  	v62 =	vld [tilespmem:s21+$0x10600]  }
0x7a: {  	v2 =	vadd.f32 v61, v2  }
0x7b: {  	v63 =	vld [tilespmem:s21+$0x10680]  }
0x7c: {  	v2 =	vadd.f32 v3, v2;
	_ =	sdelay $0x1  }
0x7d: {  	v2 =	vadd.f32 v62, v2;
	_ =	sdelay $0x1  }
0x7e: {  	s30 =	simm.s32 $0x10;
	s23 =	simm.s32 $0x80;
	v2 =	vadd.f32 v63, v2  }
0x7f: {  	s22 =	sand.u32 $0x70, s30;
	s31 =	sand.u32 $0x1C00, s23;
	s21 =	simm.s32 $0x11700  }
0x80: {  	s24 =	simm.s32 $0x20;
	s22 =	sor.u32 s22, s31;
	[tilespmem:s21+$0x0] =	vst v2  }
.LBB2_8:
0x81: {  	p0 =	sne.s32 s24, $0x270;
	v2 =	vld [tilespmem:s22+$0xEF80]  }
0x82: {  	v3 =	vld [tilespmem:s22+$0xEF00];
	_ =	sdelay $0x1  }
0x83: {  	v4 =	vld [tilespmem:s22+$0xF000];
	_ =	sdelay $0x1  }
0x84: {  	v5 =	vld [tilespmem:s22+$0xF080]  }
0x85: {  	v2 =	vadd.f32 v2, v3  }
0x86: {  	v3 =	vld [tilespmem:s22+$0xF100]  }
0x87: {  	v2 =	vadd.f32 v4, v2  }
0x88: {  	v4 =	vld [tilespmem:s22+$0xF180]  }
0x89: {  	v2 =	vadd.f32 v5, v2  }
0x8a: {  	v5 =	vld [tilespmem:s22+$0xF200]  }
0x8b: {  	v2 =	vadd.f32 v3, v2  }
0x8c: {  	v3 =	vld [tilespmem:s22+$0xF280]  }
0x8d: {  	v2 =	vadd.f32 v4, v2  }
0x8e: {  	v4 =	vld [tilespmem:s22+$0x10300]  }
0x8f: {  	v2 =	vadd.f32 v5, v2  }
0x90: {  	v5 =	vld [tilespmem:s22+$0x10380]  }
0x91: {  	v2 =	vadd.f32 v3, v2  }
0x92: {  	v3 =	vld [tilespmem:s22+$0x10400]  }
0x93: {  	v2 =	vadd.f32 v4, v2  }
0x94: {  	v4 =	vld [tilespmem:s22+$0x10480]  }
0x95: {  	v2 =	vadd.f32 v5, v2  }
0x96: {  	v5 =	vld [tilespmem:s22+$0x10500]  }
0x97: {  	v2 =	vadd.f32 v3, v2  }
0x98: {  	v3 =	vld [tilespmem:s22+$0x10580]  }
0x99: {  	v2 =	vadd.f32 v4, v2  }
0x9a: {  	v4 =	vld [tilespmem:s22+$0x10600]  }
0x9b: {  	v2 =	vadd.f32 v5, v2  }
0x9c: {  	v5 =	vld [tilespmem:s22+$0x10680]  }
0x9d: {  	v2 =	vadd.f32 v3, v2;
	_ =	sdelay $0x1  }
.Ltmp3:
0x9e: {  	v2 =	vadd.f32 v4, v2;
	(pc) =	sbr.rel @p0 .LBB2_8-.Ltmp3, $4  }
0x9f: {  	_ = 	snop  }
0xa0: {  	s23 =	sadd.s32 $0x80, s23;
	v2 =	vadd.f32 v5, v2  }
0xa1: {  	s21 =	sadd.s32 $0x10, s21;
	s25 =	sand.u32 $0x1C00, s23;
	s22 =	sand.u32 $0x70, s24  }
0xa2: {  	s24 =	sadd.s32 $0x10, s24;
	s22 =	sor.u32 s22, s25;
	[tilespmem:s21+$0x0] =	vst v2  }
0xa3: {  	v2 =	vld [tilespmem:s22+$0xEF80]  }
0xa4: {  	v3 =	vld [tilespmem:s22+$0xEF00];
	_ =	sdelay $0x1  }
0xa5: {  	v4 =	vld [tilespmem:s22+$0xF000];
	_ =	sdelay $0x1  }
0xa6: {  	v5 =	vld [tilespmem:s22+$0xF080]  }
0xa7: {  	v2 =	vadd.f32 v2, v3  }
0xa8: {  	v3 =	vld [tilespmem:s22+$0xF100]  }
0xa9: {  	v2 =	vadd.f32 v4, v2  }
0xaa: {  	v56 =	vld [tilespmem:s22+$0xF180]  }
0xab: {  	v2 =	vadd.f32 v5, v2  }
0xac: {  	v57 =	vld [tilespmem:s22+$0xF200]  }
0xad: {  	v2 =	vadd.f32 v3, v2  }
0xae: {  	v3 =	vld [tilespmem:s22+$0xF280]  }
0xaf: {  	v2 =	vadd.f32 v56, v2  }
0xb0: {  	v58 =	vld [tilespmem:s22+$0x10300]  }
0xb1: {  	v2 =	vadd.f32 v57, v2  }
0xb2: {  	v59 =	vld [tilespmem:s22+$0x10380]  }
0xb3: {  	v2 =	vadd.f32 v3, v2  }
0xb4: {  	v3 =	vld [tilespmem:s22+$0x10400]  }
0xb5: {  	v2 =	vadd.f32 v58, v2  }
0xb6: {  	v60 =	vld [tilespmem:s22+$0x10480]  }
0xb7: {  	v2 =	vadd.f32 v59, v2  }
0xb8: {  	v61 =	vld [tilespmem:s22+$0x10500]  }
0xb9: {  	v2 =	vadd.f32 v3, v2  }
0xba: {  	v3 =	vld [tilespmem:s22+$0x10580]  }
0xbb: {  	v2 =	vadd.f32 v60, v2  }
0xbc: {  	v62 =	vld [tilespmem:s22+$0x10600]  }
0xbd: {  	v2 =	vadd.f32 v61, v2  }
0xbe: {  	v63 =	vld [tilespmem:s22+$0x10680]  }
0xbf: {  	v2 =	vadd.f32 v3, v2;
	_ =	sdelay $0x1  }
0xc0: {  	v2 =	vadd.f32 v62, v2  }
0xc1: {  	s30 =	simm.s32 $0x0  }
0xc2: {  	s23 =	smul.u32 $0x50000, s30;
	v2 =	vadd.f32 v63, v2  }
0xc3: {  	s21 =	sadd.s32 $0x10, s21  }
0xc4: {  	s31 =	smul.u32 $0x5000, s30;
	s23 =	sshra.s32 s23, $0x2;
	[tilespmem:s21+$0x0] =	vst v2;
	s21 =	simm.s32 $0x0  }
0xc5: {  	[hbm4b:s8+s17] =	stream.strided.scatter [tilespmem:s20], [sflag:$0x1], $0x280, s19, s17, $0x38;
	[tilespmem:$0x11980] =	vst v63  }
0xc6: {  	s22 =	sshra.s32 s31, $0x2;
	s24 =	sand.u32 $0x380, s21;
	_ =	swait.ge [sflag:s13], $0x280  }
0xc7: {  	s23 =	sadd.s32 s23, s9;
	s22 =	sor.u32 s24, s22;
	[sflag:s13] =	ssyncset.done $0x0  }
0xc8: {  	s23 =	sadd.s32 s24, s23;
	s25 =	sadd.s32 $0xEF00, s22;
	[sflag:s13] =	ssyncadd.s32 $0xFFFFFD80  }
0xc9: {  	[tilespmem:s25], [sflag:$0x1] =	stream.linear.gather [spmem:s23], $0x80, $0x38;
	[tilespmem:$0x11980] =	vst v63  }
0xca: {  	s26 =	sadd.s32 $0x400, s23;
	s25 =	sadd.s32 $0xF300, s22  }
0xcb: {  	[tilespmem:s25], [sflag:$0x1] =	stream.linear.gather [spmem:s26], $0x80, $0x38;
	[tilespmem:$0x11980] =	vst v63  }
0xcc: {  	s28 =	sadd.s32 $0x800, s23;
	s29 =	sadd.s32 $0xF700, s22  }
0xcd: {  	[tilespmem:s29], [sflag:$0x1] =	stream.linear.gather [spmem:s28], $0x80, $0x38;
	[tilespmem:$0x11980] =	vst v63  }
0xce: {  	s24 =	simm.s32 $0x2;
	s30 =	sadd.s32 $0xC00, s23;
	s31 =	sadd.s32 $0xFB00, s22  }
0xcf: {  	[tilespmem:s31], [sflag:$0x1] =	stream.linear.gather [spmem:s30], $0x80, $0x38;
	[tilespmem:$0x11980] =	vst v63  }
0xd0: {  	s23 =	sadd.s32 $0x1000, s23;
	s22 =	sadd.s32 $0xFF00, s22;
	s25 =	simm.s32 $0x0  }
0xd1: {  	[tilespmem:s22], [sflag:$0x1] =	stream.linear.gather [spmem:s23], $0x80, $0x38;
	[tilespmem:$0x11980] =	vst v63  }
0xd2: {  	s23 =	smul.u32 $0x5000, s25;
	s22 =	simm.s32 $0x80;
	_ =	swait.ge [sflag:s13], $0x280  }
.LBB2_10:
0xd3: {  	s25 =	smul.u32 $0x50000, s25  }
0xd4: {  	[sflag:s13] =	ssyncset.done $0x0;
	s26 =	smov.u32 s24;
	s28 =	sadd.s32 $0x1, s24  }
0xd5: {  	s29 =	sand.u32 $0x380, s22;
	s23 =	sshra.s32 s23, $0x2;
	[sflag:s13] =	ssyncadd.s32 $0xFFFFFD80  }
0xd6: {  	p0 =	sne.s32 s24, $0xF;
	s23 =	sor.u32 s29, s23;
	s24 =	sshra.s32 s25, $0x2  }
0xd7: {  	s25 =	sadd.s32 $0xEF00, s23;
	s24 =	sadd.s32 s24, s9  }
0xd8: {  	s24 =	sadd.s32 s29, s24;
	s29 =	sadd.s32 $0xF300, s23  }
0xd9: {  	[tilespmem:s25], [sflag:$0x1] =	stream.linear.gather [spmem:s24], $0x80, $0x38;
	[tilespmem:$0x11980] =	vst v63  }
0xda: {  	s31 =	sadd.s32 $0xF700, s23;
	s25 =	sadd.s32 $0x400, s24;
	s30 =	sadd.s32 $0x800, s24  }
0xdb: {  	[tilespmem:s29], [sflag:$0x1] =	stream.linear.gather [spmem:s25], $0x80, $0x38;
	[tilespmem:$0x11980] =	vst v63  }
0xdc: {  	s25 =	sadd.s32 $0xC00, s24;
	s29 =	sadd.s32 $0xFB00, s23  }
0xdd: {  	[tilespmem:s31], [sflag:$0x1] =	stream.linear.gather [spmem:s30], $0x80, $0x38;
	[tilespmem:$0x11980] =	vst v63  }
.Ltmp4:
0xde: {  	s24 =	sadd.s32 $0x1000, s24;
	s23 =	sadd.s32 $0xFF00, s23;
	(pc) =	sbr.rel @p0 .LBB2_10-.Ltmp4, $4  }
0xdf: {  	[tilespmem:s29], [sflag:$0x1] =	stream.linear.gather [spmem:s25], $0x80, $0x38;
	[tilespmem:$0x11980] =	vst v63  }
0xe0: {  	s22 =	sadd.s32 $0x80, s22;
	s25 =	sshrl.u32 s26, $0x3  }
0xe1: {  	[tilespmem:s23], [sflag:$0x1] =	stream.linear.gather [spmem:s24], $0x80, $0x38;
	[tilespmem:$0x11980] =	vst v63  }
0xe2: {  	s23 =	smul.u32 $0x5000, s25;
	s24 =	smov.u32 s28;
	_ =	swait.ge [sflag:s13], $0x280  }
0xe3: {  	s24 =	smul.u32 $0x50000, s25;
	_ =	sdelay $0x1  }
0xe4: {  	s22 =	sand.u32 $0x380, s22;
	s23 =	sshra.s32 s23, $0x2;
	s24 =	sshra.s32 s24, $0x2  }
0xe5: {  	[sflag:s13] =	ssyncset.done $0x0;
	s23 =	sor.u32 s22, s23;
	s24 =	sadd.s32 s24, s9  }
0xe6: {  	[sflag:s13] =	ssyncadd.s32 $0xFFFFFD80;
	s26 =	sadd.s32 $0xEF00, s23;
	s22 =	sadd.s32 s22, s24  }
0xe7: {  	[tilespmem:s26], [sflag:$0x1] =	stream.linear.gather [spmem:s22], $0x80, $0x38;
	[tilespmem:$0x11980] =	vst v63  }
0xe8: {  	s28 =	sadd.s32 $0xF300, s23;
	s29 =	sadd.s32 $0x400, s22  }
0xe9: {  	[tilespmem:s28], [sflag:$0x1] =	stream.linear.gather [spmem:s29], $0x80, $0x38;
	[tilespmem:$0x11980] =	vst v63  }
0xea: {  	s31 =	sadd.s32 $0xF700, s23;
	s30 =	sadd.s32 $0x800, s22  }
0xeb: {  	[tilespmem:s31], [sflag:$0x1] =	stream.linear.gather [spmem:s30], $0x80, $0x38;
	[tilespmem:$0x11980] =	vst v63  }
0xec: {  	s25 =	sadd.s32 $0xC00, s22;
	s26 =	sadd.s32 $0xFB00, s23  }
0xed: {  	[tilespmem:s26], [sflag:$0x1] =	stream.linear.gather [spmem:s25], $0x80, $0x38;
	[tilespmem:$0x11980] =	vst v63  }
0xee: {  	s22 =	sadd.s32 $0x1000, s22;
	s23 =	sadd.s32 $0xFF00, s23  }
0xef: {  	[tilespmem:s23], [sflag:$0x1] =	stream.linear.gather [spmem:s22], $0x80, $0x38;
	[tilespmem:$0x11980] =	vst v63  }
0xf0: {  	_ =	swait.ge [sflag:s13], $0x280  }
0xf1: {  	s28 =	sand.u32 $0x70, s21;
	s29 =	sand.u32 $0x1C00, s21;
	[sflag:s13] =	ssyncset.done $0x0  }
0xf2: {  	s21 =	sor.u32 s28, s29;
	[sflag:s13] =	ssyncadd.s32 $0xFFFFFD80  }
0xf3: {  	v2 =	vld [tilespmem:s21+$0xEF80]  }
0xf4: {  	v3 =	vld [tilespmem:s21+$0xEF00];
	_ =	sdelay $0x1  }
0xf5: {  	v4 =	vld [tilespmem:s21+$0xF000];
	_ =	sdelay $0x1  }
0xf6: {  	v5 =	vld [tilespmem:s21+$0xF080]  }
0xf7: {  	v2 =	vadd.f32 v2, v3  }
0xf8: {  	v3 =	vld [tilespmem:s21+$0xF100]  }
0xf9: {  	v2 =	vadd.f32 v4, v2  }
0xfa: {  	v56 =	vld [tilespmem:s21+$0xF180]  }
0xfb: {  	v2 =	vadd.f32 v5, v2  }
0xfc: {  	v57 =	vld [tilespmem:s21+$0xF200]  }
0xfd: {  	v2 =	vadd.f32 v3, v2  }
0xfe: {  	v3 =	vld [tilespmem:s21+$0xF280]  }
0xff: {  	v2 =	vadd.f32 v56, v2  }
0x100: {  	v58 =	vld [tilespmem:s21+$0x10300]  }
0x101: {  	v2 =	vadd.f32 v57, v2  }
0x102: {  	v59 =	vld [tilespmem:s21+$0x10380]  }
0x103: {  	v2 =	vadd.f32 v3, v2  }
0x104: {  	v3 =	vld [tilespmem:s21+$0x10400]  }
0x105: {  	v2 =	vadd.f32 v58, v2  }
0x106: {  	v60 =	vld [tilespmem:s21+$0x10480]  }
0x107: {  	v2 =	vadd.f32 v59, v2  }
0x108: {  	v61 =	vld [tilespmem:s21+$0x10500]  }
0x109: {  	v2 =	vadd.f32 v3, v2  }
0x10a: {  	v3 =	vld [tilespmem:s21+$0x10580]  }
0x10b: {  	v2 =	vadd.f32 v60, v2  }
0x10c: {  	v62 =	vld [tilespmem:s21+$0x10600]  }
0x10d: {  	v2 =	vadd.f32 v61, v2  }
0x10e: {  	v63 =	vld [tilespmem:s21+$0x10680]  }
0x10f: {  	v2 =	vadd.f32 v3, v2;
	_ =	sdelay $0x1  }
0x110: {  	v2 =	vadd.f32 v62, v2;
	_ =	sdelay $0x1  }
0x111: {  	s30 =	simm.s32 $0x10;
	s23 =	simm.s32 $0x80;
	v2 =	vadd.f32 v63, v2  }
0x112: {  	s22 =	sand.u32 $0x70, s30;
	s31 =	sand.u32 $0x1C00, s23;
	s21 =	simm.s32 $0x11700  }
0x113: {  	s24 =	simm.s32 $0x20;
	s22 =	sor.u32 s22, s31;
	[tilespmem:s21+$0x0] =	vst v2  }
.LBB2_12:
0x114: {  	p0 =	sne.s32 s24, $0x270;
	v2 =	vld [tilespmem:s22+$0xEF80]  }
0x115: {  	v3 =	vld [tilespmem:s22+$0xEF00];
	_ =	sdelay $0x1  }
0x116: {  	v4 =	vld [tilespmem:s22+$0xF000];
	_ =	sdelay $0x1  }
0x117: {  	v5 =	vld [tilespmem:s22+$0xF080]  }
0x118: {  	v2 =	vadd.f32 v2, v3  }
0x119: {  	v3 =	vld [tilespmem:s22+$0xF100]  }
0x11a: {  	v2 =	vadd.f32 v4, v2  }
0x11b: {  	v4 =	vld [tilespmem:s22+$0xF180]  }
0x11c: {  	v2 =	vadd.f32 v5, v2  }
0x11d: {  	v5 =	vld [tilespmem:s22+$0xF200]  }
0x11e: {  	v2 =	vadd.f32 v3, v2  }
0x11f: {  	v3 =	vld [tilespmem:s22+$0xF280]  }
0x120: {  	v2 =	vadd.f32 v4, v2  }
0x121: {  	v4 =	vld [tilespmem:s22+$0x10300]  }
0x122: {  	v2 =	vadd.f32 v5, v2  }
0x123: {  	v5 =	vld [tilespmem:s22+$0x10380]  }
0x124: {  	v2 =	vadd.f32 v3, v2  }
0x125: {  	v3 =	vld [tilespmem:s22+$0x10400]  }
0x126: {  	v2 =	vadd.f32 v4, v2  }
0x127: {  	v4 =	vld [tilespmem:s22+$0x10480]  }
0x128: {  	v2 =	vadd.f32 v5, v2  }
0x129: {  	v5 =	vld [tilespmem:s22+$0x10500]  }
0x12a: {  	v2 =	vadd.f32 v3, v2  }
0x12b: {  	v3 =	vld [tilespmem:s22+$0x10580]  }
0x12c: {  	v2 =	vadd.f32 v4, v2  }
0x12d: {  	v4 =	vld [tilespmem:s22+$0x10600]  }
0x12e: {  	v2 =	vadd.f32 v5, v2  }
0x12f: {  	v5 =	vld [tilespmem:s22+$0x10680]  }
0x130: {  	v2 =	vadd.f32 v3, v2;
	_ =	sdelay $0x1  }
.Ltmp5:
0x131: {  	v2 =	vadd.f32 v4, v2;
	(pc) =	sbr.rel @p0 .LBB2_12-.Ltmp5, $4  }
0x132: {  	_ = 	snop  }
0x133: {  	s23 =	sadd.s32 $0x80, s23;
	v2 =	vadd.f32 v5, v2  }
0x134: {  	s21 =	sadd.s32 $0x10, s21;
	s25 =	sand.u32 $0x1C00, s23;
	s22 =	sand.u32 $0x70, s24  }
0x135: {  	s24 =	sadd.s32 $0x10, s24;
	s22 =	sor.u32 s22, s25;
	[tilespmem:s21+$0x0] =	vst v2  }
0x136: {  	v2 =	vld [tilespmem:s22+$0xEF80]  }
0x137: {  	v3 =	vld [tilespmem:s22+$0xEF00];
	_ =	sdelay $0x1  }
0x138: {  	v4 =	vld [tilespmem:s22+$0xF000];
	_ =	sdelay $0x1  }
0x139: {  	v5 =	vld [tilespmem:s22+$0xF080]  }
0x13a: {  	v2 =	vadd.f32 v2, v3  }
0x13b: {  	v3 =	vld [tilespmem:s22+$0xF100]  }
0x13c: {  	v2 =	vadd.f32 v4, v2  }
0x13d: {  	v56 =	vld [tilespmem:s22+$0xF180]  }
0x13e: {  	v2 =	vadd.f32 v5, v2  }
0x13f: {  	v57 =	vld [tilespmem:s22+$0xF200]  }
0x140: {  	v2 =	vadd.f32 v3, v2  }
0x141: {  	v3 =	vld [tilespmem:s22+$0xF280]  }
0x142: {  	v2 =	vadd.f32 v56, v2  }
0x143: {  	v58 =	vld [tilespmem:s22+$0x10300]  }
0x144: {  	v2 =	vadd.f32 v57, v2  }
0x145: {  	v59 =	vld [tilespmem:s22+$0x10380]  }
0x146: {  	v2 =	vadd.f32 v3, v2  }
0x147: {  	v3 =	vld [tilespmem:s22+$0x10400]  }
0x148: {  	v2 =	vadd.f32 v58, v2  }
0x149: {  	v60 =	vld [tilespmem:s22+$0x10480]  }
0x14a: {  	v2 =	vadd.f32 v59, v2  }
0x14b: {  	v61 =	vld [tilespmem:s22+$0x10500]  }
0x14c: {  	v2 =	vadd.f32 v3, v2  }
0x14d: {  	v3 =	vld [tilespmem:s22+$0x10580]  }
0x14e: {  	v2 =	vadd.f32 v60, v2  }
0x14f: {  	v62 =	vld [tilespmem:s22+$0x10600]  }
0x150: {  	v2 =	vadd.f32 v61, v2  }
0x151: {  	v63 =	vld [tilespmem:s22+$0x10680]  }
0x152: {  	v2 =	vadd.f32 v3, v2;
	_ =	sdelay $0x1  }
0x153: {  	v2 =	vadd.f32 v62, v2;
	_ =	sdelay $0x1  }
0x154: {  	s2 =	sadd.s32 $0x1, s2;
	v2 =	vadd.f32 v63, v2  }
0x155: {  	s21 =	sadd.s32 $0x10, s21;
	p0 =	sne.s32 s2, s11  }
.Ltmp6:
0x156: {  	[tilespmem:s21+$0x0] =	vst v2;
	(pc) =	sbr.rel @p0 .LBB2_1-.Ltmp6, $4  }
0x157: {  	[hbm4b:s10+s17] =	stream.strided.scatter [tilespmem:s20], [sflag:$0x1], $0x280, s19, s17, $0x38;
	[tilespmem:$0x11980] =	vst v63  }
0x158: {  	_ =	swait.ge [sflag:s13], $0x280  }
0x159: {  	[sflag:s13] =	ssyncset.done $0x0  }
0x15a: {  	[sflag:s13] =	ssyncadd.s32 $0xFFFFFD80  }
0x15b: {  	_ =	sfence.sel $0x180000  }
0x15c: {  	[bflag:$0x0] =	sbarrier.arrive $0xFFFF  }
0x15d: {  	p0 =	sne.s32 s1, $0x0;
	_ =	strace $0x90000047  }
0x15e: {  	s0 =	sadd.s32 @!p0 $0x100000, s0;
	[bflag:$0x2] =	sbarrier.arrive $0xFFFF  }
0x15f: {  	[sflag:s0] =	ssyncadd.tile.s32 @!p0 $0x1;
	_ =	shalt  }
.Lfunc_end2:
_tile_overlayer_lowered:
.L_overlay_start_2:
0x160: {  	(tag) =	ssettag $0x2  }
0x161: {  	s0 =	rddreg [dreg:$0x0];
	s2 =	stileid.u32  }
0x162: {  	s1 =	rddreg [dreg:$0x1];
	p0 =	sne.s32 s2, $0x0  }
0x163: {  	s3 =	rddreg [dreg:$0x2];
	[bflag:$0x3] =	sbarrier.arrive $0xFFFF;
	s2 =	simm.s32 @!p0 $0x1C01  }
0x164: {  	[timem:s3], [sflag:s2] =	dma.local @!p0 [hbm:s0], s1  }
0x165: {  	s0 =	simm.s32 @!p0 $0x1  }
0x166: {  	_ =	swait.ge @!p0 [sflag:s0], s1  }
0x167: {  	s1 =	ssub.s32 @!p0 $0x0, s1;
	[sflag:s0] =	ssyncset.done @!p0 $0x0  }
0x168: {  	[sflag:s0] =	ssyncadd.s32 @!p0 s1  }
0x169: {  	[bflag:$0x3] =	sbarrier.arrive $0xFFFF  }
0x16a: {  	_ =	shalt  }

</sc_bundles>
